<compile_context>
chip_gen: v7x
topology: tpu7x:2x2x1
jax: 0.10.2.dev20260603
libtpu: 0.0.44.dev20260713+nightly
codegen_flags: <defaults>
</compile_context>

<pallas_src>
import functools

import jax
import jax.numpy as jnp
from jax import lax
from jax.experimental import pallas as pl
from jax.experimental.pallas import tpu as pltpu
from jax.experimental.pallas import tpu_sc as plsc

B, L = 4, 8192
EMB_DIM = 1024

SC_WORKERS = 32
SC_ROWS_PER_W = L // SC_WORKERS
SC_CHUNK = 32
SC_NCHUNK = SC_ROWS_PER_W // SC_CHUNK


def _sc_bcast_body(table_hbm, out_hbm, buf, in_sem, out_sem):
    wid = lax.axis_index("s") * 2 + lax.axis_index("c")
    base = wid * SC_ROWS_PER_W

    def in_copy(c, s):
        return pltpu.make_async_copy(
            table_hbm.at[pl.ds(base + c * SC_CHUNK, SC_CHUNK), :],
            buf.at[s],
            in_sem.at[s],
        )

    def out_copy(c, s, b):
        return pltpu.make_async_copy(
            buf.at[s],
            out_hbm.at[pl.ds(b * L + base + c * SC_CHUNK, SC_CHUNK), :],
            out_sem.at[s, b],
        )

    in_copy(0, 0).start()
    for c in range(SC_NCHUNK):
        s = c % 2
        if c + 1 < SC_NCHUNK:
            if c >= 1:
                for b in range(B):
                    out_copy(c - 1, 1 - s, b).wait()
            in_copy(c + 1, 1 - s).start()
        in_copy(c, s).wait()
        for b in range(B):
            out_copy(c, s, b).start()
    for c in (SC_NCHUNK - 2, SC_NCHUNK - 1):
        for b in range(B):
            out_copy(c, c % 2, b).wait()


@functools.cache
def _sc_kernel():
    return pl.kernel(
        _sc_bcast_body,
        out_type=jax.ShapeDtypeStruct((B * L, EMB_DIM), jnp.float32),
        mesh=plsc.VectorSubcoreMesh(core_axis_name="c", subcore_axis_name="s"),
        scratch_types=[
            pltpu.VMEM((2, SC_CHUNK, EMB_DIM), jnp.float32),
            pltpu.SemaphoreType.DMA((2,)),
            pltpu.SemaphoreType.DMA((2, B)),
        ],
    )


def kernel(x, table):
    del x
    flat = _sc_kernel()(table)
    return flat.reshape(B, L, EMB_DIM)

# --- scband reference (transcript-rebuilt; emitter-appended) ---
"""Pipeline reference for scband-positional-embedding-76459007803983 (READ-ONLY COPY).

The authoritative reference and input builder live on the scoring server;
editing this copy changes nothing except your own understanding.
"""

import jax, jax.numpy as jnp
import numpy as np

B, L = 4, 8192
NUM_EMB, EMB_DIM = 8192, 1024

def setup_inputs(seed: int = 0) -> dict:
    key = jax.random.key(seed)
    k1, k2 = jax.random.split(key)
    x = jax.random.randint(k1, (B, L), 0, NUM_EMB, dtype=jnp.int64) if jax.config.jax_enable_x64 else jax.random.randint(k1, (B, L), 0, NUM_EMB, dtype=jnp.int32)
    table = jax.random.normal(k2, (NUM_EMB, EMB_DIM), dtype=jnp.float32)
    return {"x": x, "table": table}

def reference(x, table):
    # positional embedding: ids depend only on sequence position, not on x values
    position_ids = jnp.arange(x.shape[1], dtype=jnp.int32)
    position_ids = jnp.broadcast_to(position_ids[None, :], x.shape)
    position_embeddings = jnp.take(table, position_ids, axis=0)
    return position_embeddings

if __name__ == "__main__":
    import jax
    _d = setup_inputs()
    print(jax.jit(kernel)(*tuple(_d.values())))

</pallas_src>

<mosaic_0001>
#map = affine_map<(d0, d1) -> (0, 0)>
module attributes {stable_mosaic.version = 14 : i64} {
  func.func @_sc_bcast_body(%arg0: i32, %arg1: i32, %arg2: memref<8192x1024xf32, #tpu.memory_space<hbm>>, %arg3: memref<32768x1024xf32, #tpu.memory_space<hbm>>, %arg4: memref<2x32x1024xf32, #tpu.memory_space<vmem>>, %arg5: memref<2x!tpu.dma_semaphore, #tpu.memory_space<semaphore_mem>>, %arg6: memref<2x4x!tpu.dma_semaphore, #tpu.memory_space<semaphore_mem>>) attributes {dimension_semantics = [#tpu.dimension_semantics<core_parallel>, #tpu.dimension_semantics<subcore_parallel>], iteration_bounds = array<i64: 2, 16>, scalar_prefetch = 0 : i64, scratch_operands = 3 : i64, tpu.core_type = #tpu.core_type<sc_vector_subcore>, window_params = [{transform_indices = #map}, {transform_indices = #map}]} {
    %mul3A = arith.constant 2 : i32
    %mul3A_0 = arith.muli %arg1, %mul3A : i32
    %add3A = arith.addi %mul3A_0, %arg0 : i32
    %mul3A_1 = arith.constant 256 : i32
    %mul3A_2 = arith.muli %add3A, %mul3A_1 : i32
    %add3A_3 = arith.constant 0 : i32
    %add3A_4 = arith.addi %mul3A_2, %add3A_3 : i32
    %dma_start3A = arith.constant 0 : i32
    %dma_start3A_5 = arith.constant 0 : i32
    %dma_start3A_6 = arith.constant 0 : i32
    %dma_start3A_7 = arith.constant 0 : i32
    %dma_start3A_8 = tpu.memref_slice %arg4[%dma_start3A, %dma_start3A_6, %dma_start3A_7] : memref<2x32x1024xf32, #tpu.memory_space<vmem>> -> memref<1x32x1024xf32, #tpu.memory_space<vmem>>
    %dma_start3A_9 = tpu.memref_squeeze %dma_start3A_8 : memref<1x32x1024xf32, #tpu.memory_space<vmem>> -> memref<32x1024xf32, #tpu.memory_space<vmem>>
    %dma_start3A_10 = arith.constant 0 : i32
    %dma_start3A_11 = tpu.memref_slice %arg2[%add3A_4, %dma_start3A_10] : memref<8192x1024xf32, #tpu.memory_space<hbm>> -> memref<32x1024xf32, #tpu.memory_space<hbm>>
    %dma_start3A_12 = tpu.memref_slice %arg5[%dma_start3A_5] : memref<2x!tpu.dma_semaphore, #tpu.memory_space<semaphore_mem>> -> memref<1x!tpu.dma_semaphore, #tpu.memory_space<semaphore_mem>>
    %dma_start3A_13 = tpu.memref_squeeze %dma_start3A_12 : memref<1x!tpu.dma_semaphore, #tpu.memory_space<semaphore_mem>> -> memref<!tpu.dma_semaphore, #tpu.memory_space<semaphore_mem>>
    %dma_start3A_14 = arith.constant 0 : i32
    %dma_start3A_15 = arith.constant 0 : i32
    %dma_start3A_16 = tpu.memref_slice %arg4[%dma_start3A, %dma_start3A_14, %dma_start3A_15] : memref<2x32x1024xf32, #tpu.memory_space<vmem>> -> memref<1x32x1024xf32, #tpu.memory_space<vmem>>
    %dma_start3A_17 = tpu.memref_squeeze %dma_start3A_16 : memref<1x32x1024xf32, #tpu.memory_space<vmem>> -> memref<32x1024xf32, #tpu.memory_space<vmem>>
    %dma_start3A_18 = arith.constant 0 : i32
    %dma_start3A_19 = tpu.memref_slice %arg2[%add3A_4, %dma_start3A_18] : memref<8192x1024xf32, #tpu.memory_space<hbm>> -> memref<32x1024xf32, #tpu.memory_space<hbm>>
    tpu.enqueue_dma source(%dma_start3A_19 : memref<32x1024xf32, #tpu.memory_space<hbm>>) target(%dma_start3A_17 : memref<32x1024xf32, #tpu.memory_space<vmem>>) target_semaphore(%dma_start3A_13 : memref<!tpu.dma_semaphore, #tpu.memory_space<semaphore_mem>>)
    %add3A_20 = arith.constant 32 : i32
    %add3A_21 = arith.addi %mul3A_2, %add3A_20 : i32
    %dma_start3A_22 = arith.constant 1 : i32
    %dma_start3A_23 = arith.constant 1 : i32
    %dma_start3A_24 = arith.constant 0 : i32
    %dma_start3A_25 = arith.constant 0 : i32
    %dma_start3A_26 = tpu.memref_slice %arg4[%dma_start3A_22, %dma_start3A_24, %dma_start3A_25] : memref<2x32x1024xf32, #tpu.memory_space<vmem>> -> memref<1x32x1024xf32, #tpu.memory_space<vmem>>
    %dma_start3A_27 = tpu.memref_squeeze %dma_start3A_26 : memref<1x32x1024xf32, #tpu.memory_space<vmem>> -> memref<32x1024xf32, #tpu.memory_space<vmem>>
    %dma_start3A_28 = arith.constant 0 : i32
    %dma_start3A_29 = tpu.memref_slice %arg2[%add3A_21, %dma_start3A_28] : memref<8192x1024xf32, #tpu.memory_space<hbm>> -> memref<32x1024xf32, #tpu.memory_space<hbm>>
    %dma_start3A_30 = tpu.memref_slice %arg5[%dma_start3A_23] : memref<2x!tpu.dma_semaphore, #tpu.memory_space<semaphore_mem>> -> memref<1x!tpu.dma_semaphore, #tpu.memory_space<semaphore_mem>>
    %dma_start3A_31 = tpu.memref_squeeze %dma_start3A_30 : memref<1x!tpu.dma_semaphore, #tpu.memory_space<semaphore_mem>> -> memref<!tpu.dma_semaphore, #tpu.memory_space<semaphore_mem>>
    %dma_start3A_32 = arith.constant 0 : i32
    %dma_start3A_33 = arith.constant 0 : i32
    %dma_start3A_34 = tpu.memref_slice %arg4[%dma_start3A_22, %dma_start3A_32, %dma_start3A_33] : memref<2x32x1024xf32, #tpu.memory_space<vmem>> -> memref<1x32x1024xf32, #tpu.memory_space<vmem>>
    %dma_start3A_35 = tpu.memref_squeeze %dma_start3A_34 : memref<1x32x1024xf32, #tpu.memory_space<vmem>> -> memref<32x1024xf32, #tpu.memory_space<vmem>>
    %dma_start3A_36 = arith.constant 0 : i32
    %dma_start3A_37 = tpu.memref_slice %arg2[%add3A_21, %dma_start3A_36] : memref<8192x1024xf32, #tpu.memory_space<hbm>> -> memref<32x1024xf32, #tpu.memory_space<hbm>>
    tpu.enqueue_dma source(%dma_start3A_37 : memref<32x1024xf32, #tpu.memory_space<hbm>>) target(%dma_start3A_35 : memref<32x1024xf32, #tpu.memory_space<vmem>>) target_semaphore(%dma_start3A_31 : memref<!tpu.dma_semaphore, #tpu.memory_space<semaphore_mem>>)
    %add3A_38 = arith.constant 0 : i32
    %add3A_39 = arith.addi %mul3A_2, %add3A_38 : i32
    %dma_wait3A = arith.constant 0 : i32
    %dma_wait3A_40 = arith.constant 0 : i32
    %dma_wait3A_41 = arith.constant 0 : i32
    %dma_wait3A_42 = arith.constant 0 : i32
    %dma_wait3A_43 = tpu.memref_slice %arg4[%dma_wait3A, %dma_wait3A_41, %dma_wait3A_42] : memref<2x32x1024xf32, #tpu.memory_space<vmem>> -> memref<1x32x1024xf32, #tpu.memory_space<vmem>>
    %dma_wait3A_44 = tpu.memref_squeeze %dma_wait3A_43 : memref<1x32x1024xf32, #tpu.memory_space<vmem>> -> memref<32x1024xf32, #tpu.memory_space<vmem>>
    %dma_wait3A_45 = arith.constant 0 : i32
    %dma_wait3A_46 = tpu.memref_slice %arg2[%add3A_39, %dma_wait3A_45] : memref<8192x1024xf32, #tpu.memory_space<hbm>> -> memref<32x1024xf32, #tpu.memory_space<hbm>>
    %dma_wait3A_47 = tpu.memref_slice %arg5[%dma_wait3A_40] : memref<2x!tpu.dma_semaphore, #tpu.memory_space<semaphore_mem>> -> memref<1x!tpu.dma_semaphore, #tpu.memory_space<semaphore_mem>>
    %dma_wait3A_48 = tpu.memref_squeeze %dma_wait3A_47 : memref<1x!tpu.dma_semaphore, #tpu.memory_space<semaphore_mem>> -> memref<!tpu.dma_semaphore, #tpu.memory_space<semaphore_mem>>
    %dma_wait3A_49 = arith.constant 0 : i32
    %dma_wait3A_50 = arith.constant 0 : i32
    %dma_wait3A_51 = tpu.memref_slice %arg4[%dma_wait3A, %dma_wait3A_49, %dma_wait3A_50] : memref<2x32x1024xf32, #tpu.memory_space<vmem>> -> memref<1x32x1024xf32, #tpu.memory_space<vmem>>
    %dma_wait3A_52 = tpu.memref_squeeze %dma_wait3A_51 : memref<1x32x1024xf32, #tpu.memory_space<vmem>> -> memref<32x1024xf32, #tpu.memory_space<vmem>>
    %dma_wait3A_53 = arith.constant 0 : i32
    %dma_wait3A_54 = tpu.memref_slice %arg2[%add3A_39, %dma_wait3A_53] : memref<8192x1024xf32, #tpu.memory_space<hbm>> -> memref<32x1024xf32, #tpu.memory_space<hbm>>
    tpu.wait_dma2 semaphore(%dma_wait3A_48 : memref<!tpu.dma_semaphore, #tpu.memory_space<semaphore_mem>>) src(%dma_wait3A_54 : memref<32x1024xf32, #tpu.memory_space<hbm>>) dst(%dma_wait3A_52 : memref<32x1024xf32, #tpu.memory_space<vmem>>)
    %add3A_55 = arith.constant 0 : i32
    %add3A_56 = arith.addi %add3A_55, %mul3A_2 : i32
    %add3A_57 = arith.constant 0 : i32
    %add3A_58 = arith.addi %add3A_56, %add3A_57 : i32
    %dma_start3A_59 = arith.constant 0 : i32
    %dma_start3A_60 = arith.constant 0 : i32
    %dma_start3A_61 = arith.constant 0 : i32
    %dma_start3A_62 = arith.constant 0 : i32
    %dma_start3A_63 = arith.constant 0 : i32
    %dma_start3A_64 = tpu.memref_slice %arg4[%dma_start3A_59, %dma_start3A_62, %dma_start3A_63] : memref<2x32x1024xf32, #tpu.memory_space<vmem>> -> memref<1x32x1024xf32, #tpu.memory_space<vmem>>
    %dma_start3A_65 = tpu.memref_squeeze %dma_start3A_64 : memref<1x32x1024xf32, #tpu.memory_space<vmem>> -> memref<32x1024xf32, #tpu.memory_space<vmem>>
    %dma_start3A_66 = arith.constant 0 : i32
    %dma_start3A_67 = tpu.memref_slice %arg3[%add3A_58, %dma_start3A_66] : memref<32768x1024xf32, #tpu.memory_space<hbm>> -> memref<32x1024xf32, #tpu.memory_space<hbm>>
    %dma_start3A_68 = tpu.memref_slice %arg6[%dma_start3A_60, %dma_start3A_61] : memref<2x4x!tpu.dma_semaphore, #tpu.memory_space<semaphore_mem>> -> memref<1x1x!tpu.dma_semaphore, #tpu.memory_space<semaphore_mem>>
    %dma_start3A_69 = tpu.memref_squeeze %dma_start3A_68 : memref<1x1x!tpu.dma_semaphore, #tpu.memory_space<semaphore_mem>> -> memref<!tpu.dma_semaphore, #tpu.memory_space<semaphore_mem>>
    %dma_start3A_70 = arith.constant 0 : i32
    %dma_start3A_71 = tpu.memref_slice %arg3[%add3A_58, %dma_start3A_70] : memref<32768x1024xf32, #tpu.memory_space<hbm>> -> memref<32x1024xf32, #tpu.memory_space<hbm>>
    %dma_start3A_72 = arith.constant 0 : i32
    %dma_start3A_73 = arith.constant 0 : i32
    %dma_start3A_74 = tpu.memref_slice %arg4[%dma_start3A_59, %dma_start3A_72, %dma_start3A_73] : memref<2x32x1024xf32, #tpu.memory_space<vmem>> -> memref<1x32x1024xf32, #tpu.memory_space<vmem>>
    %dma_start3A_75 = tpu.memref_squeeze %dma_start3A_74 : memref<1x32x1024xf32, #tpu.memory_space<vmem>> -> memref<32x1024xf32, #tpu.memory_space<vmem>>
    tpu.enqueue_dma source(%dma_start3A_75 : memref<32x1024xf32, #tpu.memory_space<vmem>>) target(%dma_start3A_71 : memref<32x1024xf32, #tpu.memory_space<hbm>>) target_semaphore(%dma_start3A_69 : memref<!tpu.dma_semaphore, #tpu.memory_space<semaphore_mem>>)
    %add3A_76 = arith.constant 8192 : i32
    %add3A_77 = arith.addi %add3A_76, %mul3A_2 : i32
    %add3A_78 = arith.constant 0 : i32
    %add3A_79 = arith.addi %add3A_77, %add3A_78 : i32
    %dma_start3A_80 = arith.constant 0 : i32
    %dma_start3A_81 = arith.constant 0 : i32
    %dma_start3A_82 = arith.constant 1 : i32
    %dma_start3A_83 = arith.constant 0 : i32
    %dma_start3A_84 = arith.constant 0 : i32
    %dma_start3A_85 = tpu.memref_slice %arg4[%dma_start3A_80, %dma_start3A_83, %dma_start3A_84] : memref<2x32x1024xf32, #tpu.memory_space<vmem>> -> memref<1x32x1024xf32, #tpu.memory_space<vmem>>
    %dma_start3A_86 = tpu.memref_squeeze %dma_start3A_85 : memref<1x32x1024xf32, #tpu.memory_space<vmem>> -> memref<32x1024xf32, #tpu.memory_space<vmem>>
    %dma_start3A_87 = arith.constant 0 : i32
    %dma_start3A_88 = tpu.memref_slice %arg3[%add3A_79, %dma_start3A_87] : memref<32768x1024xf32, #tpu.memory_space<hbm>> -> memref<32x1024xf32, #tpu.memory_space<hbm>>
    %dma_start3A_89 = tpu.memref_slice %arg6[%dma_start3A_81, %dma_start3A_82] : memref<2x4x!tpu.dma_semaphore, #tpu.memory_space<semaphore_mem>> -> memref<1x1x!tpu.dma_semaphore, #tpu.memory_space<semaphore_mem>>
    %dma_start3A_90 = tpu.memref_squeeze %dma_start3A_89 : memref<1x1x!tpu.dma_semaphore, #tpu.memory_space<semaphore_mem>> -> memref<!tpu.dma_semaphore, #tpu.memory_space<semaphore_mem>>
    %dma_start3A_91 = arith.constant 0 : i32
    %dma_start3A_92 = tpu.memref_slice %arg3[%add3A_79, %dma_start3A_91] : memref<32768x1024xf32, #tpu.memory_space<hbm>> -> memref<32x1024xf32, #tpu.memory_space<hbm>>
    %dma_start3A_93 = arith.constant 0 : i32
    %dma_start3A_94 = arith.constant 0 : i32
    %dma_start3A_95 = tpu.memref_slice %arg4[%dma_start3A_80, %dma_start3A_93, %dma_start3A_94] : memref<2x32x1024xf32, #tpu.memory_space<vmem>> -> memref<1x32x1024xf32, #tpu.memory_space<vmem>>
    %dma_start3A_96 = tpu.memref_squeeze %dma_start3A_95 : memref<1x32x1024xf32, #tpu.memory_space<vmem>> -> memref<32x1024xf32, #tpu.memory_space<vmem>>
    tpu.enqueue_dma source(%dma_start3A_96 : memref<32x1024xf32, #tpu.memory_space<vmem>>) target(%dma_start3A_92 : memref<32x1024xf32, #tpu.memory_space<hbm>>) target_semaphore(%dma_start3A_90 : memref<!tpu.dma_semaphore, #tpu.memory_space<semaphore_mem>>)
    %add3A_97 = arith.constant 16384 : i32
    %add3A_98 = arith.addi %add3A_97, %mul3A_2 : i32
    %add3A_99 = arith.constant 0 : i32
    %add3A_100 = arith.addi %add3A_98, %add3A_99 : i32
    %dma_start3A_101 = arith.constant 0 : i32
    %dma_start3A_102 = arith.constant 0 : i32
    %dma_start3A_103 = arith.constant 2 : i32
    %dma_start3A_104 = arith.constant 0 : i32
    %dma_start3A_105 = arith.constant 0 : i32
    %dma_start3A_106 = tpu.memref_slice %arg4[%dma_start3A_101, %dma_start3A_104, %dma_start3A_105] : memref<2x32x1024xf32, #tpu.memory_space<vmem>> -> memref<1x32x1024xf32, #tpu.memory_space<vmem>>
    %dma_start3A_107 = tpu.memref_squeeze %dma_start3A_106 : memref<1x32x1024xf32, #tpu.memory_space<vmem>> -> memref<32x1024xf32, #tpu.memory_space<vmem>>
    %dma_start3A_108 = arith.constant 0 : i32
    %dma_start3A_109 = tpu.memref_slice %arg3[%add3A_100, %dma_start3A_108] : memref<32768x1024xf32, #tpu.memory_space<hbm>> -> memref<32x1024xf32, #tpu.memory_space<hbm>>
    %dma_start3A_110 = tpu.memref_slice %arg6[%dma_start3A_102, %dma_start3A_103] : memref<2x4x!tpu.dma_semaphore, #tpu.memory_space<semaphore_mem>> -> memref<1x1x!tpu.dma_semaphore, #tpu.memory_space<semaphore_mem>>
    %dma_start3A_111 = tpu.memref_squeeze %dma_start3A_110 : memref<1x1x!tpu.dma_semaphore, #tpu.memory_space<semaphore_mem>> -> memref<!tpu.dma_semaphore, #tpu.memory_space<semaphore_mem>>
    %dma_start3A_112 = arith.constant 0 : i32
    %dma_start3A_113 = tpu.memref_slice %arg3[%add3A_100, %dma_start3A_112] : memref<32768x1024xf32, #tpu.memory_space<hbm>> -> memref<32x1024xf32, #tpu.memory_space<hbm>>
    %dma_start3A_114 = arith.constant 0 : i32
    %dma_start3A_115 = arith.constant 0 : i32
    %dma_start3A_116 = tpu.memref_slice %arg4[%dma_start3A_101, %dma_start3A_114, %dma_start3A_115] : memref<2x32x1024xf32, #tpu.memory_space<vmem>> -> memref<1x32x1024xf32, #tpu.memory_space<vmem>>
    %dma_start3A_117 = tpu.memref_squeeze %dma_start3A_116 : memref<1x32x1024xf32, #tpu.memory_space<vmem>> -> memref<32x1024xf32, #tpu.memory_space<vmem>>
    tpu.enqueue_dma source(%dma_start3A_117 : memref<32x1024xf32, #tpu.memory_space<vmem>>) target(%dma_start3A_113 : memref<32x1024xf32, #tpu.memory_space<hbm>>) target_semaphore(%dma_start3A_111 : memref<!tpu.dma_semaphore, #tpu.memory_space<semaphore_mem>>)
    %add3A_118 = arith.constant 24576 : i32
    %add3A_119 = arith.addi %add3A_118, %mul3A_2 : i32
    %add3A_120 = arith.constant 0 : i32
    %add3A_121 = arith.addi %add3A_119, %add3A_120 : i32
    %dma_start3A_122 = arith.constant 0 : i32
    %dma_start3A_123 = arith.constant 0 : i32
    %dma_start3A_124 = arith.constant 3 : i32
    %dma_start3A_125 = arith.constant 0 : i32
    %dma_start3A_126 = arith.constant 0 : i32
    %dma_start3A_127 = tpu.memref_slice %arg4[%dma_start3A_122, %dma_start3A_125, %dma_start3A_126] : memref<2x32x1024xf32, #tpu.memory_space<vmem>> -> memref<1x32x1024xf32, #tpu.memory_space<vmem>>
    %dma_start3A_128 = tpu.memref_squeeze %dma_start3A_127 : memref<1x32x1024xf32, #tpu.memory_space<vmem>> -> memref<32x1024xf32, #tpu.memory_space<vmem>>
    %dma_start3A_129 = arith.constant 0 : i32
    %dma_start3A_130 = tpu.memref_slice %arg3[%add3A_121, %dma_start3A_129] : memref<32768x1024xf32, #tpu.memory_space<hbm>> -> memref<32x1024xf32, #tpu.memory_space<hbm>>
    %dma_start3A_131 = tpu.memref_slice %arg6[%dma_start3A_123, %dma_start3A_124] : memref<2x4x!tpu.dma_semaphore, #tpu.memory_space<semaphore_mem>> -> memref<1x1x!tpu.dma_semaphore, #tpu.memory_space<semaphore_mem>>
    %dma_start3A_132 = tpu.memref_squeeze %dma_start3A_131 : memref<1x1x!tpu.dma_semaphore, #tpu.memory_space<semaphore_mem>> -> memref<!tpu.dma_semaphore, #tpu.memory_space<semaphore_mem>>
    %dma_start3A_133 = arith.constant 0 : i32
    %dma_start3A_134 = tpu.memref_slice %arg3[%add3A_121, %dma_start3A_133] : memref<32768x1024xf32, #tpu.memory_space<hbm>> -> memref<32x1024xf32, #tpu.memory_space<hbm>>
    %dma_start3A_135 = arith.constant 0 : i32
    %dma_start3A_136 = arith.constant 0 : i32
    %dma_start3A_137 = tpu.memref_slice %arg4[%dma_start3A_122, %dma_start3A_135, %dma_start3A_136] : memref<2x32x1024xf32, #tpu.memory_space<vmem>> -> memref<1x32x1024xf32, #tpu.memory_space<vmem>>
    %dma_start3A_138 = tpu.memref_squeeze %dma_start3A_137 : memref<1x32x1024xf32, #tpu.memory_space<vmem>> -> memref<32x1024xf32, #tpu.memory_space<vmem>>
    tpu.enqueue_dma source(%dma_start3A_138 : memref<32x1024xf32, #tpu.memory_space<vmem>>) target(%dma_start3A_134 : memref<32x1024xf32, #tpu.memory_space<hbm>>) target_semaphore(%dma_start3A_132 : memref<!tpu.dma_semaphore, #tpu.memory_space<semaphore_mem>>)
    %add3A_139 = arith.constant 0 : i32
    %add3A_140 = arith.addi %add3A_139, %mul3A_2 : i32
    %add3A_141 = arith.constant 0 : i32
    %add3A_142 = arith.addi %add3A_140, %add3A_141 : i32
    %dma_wait3A_143 = arith.constant 0 : i32
    %dma_wait3A_144 = arith.constant 0 : i32
    %dma_wait3A_145 = arith.constant 0 : i32
    %dma_wait3A_146 = arith.constant 0 : i32
    %dma_wait3A_147 = arith.constant 0 : i32
    %dma_wait3A_148 = tpu.memref_slice %arg4[%dma_wait3A_143, %dma_wait3A_146, %dma_wait3A_147] : memref<2x32x1024xf32, #tpu.memory_space<vmem>> -> memref<1x32x1024xf32, #tpu.memory_space<vmem>>
    %dma_wait3A_149 = tpu.memref_squeeze %dma_wait3A_148 : memref<1x32x1024xf32, #tpu.memory_space<vmem>> -> memref<32x1024xf32, #tpu.memory_space<vmem>>
    %dma_wait3A_150 = arith.constant 0 : i32
    %dma_wait3A_151 = tpu.memref_slice %arg3[%add3A_142, %dma_wait3A_150] : memref<32768x1024xf32, #tpu.memory_space<hbm>> -> memref<32x1024xf32, #tpu.memory_space<hbm>>
    %dma_wait3A_152 = tpu.memref_slice %arg6[%dma_wait3A_144, %dma_wait3A_145] : memref<2x4x!tpu.dma_semaphore, #tpu.memory_space<semaphore_mem>> -> memref<1x1x!tpu.dma_semaphore, #tpu.memory_space<semaphore_mem>>
    %dma_wait3A_153 = tpu.memref_squeeze %dma_wait3A_152 : memref<1x1x!tpu.dma_semaphore, #tpu.memory_space<semaphore_mem>> -> memref<!tpu.dma_semaphore, #tpu.memory_space<semaphore_mem>>
    %dma_wait3A_154 = arith.constant 0 : i32
    %dma_wait3A_155 = tpu.memref_slice %arg3[%add3A_142, %dma_wait3A_154] : memref<32768x1024xf32, #tpu.memory_space<hbm>> -> memref<32x1024xf32, #tpu.memory_space<hbm>>
    %dma_wait3A_156 = arith.constant 0 : i32
    %dma_wait3A_157 = arith.constant 0 : i32
    %dma_wait3A_158 = tpu.memref_slice %arg4[%dma_wait3A_143, %dma_wait3A_156, %dma_wait3A_157] : memref<2x32x1024xf32, #tpu.memory_space<vmem>> -> memref<1x32x1024xf32, #tpu.memory_space<vmem>>
    %dma_wait3A_159 = tpu.memref_squeeze %dma_wait3A_158 : memref<1x32x1024xf32, #tpu.memory_space<vmem>> -> memref<32x1024xf32, #tpu.memory_space<vmem>>
    tpu.wait_dma2 semaphore(%dma_wait3A_153 : memref<!tpu.dma_semaphore, #tpu.memory_space<semaphore_mem>>) src(%dma_wait3A_159 : memref<32x1024xf32, #tpu.memory_space<vmem>>) dst(%dma_wait3A_155 : memref<32x1024xf32, #tpu.memory_space<hbm>>)
    %add3A_160 = arith.constant 8192 : i32
    %add3A_161 = arith.addi %add3A_160, %mul3A_2 : i32
    %add3A_162 = arith.constant 0 : i32
    %add3A_163 = arith.addi %add3A_161, %add3A_162 : i32
    %dma_wait3A_164 = arith.constant 0 : i32
    %dma_wait3A_165 = arith.constant 0 : i32
    %dma_wait3A_166 = arith.constant 1 : i32
    %dma_wait3A_167 = arith.constant 0 : i32
    %dma_wait3A_168 = arith.constant 0 : i32
    %dma_wait3A_169 = tpu.memref_slice %arg4[%dma_wait3A_164, %dma_wait3A_167, %dma_wait3A_168] : memref<2x32x1024xf32, #tpu.memory_space<vmem>> -> memref<1x32x1024xf32, #tpu.memory_space<vmem>>
    %dma_wait3A_170 = tpu.memref_squeeze %dma_wait3A_169 : memref<1x32x1024xf32, #tpu.memory_space<vmem>> -> memref<32x1024xf32, #tpu.memory_space<vmem>>
    %dma_wait3A_171 = arith.constant 0 : i32
    %dma_wait3A_172 = tpu.memref_slice %arg3[%add3A_163, %dma_wait3A_171] : memref<32768x1024xf32, #tpu.memory_space<hbm>> -> memref<32x1024xf32, #tpu.memory_space<hbm>>
    %dma_wait3A_173 = tpu.memref_slice %arg6[%dma_wait3A_165, %dma_wait3A_166] : memref<2x4x!tpu.dma_semaphore, #tpu.memory_space<semaphore_mem>> -> memref<1x1x!tpu.dma_semaphore, #tpu.memory_space<semaphore_mem>>
    %dma_wait3A_174 = tpu.memref_squeeze %dma_wait3A_173 : memref<1x1x!tpu.dma_semaphore, #tpu.memory_space<semaphore_mem>> -> memref<!tpu.dma_semaphore, #tpu.memory_space<semaphore_mem>>
    %dma_wait3A_175 = arith.constant 0 : i32
    %dma_wait3A_176 = tpu.memref_slice %arg3[%add3A_163, %dma_wait3A_175] : memref<32768x1024xf32, #tpu.memory_space<hbm>> -> memref<32x1024xf32, #tpu.memory_space<hbm>>
    %dma_wait3A_177 = arith.constant 0 : i32
    %dma_wait3A_178 = arith.constant 0 : i32
    %dma_wait3A_179 = tpu.memref_slice %arg4[%dma_wait3A_164, %dma_wait3A_177, %dma_wait3A_178] : memref<2x32x1024xf32, #tpu.memory_space<vmem>> -> memref<1x32x1024xf32, #tpu.memory_space<vmem>>
    %dma_wait3A_180 = tpu.memref_squeeze %dma_wait3A_179 : memref<1x32x1024xf32, #tpu.memory_space<vmem>> -> memref<32x1024xf32, #tpu.memory_space<vmem>>
    tpu.wait_dma2 semaphore(%dma_wait3A_174 : memref<!tpu.dma_semaphore, #tpu.memory_space<semaphore_mem>>) src(%dma_wait3A_180 : memref<32x1024xf32, #tpu.memory_space<vmem>>) dst(%dma_wait3A_176 : memref<32x1024xf32, #tpu.memory_space<hbm>>)
    %add3A_181 = arith.constant 16384 : i32
    %add3A_182 = arith.addi %add3A_181, %mul3A_2 : i32
    %add3A_183 = arith.constant 0 : i32
    %add3A_184 = arith.addi %add3A_182, %add3A_183 : i32
    %dma_wait3A_185 = arith.constant 0 : i32
    %dma_wait3A_186 = arith.constant 0 : i32
    %dma_wait3A_187 = arith.constant 2 : i32
    %dma_wait3A_188 = arith.constant 0 : i32
    %dma_wait3A_189 = arith.constant 0 : i32
    %dma_wait3A_190 = tpu.memref_slice %arg4[%dma_wait3A_185, %dma_wait3A_188, %dma_wait3A_189] : memref<2x32x1024xf32, #tpu.memory_space<vmem>> -> memref<1x32x1024xf32, #tpu.memory_space<vmem>>
    %dma_wait3A_191 = tpu.memref_squeeze %dma_wait3A_190 : memref<1x32x1024xf32, #tpu.memory_space<vmem>> -> memref<32x1024xf32, #tpu.memory_space<vmem>>
    %dma_wait3A_192 = arith.constant 0 : i32
    %dma_wait3A_193 = tpu.memref_slice %arg3[%add3A_184, %dma_wait3A_192] : memref<32768x1024xf32, #tpu.memory_space<hbm>> -> memref<32x1024xf32, #tpu.memory_space<hbm>>
    %dma_wait3A_194 = tpu.memref_slice %arg6[%dma_wait3A_186, %dma_wait3A_187] : memref<2x4x!tpu.dma_semaphore, #tpu.memory_space<semaphore_mem>> -> memref<1x1x!tpu.dma_semaphore, #tpu.memory_space<semaphore_mem>>
    %dma_wait3A_195 = tpu.memref_squeeze %dma_wait3A_194 : memref<1x1x!tpu.dma_semaphore, #tpu.memory_space<semaphore_mem>> -> memref<!tpu.dma_semaphore, #tpu.memory_space<semaphore_mem>>
    %dma_wait3A_196 = arith.constant 0 : i32
    %dma_wait3A_197 = tpu.memref_slice %arg3[%add3A_184, %dma_wait3A_196] : memref<32768x1024xf32, #tpu.memory_space<hbm>> -> memref<32x1024xf32, #tpu.memory_space<hbm>>
    %dma_wait3A_198 = arith.constant 0 : i32
    %dma_wait3A_199 = arith.constant 0 : i32
    %dma_wait3A_200 = tpu.memref_slice %arg4[%dma_wait3A_185, %dma_wait3A_198, %dma_wait3A_199] : memref<2x32x1024xf32, #tpu.memory_space<vmem>> -> memref<1x32x1024xf32, #tpu.memory_space<vmem>>
    %dma_wait3A_201 = tpu.memref_squeeze %dma_wait3A_200 : memref<1x32x1024xf32, #tpu.memory_space<vmem>> -> memref<32x1024xf32, #tpu.memory_space<vmem>>
    tpu.wait_dma2 semaphore(%dma_wait3A_195 : memref<!tpu.dma_semaphore, #tpu.memory_space<semaphore_mem>>) src(%dma_wait3A_201 : memref<32x1024xf32, #tpu.memory_space<vmem>>) dst(%dma_wait3A_197 : memref<32x1024xf32, #tpu.memory_space<hbm>>)
    %add3A_202 = arith.constant 24576 : i32
    %add3A_203 = arith.addi %add3A_202, %mul3A_2 : i32
    %add3A_204 = arith.constant 0 : i32
    %add3A_205 = arith.addi %add3A_203, %add3A_204 : i32
    %dma_wait3A_206 = arith.constant 0 : i32
    %dma_wait3A_207 = arith.constant 0 : i32
    %dma_wait3A_208 = arith.constant 3 : i32
    %dma_wait3A_209 = arith.constant 0 : i32
    %dma_wait3A_210 = arith.constant 0 : i32
    %dma_wait3A_211 = tpu.memref_slice %arg4[%dma_wait3A_206, %dma_wait3A_209, %dma_wait3A_210] : memref<2x32x1024xf32, #tpu.memory_space<vmem>> -> memref<1x32x1024xf32, #tpu.memory_space<vmem>>
    %dma_wait3A_212 = tpu.memref_squeeze %dma_wait3A_211 : memref<1x32x1024xf32, #tpu.memory_space<vmem>> -> memref<32x1024xf32, #tpu.memory_space<vmem>>
    %dma_wait3A_213 = arith.constant 0 : i32
    %dma_wait3A_214 = tpu.memref_slice %arg3[%add3A_205, %dma_wait3A_213] : memref<32768x1024xf32, #tpu.memory_space<hbm>> -> memref<32x1024xf32, #tpu.memory_space<hbm>>
    %dma_wait3A_215 = tpu.memref_slice %arg6[%dma_wait3A_207, %dma_wait3A_208] : memref<2x4x!tpu.dma_semaphore, #tpu.memory_space<semaphore_mem>> -> memref<1x1x!tpu.dma_semaphore, #tpu.memory_space<semaphore_mem>>
    %dma_wait3A_216 = tpu.memref_squeeze %dma_wait3A_215 : memref<1x1x!tpu.dma_semaphore, #tpu.memory_space<semaphore_mem>> -> memref<!tpu.dma_semaphore, #tpu.memory_space<semaphore_mem>>
    %dma_wait3A_217 = arith.constant 0 : i32
    %dma_wait3A_218 = tpu.memref_slice %arg3[%add3A_205, %dma_wait3A_217] : memref<32768x1024xf32, #tpu.memory_space<hbm>> -> memref<32x1024xf32, #tpu.memory_space<hbm>>
    %dma_wait3A_219 = arith.constant 0 : i32
    %dma_wait3A_220 = arith.constant 0 : i32
    %dma_wait3A_221 = tpu.memref_slice %arg4[%dma_wait3A_206, %dma_wait3A_219, %dma_wait3A_220] : memref<2x32x1024xf32, #tpu.memory_space<vmem>> -> memref<1x32x1024xf32, #tpu.memory_space<vmem>>
    %dma_wait3A_222 = tpu.memref_squeeze %dma_wait3A_221 : memref<1x32x1024xf32, #tpu.memory_space<vmem>> -> memref<32x1024xf32, #tpu.memory_space<vmem>>
    tpu.wait_dma2 semaphore(%dma_wait3A_216 : memref<!tpu.dma_semaphore, #tpu.memory_space<semaphore_mem>>) src(%dma_wait3A_222 : memref<32x1024xf32, #tpu.memory_space<vmem>>) dst(%dma_wait3A_218 : memref<32x1024xf32, #tpu.memory_space<hbm>>)
    %add3A_223 = arith.constant 64 : i32
    %add3A_224 = arith.addi %mul3A_2, %add3A_223 : i32
    %dma_start3A_225 = arith.constant 0 : i32
    %dma_start3A_226 = arith.constant 0 : i32
    %dma_start3A_227 = arith.constant 0 : i32
    %dma_start3A_228 = arith.constant 0 : i32
    %dma_start3A_229 = tpu.memref_slice %arg4[%dma_start3A_225, %dma_start3A_227, %dma_start3A_228] : memref<2x32x1024xf32, #tpu.memory_space<vmem>> -> memref<1x32x1024xf32, #tpu.memory_space<vmem>>
    %dma_start3A_230 = tpu.memref_squeeze %dma_start3A_229 : memref<1x32x1024xf32, #tpu.memory_space<vmem>> -> memref<32x1024xf32, #tpu.memory_space<vmem>>
    %dma_start3A_231 = arith.constant 0 : i32
    %dma_start3A_232 = tpu.memref_slice %arg2[%add3A_224, %dma_start3A_231] : memref<8192x1024xf32, #tpu.memory_space<hbm>> -> memref<32x1024xf32, #tpu.memory_space<hbm>>
    %dma_start3A_233 = tpu.memref_slice %arg5[%dma_start3A_226] : memref<2x!tpu.dma_semaphore, #tpu.memory_space<semaphore_mem>> -> memref<1x!tpu.dma_semaphore, #tpu.memory_space<semaphore_mem>>
    %dma_start3A_234 = tpu.memref_squeeze %dma_start3A_233 : memref<1x!tpu.dma_semaphore, #tpu.memory_space<semaphore_mem>> -> memref<!tpu.dma_semaphore, #tpu.memory_space<semaphore_mem>>
    %dma_start3A_235 = arith.constant 0 : i32
    %dma_start3A_236 = arith.constant 0 : i32
    %dma_start3A_237 = tpu.memref_slice %arg4[%dma_start3A_225, %dma_start3A_235, %dma_start3A_236] : memref<2x32x1024xf32, #tpu.memory_space<vmem>> -> memref<1x32x1024xf32, #tpu.memory_space<vmem>>
    %dma_start3A_238 = tpu.memref_squeeze %dma_start3A_237 : memref<1x32x1024xf32, #tpu.memory_space<vmem>> -> memref<32x1024xf32, #tpu.memory_space<vmem>>
    %dma_start3A_239 = arith.constant 0 : i32
    %dma_start3A_240 = tpu.memref_slice %arg2[%add3A_224, %dma_start3A_239] : memref<8192x1024xf32, #tpu.memory_space<hbm>> -> memref<32x1024xf32, #tpu.memory_space<hbm>>
    tpu.enqueue_dma source(%dma_start3A_240 : memref<32x1024xf32, #tpu.memory_space<hbm>>) target(%dma_start3A_238 : memref<32x1024xf32, #tpu.memory_space<vmem>>) target_semaphore(%dma_start3A_234 : memref<!tpu.dma_semaphore, #tpu.memory_space<semaphore_mem>>)
    %add3A_241 = arith.constant 32 : i32
    %add3A_242 = arith.addi %mul3A_2, %add3A_241 : i32
    %dma_wait3A_243 = arith.constant 1 : i32
    %dma_wait3A_244 = arith.constant 1 : i32
    %dma_wait3A_245 = arith.constant 0 : i32
    %dma_wait3A_246 = arith.constant 0 : i32
    %dma_wait3A_247 = tpu.memref_slice %arg4[%dma_wait3A_243, %dma_wait3A_245, %dma_wait3A_246] : memref<2x32x1024xf32, #tpu.memory_space<vmem>> -> memref<1x32x1024xf32, #tpu.memory_space<vmem>>
    %dma_wait3A_248 = tpu.memref_squeeze %dma_wait3A_247 : memref<1x32x1024xf32, #tpu.memory_space<vmem>> -> memref<32x1024xf32, #tpu.memory_space<vmem>>
    %dma_wait3A_249 = arith.constant 0 : i32
    %dma_wait3A_250 = tpu.memref_slice %arg2[%add3A_242, %dma_wait3A_249] : memref<8192x1024xf32, #tpu.memory_space<hbm>> -> memref<32x1024xf32, #tpu.memory_space<hbm>>
    %dma_wait3A_251 = tpu.memref_slice %arg5[%dma_wait3A_244] : memref<2x!tpu.dma_semaphore, #tpu.memory_space<semaphore_mem>> -> memref<1x!tpu.dma_semaphore, #tpu.memory_space<semaphore_mem>>
    %dma_wait3A_252 = tpu.memref_squeeze %dma_wait3A_251 : memref<1x!tpu.dma_semaphore, #tpu.memory_space<semaphore_mem>> -> memref<!tpu.dma_semaphore, #tpu.memory_space<semaphore_mem>>
    %dma_wait3A_253 = arith.constant 0 : i32
    %dma_wait3A_254 = arith.constant 0 : i32
    %dma_wait3A_255 = tpu.memref_slice %arg4[%dma_wait3A_243, %dma_wait3A_253, %dma_wait3A_254] : memref<2x32x1024xf32, #tpu.memory_space<vmem>> -> memref<1x32x1024xf32, #tpu.memory_space<vmem>>
    %dma_wait3A_256 = tpu.memref_squeeze %dma_wait3A_255 : memref<1x32x1024xf32, #tpu.memory_space<vmem>> -> memref<32x1024xf32, #tpu.memory_space<vmem>>
    %dma_wait3A_257 = arith.constant 0 : i32
    %dma_wait3A_258 = tpu.memref_slice %arg2[%add3A_242, %dma_wait3A_257] : memref<8192x1024xf32, #tpu.memory_space<hbm>> -> memref<32x1024xf32, #tpu.memory_space<hbm>>
    tpu.wait_dma2 semaphore(%dma_wait3A_252 : memref<!tpu.dma_semaphore, #tpu.memory_space<semaphore_mem>>) src(%dma_wait3A_258 : memref<32x1024xf32, #tpu.memory_space<hbm>>) dst(%dma_wait3A_256 : memref<32x1024xf32, #tpu.memory_space<vmem>>)
    %add3A_259 = arith.constant 0 : i32
    %add3A_260 = arith.addi %add3A_259, %mul3A_2 : i32
    %add3A_261 = arith.constant 32 : i32
    %add3A_262 = arith.addi %add3A_260, %add3A_261 : i32
    %dma_start3A_263 = arith.constant 1 : i32
    %dma_start3A_264 = arith.constant 1 : i32
    %dma_start3A_265 = arith.constant 0 : i32
    %dma_start3A_266 = arith.constant 0 : i32
    %dma_start3A_267 = arith.constant 0 : i32
    %dma_start3A_268 = tpu.memref_slice %arg4[%dma_start3A_263, %dma_start3A_266, %dma_start3A_267] : memref<2x32x1024xf32, #tpu.memory_space<vmem>> -> memref<1x32x1024xf32, #tpu.memory_space<vmem>>
    %dma_start3A_269 = tpu.memref_squeeze %dma_start3A_268 : memref<1x32x1024xf32, #tpu.memory_space<vmem>> -> memref<32x1024xf32, #tpu.memory_space<vmem>>
    %dma_start3A_270 = arith.constant 0 : i32
    %dma_start3A_271 = tpu.memref_slice %arg3[%add3A_262, %dma_start3A_270] : memref<32768x1024xf32, #tpu.memory_space<hbm>> -> memref<32x1024xf32, #tpu.memory_space<hbm>>
    %dma_start3A_272 = tpu.memref_slice %arg6[%dma_start3A_264, %dma_start3A_265] : memref<2x4x!tpu.dma_semaphore, #tpu.memory_space<semaphore_mem>> -> memref<1x1x!tpu.dma_semaphore, #tpu.memory_space<semaphore_mem>>
    %dma_start3A_273 = tpu.memref_squeeze %dma_start3A_272 : memref<1x1x!tpu.dma_semaphore, #tpu.memory_space<semaphore_mem>> -> memref<!tpu.dma_semaphore, #tpu.memory_space<semaphore_mem>>
    %dma_start3A_274 = arith.constant 0 : i32
    %dma_start3A_275 = tpu.memref_slice %arg3[%add3A_262, %dma_start3A_274] : memref<32768x1024xf32, #tpu.memory_space<hbm>> -> memref<32x1024xf32, #tpu.memory_space<hbm>>
    %dma_start3A_276 = arith.constant 0 : i32
    %dma_start3A_277 = arith.constant 0 : i32
    %dma_start3A_278 = tpu.memref_slice %arg4[%dma_start3A_263, %dma_start3A_276, %dma_start3A_277] : memref<2x32x1024xf32, #tpu.memory_space<vmem>> -> memref<1x32x1024xf32, #tpu.memory_space<vmem>>
    %dma_start3A_279 = tpu.memref_squeeze %dma_start3A_278 : memref<1x32x1024xf32, #tpu.memory_space<vmem>> -> memref<32x1024xf32, #tpu.memory_space<vmem>>
    tpu.enqueue_dma source(%dma_start3A_279 : memref<32x1024xf32, #tpu.memory_space<vmem>>) target(%dma_start3A_275 : memref<32x1024xf32, #tpu.memory_space<hbm>>) target_semaphore(%dma_start3A_273 : memref<!tpu.dma_semaphore, #tpu.memory_space<semaphore_mem>>)
    %add3A_280 = arith.constant 8192 : i32
    %add3A_281 = arith.addi %add3A_280, %mul3A_2 : i32
    %add3A_282 = arith.constant 32 : i32
    %add3A_283 = arith.addi %add3A_281, %add3A_282 : i32
    %dma_start3A_284 = arith.constant 1 : i32
    %dma_start3A_285 = arith.constant 1 : i32
    %dma_start3A_286 = arith.constant 1 : i32
    %dma_start3A_287 = arith.constant 0 : i32
    %dma_start3A_288 = arith.constant 0 : i32
    %dma_start3A_289 = tpu.memref_slice %arg4[%dma_start3A_284, %dma_start3A_287, %dma_start3A_288] : memref<2x32x1024xf32, #tpu.memory_space<vmem>> -> memref<1x32x1024xf32, #tpu.memory_space<vmem>>
    %dma_start3A_290 = tpu.memref_squeeze %dma_start3A_289 : memref<1x32x1024xf32, #tpu.memory_space<vmem>> -> memref<32x1024xf32, #tpu.memory_space<vmem>>
    %dma_start3A_291 = arith.constant 0 : i32
    %dma_start3A_292 = tpu.memref_slice %arg3[%add3A_283, %dma_start3A_291] : memref<32768x1024xf32, #tpu.memory_space<hbm>> -> memref<32x1024xf32, #tpu.memory_space<hbm>>
    %dma_start3A_293 = tpu.memref_slice %arg6[%dma_start3A_285, %dma_start3A_286] : memref<2x4x!tpu.dma_semaphore, #tpu.memory_space<semaphore_mem>> -> memref<1x1x!tpu.dma_semaphore, #tpu.memory_space<semaphore_mem>>
    %dma_start3A_294 = tpu.memref_squeeze %dma_start3A_293 : memref<1x1x!tpu.dma_semaphore, #tpu.memory_space<semaphore_mem>> -> memref<!tpu.dma_semaphore, #tpu.memory_space<semaphore_mem>>
    %dma_start3A_295 = arith.constant 0 : i32
    %dma_start3A_296 = tpu.memref_slice %arg3[%add3A_283, %dma_start3A_295] : memref<32768x1024xf32, #tpu.memory_space<hbm>> -> memref<32x1024xf32, #tpu.memory_space<hbm>>
    %dma_start3A_297 = arith.constant 0 : i32
    %dma_start3A_298 = arith.constant 0 : i32
    %dma_start3A_299 = tpu.memref_slice %arg4[%dma_start3A_284, %dma_start3A_297, %dma_start3A_298] : memref<2x32x1024xf32, #tpu.memory_space<vmem>> -> memref<1x32x1024xf32, #tpu.memory_space<vmem>>
    %dma_start3A_300 = tpu.memref_squeeze %dma_start3A_299 : memref<1x32x1024xf32, #tpu.memory_space<vmem>> -> memref<32x1024xf32, #tpu.memory_space<vmem>>
    tpu.enqueue_dma source(%dma_start3A_300 : memref<32x1024xf32, #tpu.memory_space<vmem>>) target(%dma_start3A_296 : memref<32x1024xf32, #tpu.memory_space<hbm>>) target_semaphore(%dma_start3A_294 : memref<!tpu.dma_semaphore, #tpu.memory_space<semaphore_mem>>)
    %add3A_301 = arith.constant 16384 : i32
    %add3A_302 = arith.addi %add3A_301, %mul3A_2 : i32
    %add3A_303 = arith.constant 32 : i32
    %add3A_304 = arith.addi %add3A_302, %add3A_303 : i32
    %dma_start3A_305 = arith.constant 1 : i32
    %dma_start3A_306 = arith.constant 1 : i32
    %dma_start3A_307 = arith.constant 2 : i32
    %dma_start3A_308 = arith.constant 0 : i32
    %dma_start3A_309 = arith.constant 0 : i32
    %dma_start3A_310 = tpu.memref_slice %arg4[%dma_start3A_305, %dma_start3A_308, %dma_start3A_309] : memref<2x32x1024xf32, #tpu.memory_space<vmem>> -> memref<1x32x1024xf32, #tpu.memory_space<vmem>>
    %dma_start3A_311 = tpu.memref_squeeze %dma_start3A_310 : memref<1x32x1024xf32, #tpu.memory_space<vmem>> -> memref<32x1024xf32, #tpu.memory_space<vmem>>
    %dma_start3A_312 = arith.constant 0 : i32
    %dma_start3A_313 = tpu.memref_slice %arg3[%add3A_304, %dma_start3A_312] : memref<32768x1024xf32, #tpu.memory_space<hbm>> -> memref<32x1024xf32, #tpu.memory_space<hbm>>
    %dma_start3A_314 = tpu.memref_slice %arg6[%dma_start3A_306, %dma_start3A_307] : memref<2x4x!tpu.dma_semaphore, #tpu.memory_space<semaphore_mem>> -> memref<1x1x!tpu.dma_semaphore, #tpu.memory_space<semaphore_mem>>
    %dma_start3A_315 = tpu.memref_squeeze %dma_start3A_314 : memref<1x1x!tpu.dma_semaphore, #tpu.memory_space<semaphore_mem>> -> memref<!tpu.dma_semaphore, #tpu.memory_space<semaphore_mem>>
    %dma_start3A_316 = arith.constant 0 : i32
    %dma_start3A_317 = tpu.memref_slice %arg3[%add3A_304, %dma_start3A_316] : memref<32768x1024xf32, #tpu.memory_space<hbm>> -> memref<32x1024xf32, #tpu.memory_space<hbm>>
    %dma_start3A_318 = arith.constant 0 : i32
    %dma_start3A_319 = arith.constant 0 : i32
    %dma_start3A_320 = tpu.memref_slice %arg4[%dma_start3A_305, %dma_start3A_318, %dma_start3A_319] : memref<2x32x1024xf32, #tpu.memory_space<vmem>> -> memref<1x32x1024xf32, #tpu.memory_space<vmem>>
    %dma_start3A_321 = tpu.memref_squeeze %dma_start3A_320 : memref<1x32x1024xf32, #tpu.memory_space<vmem>> -> memref<32x1024xf32, #tpu.memory_space<vmem>>
    tpu.enqueue_dma source(%dma_start3A_321 : memref<32x1024xf32, #tpu.memory_space<vmem>>) target(%dma_start3A_317 : memref<32x1024xf32, #tpu.memory_space<hbm>>) target_semaphore(%dma_start3A_315 : memref<!tpu.dma_semaphore, #tpu.memory_space<semaphore_mem>>)
    %add3A_322 = arith.constant 24576 : i32
    %add3A_323 = arith.addi %add3A_322, %mul3A_2 : i32
    %add3A_324 = arith.constant 32 : i32
    %add3A_325 = arith.addi %add3A_323, %add3A_324 : i32
    %dma_start3A_326 = arith.constant 1 : i32
    %dma_start3A_327 = arith.constant 1 : i32
    %dma_start3A_328 = arith.constant 3 : i32
    %dma_start3A_329 = arith.constant 0 : i32
    %dma_start3A_330 = arith.constant 0 : i32
    %dma_start3A_331 = tpu.memref_slice %arg4[%dma_start3A_326, %dma_start3A_329, %dma_start3A_330] : memref<2x32x1024xf32, #tpu.memory_space<vmem>> -> memref<1x32x1024xf32, #tpu.memory_space<vmem>>
    %dma_start3A_332 = tpu.memref_squeeze %dma_start3A_331 : memref<1x32x1024xf32, #tpu.memory_space<vmem>> -> memref<32x1024xf32, #tpu.memory_space<vmem>>
    %dma_start3A_333 = arith.constant 0 : i32
    %dma_start3A_334 = tpu.memref_slice %arg3[%add3A_325, %dma_start3A_333] : memref<32768x1024xf32, #tpu.memory_space<hbm>> -> memref<32x1024xf32, #tpu.memory_space<hbm>>
    %dma_start3A_335 = tpu.memref_slice %arg6[%dma_start3A_327, %dma_start3A_328] : memref<2x4x!tpu.dma_semaphore, #tpu.memory_space<semaphore_mem>> -> memref<1x1x!tpu.dma_semaphore, #tpu.memory_space<semaphore_mem>>
    %dma_start3A_336 = tpu.memref_squeeze %dma_start3A_335 : memref<1x1x!tpu.dma_semaphore, #tpu.memory_space<semaphore_mem>> -> memref<!tpu.dma_semaphore, #tpu.memory_space<semaphore_mem>>
    %dma_start3A_337 = arith.constant 0 : i32
    %dma_start3A_338 = tpu.memref_slice %arg3[%add3A_325, %dma_start3A_337] : memref<32768x1024xf32, #tpu.memory_space<hbm>> -> memref<32x1024xf32, #tpu.memory_space<hbm>>
    %dma_start3A_339 = arith.constant 0 : i32
    %dma_start3A_340 = arith.constant 0 : i32
    %dma_start3A_341 = tpu.memref_slice %arg4[%dma_start3A_326, %dma_start3A_339, %dma_start3A_340] : memref<2x32x1024xf32, #tpu.memory_space<vmem>> -> memref<1x32x1024xf32, #tpu.memory_space<vmem>>
    %dma_start3A_342 = tpu.memref_squeeze %dma_start3A_341 : memref<1x32x1024xf32, #tpu.memory_space<vmem>> -> memref<32x1024xf32, #tpu.memory_space<vmem>>
    tpu.enqueue_dma source(%dma_start3A_342 : memref<32x1024xf32, #tpu.memory_space<vmem>>) target(%dma_start3A_338 : memref<32x1024xf32, #tpu.memory_space<hbm>>) target_semaphore(%dma_start3A_336 : memref<!tpu.dma_semaphore, #tpu.memory_space<semaphore_mem>>)
    %add3A_343 = arith.constant 0 : i32
    %add3A_344 = arith.addi %add3A_343, %mul3A_2 : i32
    %add3A_345 = arith.constant 32 : i32
    %add3A_346 = arith.addi %add3A_344, %add3A_345 : i32
    %dma_wait3A_347 = arith.constant 1 : i32
    %dma_wait3A_348 = arith.constant 1 : i32
    %dma_wait3A_349 = arith.constant 0 : i32
    %dma_wait3A_350 = arith.constant 0 : i32
    %dma_wait3A_351 = arith.constant 0 : i32
    %dma_wait3A_352 = tpu.memref_slice %arg4[%dma_wait3A_347, %dma_wait3A_350, %dma_wait3A_351] : memref<2x32x1024xf32, #tpu.memory_space<vmem>> -> memref<1x32x1024xf32, #tpu.memory_space<vmem>>
    %dma_wait3A_353 = tpu.memref_squeeze %dma_wait3A_352 : memref<1x32x1024xf32, #tpu.memory_space<vmem>> -> memref<32x1024xf32, #tpu.memory_space<vmem>>
    %dma_wait3A_354 = arith.constant 0 : i32
    %dma_wait3A_355 = tpu.memref_slice %arg3[%add3A_346, %dma_wait3A_354] : memref<32768x1024xf32, #tpu.memory_space<hbm>> -> memref<32x1024xf32, #tpu.memory_space<hbm>>
    %dma_wait3A_356 = tpu.memref_slice %arg6[%dma_wait3A_348, %dma_wait3A_349] : memref<2x4x!tpu.dma_semaphore, #tpu.memory_space<semaphore_mem>> -> memref<1x1x!tpu.dma_semaphore, #tpu.memory_space<semaphore_mem>>
    %dma_wait3A_357 = tpu.memref_squeeze %dma_wait3A_356 : memref<1x1x!tpu.dma_semaphore, #tpu.memory_space<semaphore_mem>> -> memref<!tpu.dma_semaphore, #tpu.memory_space<semaphore_mem>>
    %dma_wait3A_358 = arith.constant 0 : i32
    %dma_wait3A_359 = tpu.memref_slice %arg3[%add3A_346, %dma_wait3A_358] : memref<32768x1024xf32, #tpu.memory_space<hbm>> -> memref<32x1024xf32, #tpu.memory_space<hbm>>
    %dma_wait3A_360 = arith.constant 0 : i32
    %dma_wait3A_361 = arith.constant 0 : i32
    %dma_wait3A_362 = tpu.memref_slice %arg4[%dma_wait3A_347, %dma_wait3A_360, %dma_wait3A_361] : memref<2x32x1024xf32, #tpu.memory_space<vmem>> -> memref<1x32x1024xf32, #tpu.memory_space<vmem>>
    %dma_wait3A_363 = tpu.memref_squeeze %dma_wait3A_362 : memref<1x32x1024xf32, #tpu.memory_space<vmem>> -> memref<32x1024xf32, #tpu.memory_space<vmem>>
    tpu.wait_dma2 semaphore(%dma_wait3A_357 : memref<!tpu.dma_semaphore, #tpu.memory_space<semaphore_mem>>) src(%dma_wait3A_363 : memref<32x1024xf32, #tpu.memory_space<vmem>>) dst(%dma_wait3A_359 : memref<32x1024xf32, #tpu.memory_space<hbm>>)
    %add3A_364 = arith.constant 8192 : i32
    %add3A_365 = arith.addi %add3A_364, %mul3A_2 : i32
    %add3A_366 = arith.constant 32 : i32
    %add3A_367 = arith.addi %add3A_365, %add3A_366 : i32
    %dma_wait3A_368 = arith.constant 1 : i32
    %dma_wait3A_369 = arith.constant 1 : i32
    %dma_wait3A_370 = arith.constant 1 : i32
    %dma_wait3A_371 = arith.constant 0 : i32
    %dma_wait3A_372 = arith.constant 0 : i32
    %dma_wait3A_373 = tpu.memref_slice %arg4[%dma_wait3A_368, %dma_wait3A_371, %dma_wait3A_372] : memref<2x32x1024xf32, #tpu.memory_space<vmem>> -> memref<1x32x1024xf32, #tpu.memory_space<vmem>>
    %dma_wait3A_374 = tpu.memref_squeeze %dma_wait3A_373 : memref<1x32x1024xf32, #tpu.memory_space<vmem>> -> memref<32x1024xf32, #tpu.memory_space<vmem>>
    %dma_wait3A_375 = arith.constant 0 : i32
    %dma_wait3A_376 = tpu.memref_slice %arg3[%add3A_367, %dma_wait3A_375] : memref<32768x1024xf32, #tpu.memory_space<hbm>> -> memref<32x1024xf32, #tpu.memory_space<hbm>>
    %dma_wait3A_377 = tpu.memref_slice %arg6[%dma_wait3A_369, %dma_wait3A_370] : memref<2x4x!tpu.dma_semaphore, #tpu.memory_space<semaphore_mem>> -> memref<1x1x!tpu.dma_semaphore, #tpu.memory_space<semaphore_mem>>
    %dma_wait3A_378 = tpu.memref_squeeze %dma_wait3A_377 : memref<1x1x!tpu.dma_semaphore, #tpu.memory_space<semaphore_mem>> -> memref<!tpu.dma_semaphore, #tpu.memory_space<semaphore_mem>>
    %dma_wait3A_379 = arith.constant 0 : i32
    %dma_wait3A_380 = tpu.memref_slice %arg3[%add3A_367, %dma_wait3A_379] : memref<32768x1024xf32, #tpu.memory_space<hbm>> -> memref<32x1024xf32, #tpu.memory_space<hbm>>
    %dma_wait3A_381 = arith.constant 0 : i32
    %dma_wait3A_382 = arith.constant 0 : i32
    %dma_wait3A_383 = tpu.memref_slice %arg4[%dma_wait3A_368, %dma_wait3A_381, %dma_wait3A_382] : memref<2x32x1024xf32, #tpu.memory_space<vmem>> -> memref<1x32x1024xf32, #tpu.memory_space<vmem>>
    %dma_wait3A_384 = tpu.memref_squeeze %dma_wait3A_383 : memref<1x32x1024xf32, #tpu.memory_space<vmem>> -> memref<32x1024xf32, #tpu.memory_space<vmem>>
    tpu.wait_dma2 semaphore(%dma_wait3A_378 : memref<!tpu.dma_semaphore, #tpu.memory_space<semaphore_mem>>) src(%dma_wait3A_384 : memref<32x1024xf32, #tpu.memory_space<vmem>>) dst(%dma_wait3A_380 : memref<32x1024xf32, #tpu.memory_space<hbm>>)
    %add3A_385 = arith.constant 16384 : i32
    %add3A_386 = arith.addi %add3A_385, %mul3A_2 : i32
    %add3A_387 = arith.constant 32 : i32
    %add3A_388 = arith.addi %add3A_386, %add3A_387 : i32
    %dma_wait3A_389 = arith.constant 1 : i32
    %dma_wait3A_390 = arith.constant 1 : i32
    %dma_wait3A_391 = arith.constant 2 : i32
    %dma_wait3A_392 = arith.constant 0 : i32
    %dma_wait3A_393 = arith.constant 0 : i32
    %dma_wait3A_394 = tpu.memref_slice %arg4[%dma_wait3A_389, %dma_wait3A_392, %dma_wait3A_393] : memref<2x32x1024xf32, #tpu.memory_space<vmem>> -> memref<1x32x1024xf32, #tpu.memory_space<vmem>>
    %dma_wait3A_395 = tpu.memref_squeeze %dma_wait3A_394 : memref<1x32x1024xf32, #tpu.memory_space<vmem>> -> memref<32x1024xf32, #tpu.memory_space<vmem>>
    %dma_wait3A_396 = arith.constant 0 : i32
    %dma_wait3A_397 = tpu.memref_slice %arg3[%add3A_388, %dma_wait3A_396] : memref<32768x1024xf32, #tpu.memory_space<hbm>> -> memref<32x1024xf32, #tpu.memory_space<hbm>>
    %dma_wait3A_398 = tpu.memref_slice %arg6[%dma_wait3A_390, %dma_wait3A_391] : memref<2x4x!tpu.dma_semaphore, #tpu.memory_space<semaphore_mem>> -> memref<1x1x!tpu.dma_semaphore, #tpu.memory_space<semaphore_mem>>
    %dma_wait3A_399 = tpu.memref_squeeze %dma_wait3A_398 : memref<1x1x!tpu.dma_semaphore, #tpu.memory_space<semaphore_mem>> -> memref<!tpu.dma_semaphore, #tpu.memory_space<semaphore_mem>>
    %dma_wait3A_400 = arith.constant 0 : i32
    %dma_wait3A_401 = tpu.memref_slice %arg3[%add3A_388, %dma_wait3A_400] : memref<32768x1024xf32, #tpu.memory_space<hbm>> -> memref<32x1024xf32, #tpu.memory_space<hbm>>
    %dma_wait3A_402 = arith.constant 0 : i32
    %dma_wait3A_403 = arith.constant 0 : i32
    %dma_wait3A_404 = tpu.memref_slice %arg4[%dma_wait3A_389, %dma_wait3A_402, %dma_wait3A_403] : memref<2x32x1024xf32, #tpu.memory_space<vmem>> -> memref<1x32x1024xf32, #tpu.memory_space<vmem>>
    %dma_wait3A_405 = tpu.memref_squeeze %dma_wait3A_404 : memref<1x32x1024xf32, #tpu.memory_space<vmem>> -> memref<32x1024xf32, #tpu.memory_space<vmem>>
    tpu.wait_dma2 semaphore(%dma_wait3A_399 : memref<!tpu.dma_semaphore, #tpu.memory_space<semaphore_mem>>) src(%dma_wait3A_405 : memref<32x1024xf32, #tpu.memory_space<vmem>>) dst(%dma_wait3A_401 : memref<32x1024xf32, #tpu.memory_space<hbm>>)
    %add3A_406 = arith.constant 24576 : i32
    %add3A_407 = arith.addi %add3A_406, %mul3A_2 : i32
    %add3A_408 = arith.constant 32 : i32
    %add3A_409 = arith.addi %add3A_407, %add3A_408 : i32
    %dma_wait3A_410 = arith.constant 1 : i32
    %dma_wait3A_411 = arith.constant 1 : i32
    %dma_wait3A_412 = arith.constant 3 : i32
    %dma_wait3A_413 = arith.constant 0 : i32
    %dma_wait3A_414 = arith.constant 0 : i32
    %dma_wait3A_415 = tpu.memref_slice %arg4[%dma_wait3A_410, %dma_wait3A_413, %dma_wait3A_414] : memref<2x32x1024xf32, #tpu.memory_space<vmem>> -> memref<1x32x1024xf32, #tpu.memory_space<vmem>>
    %dma_wait3A_416 = tpu.memref_squeeze %dma_wait3A_415 : memref<1x32x1024xf32, #tpu.memory_space<vmem>> -> memref<32x1024xf32, #tpu.memory_space<vmem>>
    %dma_wait3A_417 = arith.constant 0 : i32
    %dma_wait3A_418 = tpu.memref_slice %arg3[%add3A_409, %dma_wait3A_417] : memref<32768x1024xf32, #tpu.memory_space<hbm>> -> memref<32x1024xf32, #tpu.memory_space<hbm>>
    %dma_wait3A_419 = tpu.memref_slice %arg6[%dma_wait3A_411, %dma_wait3A_412] : memref<2x4x!tpu.dma_semaphore, #tpu.memory_space<semaphore_mem>> -> memref<1x1x!tpu.dma_semaphore, #tpu.memory_space<semaphore_mem>>
    %dma_wait3A_420 = tpu.memref_squeeze %dma_wait3A_419 : memref<1x1x!tpu.dma_semaphore, #tpu.memory_space<semaphore_mem>> -> memref<!tpu.dma_semaphore, #tpu.memory_space<semaphore_mem>>
    %dma_wait3A_421 = arith.constant 0 : i32
    %dma_wait3A_422 = tpu.memref_slice %arg3[%add3A_409, %dma_wait3A_421] : memref<32768x1024xf32, #tpu.memory_space<hbm>> -> memref<32x1024xf32, #tpu.memory_space<hbm>>
    %dma_wait3A_423 = arith.constant 0 : i32
    %dma_wait3A_424 = arith.constant 0 : i32
    %dma_wait3A_425 = tpu.memref_slice %arg4[%dma_wait3A_410, %dma_wait3A_423, %dma_wait3A_424] : memref<2x32x1024xf32, #tpu.memory_space<vmem>> -> memref<1x32x1024xf32, #tpu.memory_space<vmem>>
    %dma_wait3A_426 = tpu.memref_squeeze %dma_wait3A_425 : memref<1x32x1024xf32, #tpu.memory_space<vmem>> -> memref<32x1024xf32, #tpu.memory_space<vmem>>
    tpu.wait_dma2 semaphore(%dma_wait3A_420 : memref<!tpu.dma_semaphore, #tpu.memory_space<semaphore_mem>>) src(%dma_wait3A_426 : memref<32x1024xf32, #tpu.memory_space<vmem>>) dst(%dma_wait3A_422 : memref<32x1024xf32, #tpu.memory_space<hbm>>)
    %add3A_427 = arith.constant 96 : i32
    %add3A_428 = arith.addi %mul3A_2, %add3A_427 : i32
    %dma_start3A_429 = arith.constant 1 : i32
    %dma_start3A_430 = arith.constant 1 : i32
    %dma_start3A_431 = arith.constant 0 : i32
    %dma_start3A_432 = arith.constant 0 : i32
    %dma_start3A_433 = tpu.memref_slice %arg4[%dma_start3A_429, %dma_start3A_431, %dma_start3A_432] : memref<2x32x1024xf32, #tpu.memory_space<vmem>> -> memref<1x32x1024xf32, #tpu.memory_space<vmem>>
    %dma_start3A_434 = tpu.memref_squeeze %dma_start3A_433 : memref<1x32x1024xf32, #tpu.memory_space<vmem>> -> memref<32x1024xf32, #tpu.memory_space<vmem>>
    %dma_start3A_435 = arith.constant 0 : i32
    %dma_start3A_436 = tpu.memref_slice %arg2[%add3A_428, %dma_start3A_435] : memref<8192x1024xf32, #tpu.memory_space<hbm>> -> memref<32x1024xf32, #tpu.memory_space<hbm>>
    %dma_start3A_437 = tpu.memref_slice %arg5[%dma_start3A_430] : memref<2x!tpu.dma_semaphore, #tpu.memory_space<semaphore_mem>> -> memref<1x!tpu.dma_semaphore, #tpu.memory_space<semaphore_mem>>
    %dma_start3A_438 = tpu.memref_squeeze %dma_start3A_437 : memref<1x!tpu.dma_semaphore, #tpu.memory_space<semaphore_mem>> -> memref<!tpu.dma_semaphore, #tpu.memory_space<semaphore_mem>>
    %dma_start3A_439 = arith.constant 0 : i32
    %dma_start3A_440 = arith.constant 0 : i32
    %dma_start3A_441 = tpu.memref_slice %arg4[%dma_start3A_429, %dma_start3A_439, %dma_start3A_440] : memref<2x32x1024xf32, #tpu.memory_space<vmem>> -> memref<1x32x1024xf32, #tpu.memory_space<vmem>>
    %dma_start3A_442 = tpu.memref_squeeze %dma_start3A_441 : memref<1x32x1024xf32, #tpu.memory_space<vmem>> -> memref<32x1024xf32, #tpu.memory_space<vmem>>
    %dma_start3A_443 = arith.constant 0 : i32
    %dma_start3A_444 = tpu.memref_slice %arg2[%add3A_428, %dma_start3A_443] : memref<8192x1024xf32, #tpu.memory_space<hbm>> -> memref<32x1024xf32, #tpu.memory_space<hbm>>
    tpu.enqueue_dma source(%dma_start3A_444 : memref<32x1024xf32, #tpu.memory_space<hbm>>) target(%dma_start3A_442 : memref<32x1024xf32, #tpu.memory_space<vmem>>) target_semaphore(%dma_start3A_438 : memref<!tpu.dma_semaphore, #tpu.memory_space<semaphore_mem>>)
    %add3A_445 = arith.constant 64 : i32
    %add3A_446 = arith.addi %mul3A_2, %add3A_445 : i32
    %dma_wait3A_447 = arith.constant 0 : i32
    %dma_wait3A_448 = arith.constant 0 : i32
    %dma_wait3A_449 = arith.constant 0 : i32
    %dma_wait3A_450 = arith.constant 0 : i32
    %dma_wait3A_451 = tpu.memref_slice %arg4[%dma_wait3A_447, %dma_wait3A_449, %dma_wait3A_450] : memref<2x32x1024xf32, #tpu.memory_space<vmem>> -> memref<1x32x1024xf32, #tpu.memory_space<vmem>>
    %dma_wait3A_452 = tpu.memref_squeeze %dma_wait3A_451 : memref<1x32x1024xf32, #tpu.memory_space<vmem>> -> memref<32x1024xf32, #tpu.memory_space<vmem>>
    %dma_wait3A_453 = arith.constant 0 : i32
    %dma_wait3A_454 = tpu.memref_slice %arg2[%add3A_446, %dma_wait3A_453] : memref<8192x1024xf32, #tpu.memory_space<hbm>> -> memref<32x1024xf32, #tpu.memory_space<hbm>>
    %dma_wait3A_455 = tpu.memref_slice %arg5[%dma_wait3A_448] : memref<2x!tpu.dma_semaphore, #tpu.memory_space<semaphore_mem>> -> memref<1x!tpu.dma_semaphore, #tpu.memory_space<semaphore_mem>>
    %dma_wait3A_456 = tpu.memref_squeeze %dma_wait3A_455 : memref<1x!tpu.dma_semaphore, #tpu.memory_space<semaphore_mem>> -> memref<!tpu.dma_semaphore, #tpu.memory_space<semaphore_mem>>
    %dma_wait3A_457 = arith.constant 0 : i32
    %dma_wait3A_458 = arith.constant 0 : i32
    %dma_wait3A_459 = tpu.memref_slice %arg4[%dma_wait3A_447, %dma_wait3A_457, %dma_wait3A_458] : memref<2x32x1024xf32, #tpu.memory_space<vmem>> -> memref<1x32x1024xf32, #tpu.memory_space<vmem>>
    %dma_wait3A_460 = tpu.memref_squeeze %dma_wait3A_459 : memref<1x32x1024xf32, #tpu.memory_space<vmem>> -> memref<32x1024xf32, #tpu.memory_space<vmem>>
    %dma_wait3A_461 = arith.constant 0 : i32
    %dma_wait3A_462 = tpu.memref_slice %arg2[%add3A_446, %dma_wait3A_461] : memref<8192x1024xf32, #tpu.memory_space<hbm>> -> memref<32x1024xf32, #tpu.memory_space<hbm>>
    tpu.wait_dma2 semaphore(%dma_wait3A_456 : memref<!tpu.dma_semaphore, #tpu.memory_space<semaphore_mem>>) src(%dma_wait3A_462 : memref<32x1024xf32, #tpu.memory_space<hbm>>) dst(%dma_wait3A_460 : memref<32x1024xf32, #tpu.memory_space<vmem>>)
    %add3A_463 = arith.constant 0 : i32
    %add3A_464 = arith.addi %add3A_463, %mul3A_2 : i32
    %add3A_465 = arith.constant 64 : i32
    %add3A_466 = arith.addi %add3A_464, %add3A_465 : i32
    %dma_start3A_467 = arith.constant 0 : i32
    %dma_start3A_468 = arith.constant 0 : i32
    %dma_start3A_469 = arith.constant 0 : i32
    %dma_start3A_470 = arith.constant 0 : i32
    %dma_start3A_471 = arith.constant 0 : i32
    %dma_start3A_472 = tpu.memref_slice %arg4[%dma_start3A_467, %dma_start3A_470, %dma_start3A_471] : memref<2x32x1024xf32, #tpu.memory_space<vmem>> -> memref<1x32x1024xf32, #tpu.memory_space<vmem>>
    %dma_start3A_473 = tpu.memref_squeeze %dma_start3A_472 : memref<1x32x1024xf32, #tpu.memory_space<vmem>> -> memref<32x1024xf32, #tpu.memory_space<vmem>>
    %dma_start3A_474 = arith.constant 0 : i32
    %dma_start3A_475 = tpu.memref_slice %arg3[%add3A_466, %dma_start3A_474] : memref<32768x1024xf32, #tpu.memory_space<hbm>> -> memref<32x1024xf32, #tpu.memory_space<hbm>>
    %dma_start3A_476 = tpu.memref_slice %arg6[%dma_start3A_468, %dma_start3A_469] : memref<2x4x!tpu.dma_semaphore, #tpu.memory_space<semaphore_mem>> -> memref<1x1x!tpu.dma_semaphore, #tpu.memory_space<semaphore_mem>>
    %dma_start3A_477 = tpu.memref_squeeze %dma_start3A_476 : memref<1x1x!tpu.dma_semaphore, #tpu.memory_space<semaphore_mem>> -> memref<!tpu.dma_semaphore, #tpu.memory_space<semaphore_mem>>
    %dma_start3A_478 = arith.constant 0 : i32
    %dma_start3A_479 = tpu.memref_slice %arg3[%add3A_466, %dma_start3A_478] : memref<32768x1024xf32, #tpu.memory_space<hbm>> -> memref<32x1024xf32, #tpu.memory_space<hbm>>
    %dma_start3A_480 = arith.constant 0 : i32
    %dma_start3A_481 = arith.constant 0 : i32
    %dma_start3A_482 = tpu.memref_slice %arg4[%dma_start3A_467, %dma_start3A_480, %dma_start3A_481] : memref<2x32x1024xf32, #tpu.memory_space<vmem>> -> memref<1x32x1024xf32, #tpu.memory_space<vmem>>
    %dma_start3A_483 = tpu.memref_squeeze %dma_start3A_482 : memref<1x32x1024xf32, #tpu.memory_space<vmem>> -> memref<32x1024xf32, #tpu.memory_space<vmem>>
    tpu.enqueue_dma source(%dma_start3A_483 : memref<32x1024xf32, #tpu.memory_space<vmem>>) target(%dma_start3A_479 : memref<32x1024xf32, #tpu.memory_space<hbm>>) target_semaphore(%dma_start3A_477 : memref<!tpu.dma_semaphore, #tpu.memory_space<semaphore_mem>>)
    %add3A_484 = arith.constant 8192 : i32
    %add3A_485 = arith.addi %add3A_484, %mul3A_2 : i32
    %add3A_486 = arith.constant 64 : i32
    %add3A_487 = arith.addi %add3A_485, %add3A_486 : i32
    %dma_start3A_488 = arith.constant 0 : i32
    %dma_start3A_489 = arith.constant 0 : i32
    %dma_start3A_490 = arith.constant 1 : i32
    %dma_start3A_491 = arith.constant 0 : i32
    %dma_start3A_492 = arith.constant 0 : i32
    %dma_start3A_493 = tpu.memref_slice %arg4[%dma_start3A_488, %dma_start3A_491, %dma_start3A_492] : memref<2x32x1024xf32, #tpu.memory_space<vmem>> -> memref<1x32x1024xf32, #tpu.memory_space<vmem>>
    %dma_start3A_494 = tpu.memref_squeeze %dma_start3A_493 : memref<1x32x1024xf32, #tpu.memory_space<vmem>> -> memref<32x1024xf32, #tpu.memory_space<vmem>>
    %dma_start3A_495 = arith.constant 0 : i32
    %dma_start3A_496 = tpu.memref_slice %arg3[%add3A_487, %dma_start3A_495] : memref<32768x1024xf32, #tpu.memory_space<hbm>> -> memref<32x1024xf32, #tpu.memory_space<hbm>>
    %dma_start3A_497 = tpu.memref_slice %arg6[%dma_start3A_489, %dma_start3A_490] : memref<2x4x!tpu.dma_semaphore, #tpu.memory_space<semaphore_mem>> -> memref<1x1x!tpu.dma_semaphore, #tpu.memory_space<semaphore_mem>>
    %dma_start3A_498 = tpu.memref_squeeze %dma_start3A_497 : memref<1x1x!tpu.dma_semaphore, #tpu.memory_space<semaphore_mem>> -> memref<!tpu.dma_semaphore, #tpu.memory_space<semaphore_mem>>
    %dma_start3A_499 = arith.constant 0 : i32
    %dma_start3A_500 = tpu.memref_slice %arg3[%add3A_487, %dma_start3A_499] : memref<32768x1024xf32, #tpu.memory_space<hbm>> -> memref<32x1024xf32, #tpu.memory_space<hbm>>
    %dma_start3A_501 = arith.constant 0 : i32
    %dma_start3A_502 = arith.constant 0 : i32
    %dma_start3A_503 = tpu.memref_slice %arg4[%dma_start3A_488, %dma_start3A_501, %dma_start3A_502] : memref<2x32x1024xf32, #tpu.memory_space<vmem>> -> memref<1x32x1024xf32, #tpu.memory_space<vmem>>
    %dma_start3A_504 = tpu.memref_squeeze %dma_start3A_503 : memref<1x32x1024xf32, #tpu.memory_space<vmem>> -> memref<32x1024xf32, #tpu.memory_space<vmem>>
    tpu.enqueue_dma source(%dma_start3A_504 : memref<32x1024xf32, #tpu.memory_space<vmem>>) target(%dma_start3A_500 : memref<32x1024xf32, #tpu.memory_space<hbm>>) target_semaphore(%dma_start3A_498 : memref<!tpu.dma_semaphore, #tpu.memory_space<semaphore_mem>>)
    %add3A_505 = arith.constant 16384 : i32
    %add3A_506 = arith.addi %add3A_505, %mul3A_2 : i32
    %add3A_507 = arith.constant 64 : i32
    %add3A_508 = arith.addi %add3A_506, %add3A_507 : i32
    %dma_start3A_509 = arith.constant 0 : i32
    %dma_start3A_510 = arith.constant 0 : i32
    %dma_start3A_511 = arith.constant 2 : i32
    %dma_start3A_512 = arith.constant 0 : i32
    %dma_start3A_513 = arith.constant 0 : i32
    %dma_start3A_514 = tpu.memref_slice %arg4[%dma_start3A_509, %dma_start3A_512, %dma_start3A_513] : memref<2x32x1024xf32, #tpu.memory_space<vmem>> -> memref<1x32x1024xf32, #tpu.memory_space<vmem>>
    %dma_start3A_515 = tpu.memref_squeeze %dma_start3A_514 : memref<1x32x1024xf32, #tpu.memory_space<vmem>> -> memref<32x1024xf32, #tpu.memory_space<vmem>>
    %dma_start3A_516 = arith.constant 0 : i32
    %dma_start3A_517 = tpu.memref_slice %arg3[%add3A_508, %dma_start3A_516] : memref<32768x1024xf32, #tpu.memory_space<hbm>> -> memref<32x1024xf32, #tpu.memory_space<hbm>>
    %dma_start3A_518 = tpu.memref_slice %arg6[%dma_start3A_510, %dma_start3A_511] : memref<2x4x!tpu.dma_semaphore, #tpu.memory_space<semaphore_mem>> -> memref<1x1x!tpu.dma_semaphore, #tpu.memory_space<semaphore_mem>>
    %dma_start3A_519 = tpu.memref_squeeze %dma_start3A_518 : memref<1x1x!tpu.dma_semaphore, #tpu.memory_space<semaphore_mem>> -> memref<!tpu.dma_semaphore, #tpu.memory_space<semaphore_mem>>
    %dma_start3A_520 = arith.constant 0 : i32
    %dma_start3A_521 = tpu.memref_slice %arg3[%add3A_508, %dma_start3A_520] : memref<32768x1024xf32, #tpu.memory_space<hbm>> -> memref<32x1024xf32, #tpu.memory_space<hbm>>
    %dma_start3A_522 = arith.constant 0 : i32
    %dma_start3A_523 = arith.constant 0 : i32
    %dma_start3A_524 = tpu.memref_slice %arg4[%dma_start3A_509, %dma_start3A_522, %dma_start3A_523] : memref<2x32x1024xf32, #tpu.memory_space<vmem>> -> memref<1x32x1024xf32, #tpu.memory_space<vmem>>
    %dma_start3A_525 = tpu.memref_squeeze %dma_start3A_524 : memref<1x32x1024xf32, #tpu.memory_space<vmem>> -> memref<32x1024xf32, #tpu.memory_space<vmem>>
    tpu.enqueue_dma source(%dma_start3A_525 : memref<32x1024xf32, #tpu.memory_space<vmem>>) target(%dma_start3A_521 : memref<32x1024xf32, #tpu.memory_space<hbm>>) target_semaphore(%dma_start3A_519 : memref<!tpu.dma_semaphore, #tpu.memory_space<semaphore_mem>>)
    %add3A_526 = arith.constant 24576 : i32
    %add3A_527 = arith.addi %add3A_526, %mul3A_2 : i32
    %add3A_528 = arith.constant 64 : i32
    %add3A_529 = arith.addi %add3A_527, %add3A_528 : i32
    %dma_start3A_530 = arith.constant 0 : i32
    %dma_start3A_531 = arith.constant 0 : i32
    %dma_start3A_532 = arith.constant 3 : i32
    %dma_start3A_533 = arith.constant 0 : i32
    %dma_start3A_534 = arith.constant 0 : i32
    %dma_start3A_535 = tpu.memref_slice %arg4[%dma_start3A_530, %dma_start3A_533, %dma_start3A_534] : memref<2x32x1024xf32, #tpu.memory_space<vmem>> -> memref<1x32x1024xf32, #tpu.memory_space<vmem>>
    %dma_start3A_536 = tpu.memref_squeeze %dma_start3A_535 : memref<1x32x1024xf32, #tpu.memory_space<vmem>> -> memref<32x1024xf32, #tpu.memory_space<vmem>>
    %dma_start3A_537 = arith.constant 0 : i32
    %dma_start3A_538 = tpu.memref_slice %arg3[%add3A_529, %dma_start3A_537] : memref<32768x1024xf32, #tpu.memory_space<hbm>> -> memref<32x1024xf32, #tpu.memory_space<hbm>>
    %dma_start3A_539 = tpu.memref_slice %arg6[%dma_start3A_531, %dma_start3A_532] : memref<2x4x!tpu.dma_semaphore, #tpu.memory_space<semaphore_mem>> -> memref<1x1x!tpu.dma_semaphore, #tpu.memory_space<semaphore_mem>>
    %dma_start3A_540 = tpu.memref_squeeze %dma_start3A_539 : memref<1x1x!tpu.dma_semaphore, #tpu.memory_space<semaphore_mem>> -> memref<!tpu.dma_semaphore, #tpu.memory_space<semaphore_mem>>
    %dma_start3A_541 = arith.constant 0 : i32
    %dma_start3A_542 = tpu.memref_slice %arg3[%add3A_529, %dma_start3A_541] : memref<32768x1024xf32, #tpu.memory_space<hbm>> -> memref<32x1024xf32, #tpu.memory_space<hbm>>
    %dma_start3A_543 = arith.constant 0 : i32
    %dma_start3A_544 = arith.constant 0 : i32
    %dma_start3A_545 = tpu.memref_slice %arg4[%dma_start3A_530, %dma_start3A_543, %dma_start3A_544] : memref<2x32x1024xf32, #tpu.memory_space<vmem>> -> memref<1x32x1024xf32, #tpu.memory_space<vmem>>
    %dma_start3A_546 = tpu.memref_squeeze %dma_start3A_545 : memref<1x32x1024xf32, #tpu.memory_space<vmem>> -> memref<32x1024xf32, #tpu.memory_space<vmem>>
    tpu.enqueue_dma source(%dma_start3A_546 : memref<32x1024xf32, #tpu.memory_space<vmem>>) target(%dma_start3A_542 : memref<32x1024xf32, #tpu.memory_space<hbm>>) target_semaphore(%dma_start3A_540 : memref<!tpu.dma_semaphore, #tpu.memory_space<semaphore_mem>>)
    %add3A_547 = arith.constant 0 : i32
    %add3A_548 = arith.addi %add3A_547, %mul3A_2 : i32
    %add3A_549 = arith.constant 64 : i32
    %add3A_550 = arith.addi %add3A_548, %add3A_549 : i32
    %dma_wait3A_551 = arith.constant 0 : i32
    %dma_wait3A_552 = arith.constant 0 : i32
    %dma_wait3A_553 = arith.constant 0 : i32
    %dma_wait3A_554 = arith.constant 0 : i32
    %dma_wait3A_555 = arith.constant 0 : i32
    %dma_wait3A_556 = tpu.memref_slice %arg4[%dma_wait3A_551, %dma_wait3A_554, %dma_wait3A_555] : memref<2x32x1024xf32, #tpu.memory_space<vmem>> -> memref<1x32x1024xf32, #tpu.memory_space<vmem>>
    %dma_wait3A_557 = tpu.memref_squeeze %dma_wait3A_556 : memref<1x32x1024xf32, #tpu.memory_space<vmem>> -> memref<32x1024xf32, #tpu.memory_space<vmem>>
    %dma_wait3A_558 = arith.constant 0 : i32
    %dma_wait3A_559 = tpu.memref_slice %arg3[%add3A_550, %dma_wait3A_558] : memref<32768x1024xf32, #tpu.memory_space<hbm>> -> memref<32x1024xf32, #tpu.memory_space<hbm>>
    %dma_wait3A_560 = tpu.memref_slice %arg6[%dma_wait3A_552, %dma_wait3A_553] : memref<2x4x!tpu.dma_semaphore, #tpu.memory_space<semaphore_mem>> -> memref<1x1x!tpu.dma_semaphore, #tpu.memory_space<semaphore_mem>>
    %dma_wait3A_561 = tpu.memref_squeeze %dma_wait3A_560 : memref<1x1x!tpu.dma_semaphore, #tpu.memory_space<semaphore_mem>> -> memref<!tpu.dma_semaphore, #tpu.memory_space<semaphore_mem>>
    %dma_wait3A_562 = arith.constant 0 : i32
    %dma_wait3A_563 = tpu.memref_slice %arg3[%add3A_550, %dma_wait3A_562] : memref<32768x1024xf32, #tpu.memory_space<hbm>> -> memref<32x1024xf32, #tpu.memory_space<hbm>>
    %dma_wait3A_564 = arith.constant 0 : i32
    %dma_wait3A_565 = arith.constant 0 : i32
    %dma_wait3A_566 = tpu.memref_slice %arg4[%dma_wait3A_551, %dma_wait3A_564, %dma_wait3A_565] : memref<2x32x1024xf32, #tpu.memory_space<vmem>> -> memref<1x32x1024xf32, #tpu.memory_space<vmem>>
    %dma_wait3A_567 = tpu.memref_squeeze %dma_wait3A_566 : memref<1x32x1024xf32, #tpu.memory_space<vmem>> -> memref<32x1024xf32, #tpu.memory_space<vmem>>
    tpu.wait_dma2 semaphore(%dma_wait3A_561 : memref<!tpu.dma_semaphore, #tpu.memory_space<semaphore_mem>>) src(%dma_wait3A_567 : memref<32x1024xf32, #tpu.memory_space<vmem>>) dst(%dma_wait3A_563 : memref<32x1024xf32, #tpu.memory_space<hbm>>)
    %add3A_568 = arith.constant 8192 : i32
    %add3A_569 = arith.addi %add3A_568, %mul3A_2 : i32
    %add3A_570 = arith.constant 64 : i32
    %add3A_571 = arith.addi %add3A_569, %add3A_570 : i32
    %dma_wait3A_572 = arith.constant 0 : i32
    %dma_wait3A_573 = arith.constant 0 : i32
    %dma_wait3A_574 = arith.constant 1 : i32
    %dma_wait3A_575 = arith.constant 0 : i32
    %dma_wait3A_576 = arith.constant 0 : i32
    %dma_wait3A_577 = tpu.memref_slice %arg4[%dma_wait3A_572, %dma_wait3A_575, %dma_wait3A_576] : memref<2x32x1024xf32, #tpu.memory_space<vmem>> -> memref<1x32x1024xf32, #tpu.memory_space<vmem>>
    %dma_wait3A_578 = tpu.memref_squeeze %dma_wait3A_577 : memref<1x32x1024xf32, #tpu.memory_space<vmem>> -> memref<32x1024xf32, #tpu.memory_space<vmem>>
    %dma_wait3A_579 = arith.constant 0 : i32
    %dma_wait3A_580 = tpu.memref_slice %arg3[%add3A_571, %dma_wait3A_579] : memref<32768x1024xf32, #tpu.memory_space<hbm>> -> memref<32x1024xf32, #tpu.memory_space<hbm>>
    %dma_wait3A_581 = tpu.memref_slice %arg6[%dma_wait3A_573, %dma_wait3A_574] : memref<2x4x!tpu.dma_semaphore, #tpu.memory_space<semaphore_mem>> -> memref<1x1x!tpu.dma_semaphore, #tpu.memory_space<semaphore_mem>>
    %dma_wait3A_582 = tpu.memref_squeeze %dma_wait3A_581 : memref<1x1x!tpu.dma_semaphore, #tpu.memory_space<semaphore_mem>> -> memref<!tpu.dma_semaphore, #tpu.memory_space<semaphore_mem>>
    %dma_wait3A_583 = arith.constant 0 : i32
    %dma_wait3A_584 = tpu.memref_slice %arg3[%add3A_571, %dma_wait3A_583] : memref<32768x1024xf32, #tpu.memory_space<hbm>> -> memref<32x1024xf32, #tpu.memory_space<hbm>>
    %dma_wait3A_585 = arith.constant 0 : i32
    %dma_wait3A_586 = arith.constant 0 : i32
    %dma_wait3A_587 = tpu.memref_slice %arg4[%dma_wait3A_572, %dma_wait3A_585, %dma_wait3A_586] : memref<2x32x1024xf32, #tpu.memory_space<vmem>> -> memref<1x32x1024xf32, #tpu.memory_space<vmem>>
    %dma_wait3A_588 = tpu.memref_squeeze %dma_wait3A_587 : memref<1x32x1024xf32, #tpu.memory_space<vmem>> -> memref<32x1024xf32, #tpu.memory_space<vmem>>
    tpu.wait_dma2 semaphore(%dma_wait3A_582 : memref<!tpu.dma_semaphore, #tpu.memory_space<semaphore_mem>>) src(%dma_wait3A_588 : memref<32x1024xf32, #tpu.memory_space<vmem>>) dst(%dma_wait3A_584 : memref<32x1024xf32, #tpu.memory_space<hbm>>)
    %add3A_589 = arith.constant 16384 : i32
    %add3A_590 = arith.addi %add3A_589, %mul3A_2 : i32
    %add3A_591 = arith.constant 64 : i32
    %add3A_592 = arith.addi %add3A_590, %add3A_591 : i32
    %dma_wait3A_593 = arith.constant 0 : i32
    %dma_wait3A_594 = arith.constant 0 : i32
    %dma_wait3A_595 = arith.constant 2 : i32
    %dma_wait3A_596 = arith.constant 0 : i32
    %dma_wait3A_597 = arith.constant 0 : i32
    %dma_wait3A_598 = tpu.memref_slice %arg4[%dma_wait3A_593, %dma_wait3A_596, %dma_wait3A_597] : memref<2x32x1024xf32, #tpu.memory_space<vmem>> -> memref<1x32x1024xf32, #tpu.memory_space<vmem>>
    %dma_wait3A_599 = tpu.memref_squeeze %dma_wait3A_598 : memref<1x32x1024xf32, #tpu.memory_space<vmem>> -> memref<32x1024xf32, #tpu.memory_space<vmem>>
    %dma_wait3A_600 = arith.constant 0 : i32
    %dma_wait3A_601 = tpu.memref_slice %arg3[%add3A_592, %dma_wait3A_600] : memref<32768x1024xf32, #tpu.memory_space<hbm>> -> memref<32x1024xf32, #tpu.memory_space<hbm>>
    %dma_wait3A_602 = tpu.memref_slice %arg6[%dma_wait3A_594, %dma_wait3A_595] : memref<2x4x!tpu.dma_semaphore, #tpu.memory_space<semaphore_mem>> -> memref<1x1x!tpu.dma_semaphore, #tpu.memory_space<semaphore_mem>>
    %dma_wait3A_603 = tpu.memref_squeeze %dma_wait3A_602 : memref<1x1x!tpu.dma_semaphore, #tpu.memory_space<semaphore_mem>> -> memref<!tpu.dma_semaphore, #tpu.memory_space<semaphore_mem>>
    %dma_wait3A_604 = arith.constant 0 : i32
    %dma_wait3A_605 = tpu.memref_slice %arg3[%add3A_592, %dma_wait3A_604] : memref<32768x1024xf32, #tpu.memory_space<hbm>> -> memref<32x1024xf32, #tpu.memory_space<hbm>>
    %dma_wait3A_606 = arith.constant 0 : i32
    %dma_wait3A_607 = arith.constant 0 : i32
    %dma_wait3A_608 = tpu.memref_slice %arg4[%dma_wait3A_593, %dma_wait3A_606, %dma_wait3A_607] : memref<2x32x1024xf32, #tpu.memory_space<vmem>> -> memref<1x32x1024xf32, #tpu.memory_space<vmem>>
    %dma_wait3A_609 = tpu.memref_squeeze %dma_wait3A_608 : memref<1x32x1024xf32, #tpu.memory_space<vmem>> -> memref<32x1024xf32, #tpu.memory_space<vmem>>
    tpu.wait_dma2 semaphore(%dma_wait3A_603 : memref<!tpu.dma_semaphore, #tpu.memory_space<semaphore_mem>>) src(%dma_wait3A_609 : memref<32x1024xf32, #tpu.memory_space<vmem>>) dst(%dma_wait3A_605 : memref<32x1024xf32, #tpu.memory_space<hbm>>)
    %add3A_610 = arith.constant 24576 : i32
    %add3A_611 = arith.addi %add3A_610, %mul3A_2 : i32
    %add3A_612 = arith.constant 64 : i32
    %add3A_613 = arith.addi %add3A_611, %add3A_612 : i32
    %dma_wait3A_614 = arith.constant 0 : i32
    %dma_wait3A_615 = arith.constant 0 : i32
    %dma_wait3A_616 = arith.constant 3 : i32
    %dma_wait3A_617 = arith.constant 0 : i32
    %dma_wait3A_618 = arith.constant 0 : i32
    %dma_wait3A_619 = tpu.memref_slice %arg4[%dma_wait3A_614, %dma_wait3A_617, %dma_wait3A_618] : memref<2x32x1024xf32, #tpu.memory_space<vmem>> -> memref<1x32x1024xf32, #tpu.memory_space<vmem>>
    %dma_wait3A_620 = tpu.memref_squeeze %dma_wait3A_619 : memref<1x32x1024xf32, #tpu.memory_space<vmem>> -> memref<32x1024xf32, #tpu.memory_space<vmem>>
    %dma_wait3A_621 = arith.constant 0 : i32
    %dma_wait3A_622 = tpu.memref_slice %arg3[%add3A_613, %dma_wait3A_621] : memref<32768x1024xf32, #tpu.memory_space<hbm>> -> memref<32x1024xf32, #tpu.memory_space<hbm>>
    %dma_wait3A_623 = tpu.memref_slice %arg6[%dma_wait3A_615, %dma_wait3A_616] : memref<2x4x!tpu.dma_semaphore, #tpu.memory_space<semaphore_mem>> -> memref<1x1x!tpu.dma_semaphore, #tpu.memory_space<semaphore_mem>>
    %dma_wait3A_624 = tpu.memref_squeeze %dma_wait3A_623 : memref<1x1x!tpu.dma_semaphore, #tpu.memory_space<semaphore_mem>> -> memref<!tpu.dma_semaphore, #tpu.memory_space<semaphore_mem>>
    %dma_wait3A_625 = arith.constant 0 : i32
    %dma_wait3A_626 = tpu.memref_slice %arg3[%add3A_613, %dma_wait3A_625] : memref<32768x1024xf32, #tpu.memory_space<hbm>> -> memref<32x1024xf32, #tpu.memory_space<hbm>>
    %dma_wait3A_627 = arith.constant 0 : i32
    %dma_wait3A_628 = arith.constant 0 : i32
    %dma_wait3A_629 = tpu.memref_slice %arg4[%dma_wait3A_614, %dma_wait3A_627, %dma_wait3A_628] : memref<2x32x1024xf32, #tpu.memory_space<vmem>> -> memref<1x32x1024xf32, #tpu.memory_space<vmem>>
    %dma_wait3A_630 = tpu.memref_squeeze %dma_wait3A_629 : memref<1x32x1024xf32, #tpu.memory_space<vmem>> -> memref<32x1024xf32, #tpu.memory_space<vmem>>
    tpu.wait_dma2 semaphore(%dma_wait3A_624 : memref<!tpu.dma_semaphore, #tpu.memory_space<semaphore_mem>>) src(%dma_wait3A_630 : memref<32x1024xf32, #tpu.memory_space<vmem>>) dst(%dma_wait3A_626 : memref<32x1024xf32, #tpu.memory_space<hbm>>)
    %add3A_631 = arith.constant 128 : i32
    %add3A_632 = arith.addi %mul3A_2, %add3A_631 : i32
    %dma_start3A_633 = arith.constant 0 : i32
    %dma_start3A_634 = arith.constant 0 : i32
    %dma_start3A_635 = arith.constant 0 : i32
    %dma_start3A_636 = arith.constant 0 : i32
    %dma_start3A_637 = tpu.memref_slice %arg4[%dma_start3A_633, %dma_start3A_635, %dma_start3A_636] : memref<2x32x1024xf32, #tpu.memory_space<vmem>> -> memref<1x32x1024xf32, #tpu.memory_space<vmem>>
    %dma_start3A_638 = tpu.memref_squeeze %dma_start3A_637 : memref<1x32x1024xf32, #tpu.memory_space<vmem>> -> memref<32x1024xf32, #tpu.memory_space<vmem>>
    %dma_start3A_639 = arith.constant 0 : i32
    %dma_start3A_640 = tpu.memref_slice %arg2[%add3A_632, %dma_start3A_639] : memref<8192x1024xf32, #tpu.memory_space<hbm>> -> memref<32x1024xf32, #tpu.memory_space<hbm>>
    %dma_start3A_641 = tpu.memref_slice %arg5[%dma_start3A_634] : memref<2x!tpu.dma_semaphore, #tpu.memory_space<semaphore_mem>> -> memref<1x!tpu.dma_semaphore, #tpu.memory_space<semaphore_mem>>
    %dma_start3A_642 = tpu.memref_squeeze %dma_start3A_641 : memref<1x!tpu.dma_semaphore, #tpu.memory_space<semaphore_mem>> -> memref<!tpu.dma_semaphore, #tpu.memory_space<semaphore_mem>>
    %dma_start3A_643 = arith.constant 0 : i32
    %dma_start3A_644 = arith.constant 0 : i32
    %dma_start3A_645 = tpu.memref_slice %arg4[%dma_start3A_633, %dma_start3A_643, %dma_start3A_644] : memref<2x32x1024xf32, #tpu.memory_space<vmem>> -> memref<1x32x1024xf32, #tpu.memory_space<vmem>>
    %dma_start3A_646 = tpu.memref_squeeze %dma_start3A_645 : memref<1x32x1024xf32, #tpu.memory_space<vmem>> -> memref<32x1024xf32, #tpu.memory_space<vmem>>
    %dma_start3A_647 = arith.constant 0 : i32
    %dma_start3A_648 = tpu.memref_slice %arg2[%add3A_632, %dma_start3A_647] : memref<8192x1024xf32, #tpu.memory_space<hbm>> -> memref<32x1024xf32, #tpu.memory_space<hbm>>
    tpu.enqueue_dma source(%dma_start3A_648 : memref<32x1024xf32, #tpu.memory_space<hbm>>) target(%dma_start3A_646 : memref<32x1024xf32, #tpu.memory_space<vmem>>) target_semaphore(%dma_start3A_642 : memref<!tpu.dma_semaphore, #tpu.memory_space<semaphore_mem>>)
    %add3A_649 = arith.constant 96 : i32
    %add3A_650 = arith.addi %mul3A_2, %add3A_649 : i32
    %dma_wait3A_651 = arith.constant 1 : i32
    %dma_wait3A_652 = arith.constant 1 : i32
    %dma_wait3A_653 = arith.constant 0 : i32
    %dma_wait3A_654 = arith.constant 0 : i32
    %dma_wait3A_655 = tpu.memref_slice %arg4[%dma_wait3A_651, %dma_wait3A_653, %dma_wait3A_654] : memref<2x32x1024xf32, #tpu.memory_space<vmem>> -> memref<1x32x1024xf32, #tpu.memory_space<vmem>>
    %dma_wait3A_656 = tpu.memref_squeeze %dma_wait3A_655 : memref<1x32x1024xf32, #tpu.memory_space<vmem>> -> memref<32x1024xf32, #tpu.memory_space<vmem>>
    %dma_wait3A_657 = arith.constant 0 : i32
    %dma_wait3A_658 = tpu.memref_slice %arg2[%add3A_650, %dma_wait3A_657] : memref<8192x1024xf32, #tpu.memory_space<hbm>> -> memref<32x1024xf32, #tpu.memory_space<hbm>>
    %dma_wait3A_659 = tpu.memref_slice %arg5[%dma_wait3A_652] : memref<2x!tpu.dma_semaphore, #tpu.memory_space<semaphore_mem>> -> memref<1x!tpu.dma_semaphore, #tpu.memory_space<semaphore_mem>>
    %dma_wait3A_660 = tpu.memref_squeeze %dma_wait3A_659 : memref<1x!tpu.dma_semaphore, #tpu.memory_space<semaphore_mem>> -> memref<!tpu.dma_semaphore, #tpu.memory_space<semaphore_mem>>
    %dma_wait3A_661 = arith.constant 0 : i32
    %dma_wait3A_662 = arith.constant 0 : i32
    %dma_wait3A_663 = tpu.memref_slice %arg4[%dma_wait3A_651, %dma_wait3A_661, %dma_wait3A_662] : memref<2x32x1024xf32, #tpu.memory_space<vmem>> -> memref<1x32x1024xf32, #tpu.memory_space<vmem>>
    %dma_wait3A_664 = tpu.memref_squeeze %dma_wait3A_663 : memref<1x32x1024xf32, #tpu.memory_space<vmem>> -> memref<32x1024xf32, #tpu.memory_space<vmem>>
    %dma_wait3A_665 = arith.constant 0 : i32
    %dma_wait3A_666 = tpu.memref_slice %arg2[%add3A_650, %dma_wait3A_665] : memref<8192x1024xf32, #tpu.memory_space<hbm>> -> memref<32x1024xf32, #tpu.memory_space<hbm>>
    tpu.wait_dma2 semaphore(%dma_wait3A_660 : memref<!tpu.dma_semaphore, #tpu.memory_space<semaphore_mem>>) src(%dma_wait3A_666 : memref<32x1024xf32, #tpu.memory_space<hbm>>) dst(%dma_wait3A_664 : memref<32x1024xf32, #tpu.memory_space<vmem>>)
    %add3A_667 = arith.constant 0 : i32
    %add3A_668 = arith.addi %add3A_667, %mul3A_2 : i32
    %add3A_669 = arith.constant 96 : i32
    %add3A_670 = arith.addi %add3A_668, %add3A_669 : i32
    %dma_start3A_671 = arith.constant 1 : i32
    %dma_start3A_672 = arith.constant 1 : i32
    %dma_start3A_673 = arith.constant 0 : i32
    %dma_start3A_674 = arith.constant 0 : i32
    %dma_start3A_675 = arith.constant 0 : i32
    %dma_start3A_676 = tpu.memref_slice %arg4[%dma_start3A_671, %dma_start3A_674, %dma_start3A_675] : memref<2x32x1024xf32, #tpu.memory_space<vmem>> -> memref<1x32x1024xf32, #tpu.memory_space<vmem>>
    %dma_start3A_677 = tpu.memref_squeeze %dma_start3A_676 : memref<1x32x1024xf32, #tpu.memory_space<vmem>> -> memref<32x1024xf32, #tpu.memory_space<vmem>>
    %dma_start3A_678 = arith.constant 0 : i32
    %dma_start3A_679 = tpu.memref_slice %arg3[%add3A_670, %dma_start3A_678] : memref<32768x1024xf32, #tpu.memory_space<hbm>> -> memref<32x1024xf32, #tpu.memory_space<hbm>>
    %dma_start3A_680 = tpu.memref_slice %arg6[%dma_start3A_672, %dma_start3A_673] : memref<2x4x!tpu.dma_semaphore, #tpu.memory_space<semaphore_mem>> -> memref<1x1x!tpu.dma_semaphore, #tpu.memory_space<semaphore_mem>>
    %dma_start3A_681 = tpu.memref_squeeze %dma_start3A_680 : memref<1x1x!tpu.dma_semaphore, #tpu.memory_space<semaphore_mem>> -> memref<!tpu.dma_semaphore, #tpu.memory_space<semaphore_mem>>
    %dma_start3A_682 = arith.constant 0 : i32
    %dma_start3A_683 = tpu.memref_slice %arg3[%add3A_670, %dma_start3A_682] : memref<32768x1024xf32, #tpu.memory_space<hbm>> -> memref<32x1024xf32, #tpu.memory_space<hbm>>
    %dma_start3A_684 = arith.constant 0 : i32
    %dma_start3A_685 = arith.constant 0 : i32
    %dma_start3A_686 = tpu.memref_slice %arg4[%dma_start3A_671, %dma_start3A_684, %dma_start3A_685] : memref<2x32x1024xf32, #tpu.memory_space<vmem>> -> memref<1x32x1024xf32, #tpu.memory_space<vmem>>
    %dma_start3A_687 = tpu.memref_squeeze %dma_start3A_686 : memref<1x32x1024xf32, #tpu.memory_space<vmem>> -> memref<32x1024xf32, #tpu.memory_space<vmem>>
    tpu.enqueue_dma source(%dma_start3A_687 : memref<32x1024xf32, #tpu.memory_space<vmem>>) target(%dma_start3A_683 : memref<32x1024xf32, #tpu.memory_space<hbm>>) target_semaphore(%dma_start3A_681 : memref<!tpu.dma_semaphore, #tpu.memory_space<semaphore_mem>>)
    %add3A_688 = arith.constant 8192 : i32
    %add3A_689 = arith.addi %add3A_688, %mul3A_2 : i32
    %add3A_690 = arith.constant 96 : i32
    %add3A_691 = arith.addi %add3A_689, %add3A_690 : i32
    %dma_start3A_692 = arith.constant 1 : i32
    %dma_start3A_693 = arith.constant 1 : i32
    %dma_start3A_694 = arith.constant 1 : i32
    %dma_start3A_695 = arith.constant 0 : i32
    %dma_start3A_696 = arith.constant 0 : i32
    %dma_start3A_697 = tpu.memref_slice %arg4[%dma_start3A_692, %dma_start3A_695, %dma_start3A_696] : memref<2x32x1024xf32, #tpu.memory_space<vmem>> -> memref<1x32x1024xf32, #tpu.memory_space<vmem>>
    %dma_start3A_698 = tpu.memref_squeeze %dma_start3A_697 : memref<1x32x1024xf32, #tpu.memory_space<vmem>> -> memref<32x1024xf32, #tpu.memory_space<vmem>>
    %dma_start3A_699 = arith.constant 0 : i32
    %dma_start3A_700 = tpu.memref_slice %arg3[%add3A_691, %dma_start3A_699] : memref<32768x1024xf32, #tpu.memory_space<hbm>> -> memref<32x1024xf32, #tpu.memory_space<hbm>>
    %dma_start3A_701 = tpu.memref_slice %arg6[%dma_start3A_693, %dma_start3A_694] : memref<2x4x!tpu.dma_semaphore, #tpu.memory_space<semaphore_mem>> -> memref<1x1x!tpu.dma_semaphore, #tpu.memory_space<semaphore_mem>>
    %dma_start3A_702 = tpu.memref_squeeze %dma_start3A_701 : memref<1x1x!tpu.dma_semaphore, #tpu.memory_space<semaphore_mem>> -> memref<!tpu.dma_semaphore, #tpu.memory_space<semaphore_mem>>
    %dma_start3A_703 = arith.constant 0 : i32
    %dma_start3A_704 = tpu.memref_slice %arg3[%add3A_691, %dma_start3A_703] : memref<32768x1024xf32, #tpu.memory_space<hbm>> -> memref<32x1024xf32, #tpu.memory_space<hbm>>
    %dma_start3A_705 = arith.constant 0 : i32
    %dma_start3A_706 = arith.constant 0 : i32
    %dma_start3A_707 = tpu.memref_slice %arg4[%dma_start3A_692, %dma_start3A_705, %dma_start3A_706] : memref<2x32x1024xf32, #tpu.memory_space<vmem>> -> memref<1x32x1024xf32, #tpu.memory_space<vmem>>
    %dma_start3A_708 = tpu.memref_squeeze %dma_start3A_707 : memref<1x32x1024xf32, #tpu.memory_space<vmem>> -> memref<32x1024xf32, #tpu.memory_space<vmem>>
    tpu.enqueue_dma source(%dma_start3A_708 : memref<32x1024xf32, #tpu.memory_space<vmem>>) target(%dma_start3A_704 : memref<32x1024xf32, #tpu.memory_space<hbm>>) target_semaphore(%dma_start3A_702 : memref<!tpu.dma_semaphore, #tpu.memory_space<semaphore_mem>>)
    %add3A_709 = arith.constant 16384 : i32
    %add3A_710 = arith.addi %add3A_709, %mul3A_2 : i32
    %add3A_711 = arith.constant 96 : i32
    %add3A_712 = arith.addi %add3A_710, %add3A_711 : i32
    %dma_start3A_713 = arith.constant 1 : i32
    %dma_start3A_714 = arith.constant 1 : i32
    %dma_start3A_715 = arith.constant 2 : i32
    %dma_start3A_716 = arith.constant 0 : i32
    %dma_start3A_717 = arith.constant 0 : i32
    %dma_start3A_718 = tpu.memref_slice %arg4[%dma_start3A_713, %dma_start3A_716, %dma_start3A_717] : memref<2x32x1024xf32, #tpu.memory_space<vmem>> -> memref<1x32x1024xf32, #tpu.memory_space<vmem>>
    %dma_start3A_719 = tpu.memref_squeeze %dma_start3A_718 : memref<1x32x1024xf32, #tpu.memory_space<vmem>> -> memref<32x1024xf32, #tpu.memory_space<vmem>>
    %dma_start3A_720 = arith.constant 0 : i32
    %dma_start3A_721 = tpu.memref_slice %arg3[%add3A_712, %dma_start3A_720] : memref<32768x1024xf32, #tpu.memory_space<hbm>> -> memref<32x1024xf32, #tpu.memory_space<hbm>>
    %dma_start3A_722 = tpu.memref_slice %arg6[%dma_start3A_714, %dma_start3A_715] : memref<2x4x!tpu.dma_semaphore, #tpu.memory_space<semaphore_mem>> -> memref<1x1x!tpu.dma_semaphore, #tpu.memory_space<semaphore_mem>>
    %dma_start3A_723 = tpu.memref_squeeze %dma_start3A_722 : memref<1x1x!tpu.dma_semaphore, #tpu.memory_space<semaphore_mem>> -> memref<!tpu.dma_semaphore, #tpu.memory_space<semaphore_mem>>
    %dma_start3A_724 = arith.constant 0 : i32
    %dma_start3A_725 = tpu.memref_slice %arg3[%add3A_712, %dma_start3A_724] : memref<32768x1024xf32, #tpu.memory_space<hbm>> -> memref<32x1024xf32, #tpu.memory_space<hbm>>
    %dma_start3A_726 = arith.constant 0 : i32
    %dma_start3A_727 = arith.constant 0 : i32
    %dma_start3A_728 = tpu.memref_slice %arg4[%dma_start3A_713, %dma_start3A_726, %dma_start3A_727] : memref<2x32x1024xf32, #tpu.memory_space<vmem>> -> memref<1x32x1024xf32, #tpu.memory_space<vmem>>
    %dma_start3A_729 = tpu.memref_squeeze %dma_start3A_728 : memref<1x32x1024xf32, #tpu.memory_space<vmem>> -> memref<32x1024xf32, #tpu.memory_space<vmem>>
    tpu.enqueue_dma source(%dma_start3A_729 : memref<32x1024xf32, #tpu.memory_space<vmem>>) target(%dma_start3A_725 : memref<32x1024xf32, #tpu.memory_space<hbm>>) target_semaphore(%dma_start3A_723 : memref<!tpu.dma_semaphore, #tpu.memory_space<semaphore_mem>>)
    %add3A_730 = arith.constant 24576 : i32
    %add3A_731 = arith.addi %add3A_730, %mul3A_2 : i32
    %add3A_732 = arith.constant 96 : i32
    %add3A_733 = arith.addi %add3A_731, %add3A_732 : i32
    %dma_start3A_734 = arith.constant 1 : i32
    %dma_start3A_735 = arith.constant 1 : i32
    %dma_start3A_736 = arith.constant 3 : i32
    %dma_start3A_737 = arith.constant 0 : i32
    %dma_start3A_738 = arith.constant 0 : i32
    %dma_start3A_739 = tpu.memref_slice %arg4[%dma_start3A_734, %dma_start3A_737, %dma_start3A_738] : memref<2x32x1024xf32, #tpu.memory_space<vmem>> -> memref<1x32x1024xf32, #tpu.memory_space<vmem>>
    %dma_start3A_740 = tpu.memref_squeeze %dma_start3A_739 : memref<1x32x1024xf32, #tpu.memory_space<vmem>> -> memref<32x1024xf32, #tpu.memory_space<vmem>>
    %dma_start3A_741 = arith.constant 0 : i32
    %dma_start3A_742 = tpu.memref_slice %arg3[%add3A_733, %dma_start3A_741] : memref<32768x1024xf32, #tpu.memory_space<hbm>> -> memref<32x1024xf32, #tpu.memory_space<hbm>>
    %dma_start3A_743 = tpu.memref_slice %arg6[%dma_start3A_735, %dma_start3A_736] : memref<2x4x!tpu.dma_semaphore, #tpu.memory_space<semaphore_mem>> -> memref<1x1x!tpu.dma_semaphore, #tpu.memory_space<semaphore_mem>>
    %dma_start3A_744 = tpu.memref_squeeze %dma_start3A_743 : memref<1x1x!tpu.dma_semaphore, #tpu.memory_space<semaphore_mem>> -> memref<!tpu.dma_semaphore, #tpu.memory_space<semaphore_mem>>
    %dma_start3A_745 = arith.constant 0 : i32
    %dma_start3A_746 = tpu.memref_slice %arg3[%add3A_733, %dma_start3A_745] : memref<32768x1024xf32, #tpu.memory_space<hbm>> -> memref<32x1024xf32, #tpu.memory_space<hbm>>
    %dma_start3A_747 = arith.constant 0 : i32
    %dma_start3A_748 = arith.constant 0 : i32
    %dma_start3A_749 = tpu.memref_slice %arg4[%dma_start3A_734, %dma_start3A_747, %dma_start3A_748] : memref<2x32x1024xf32, #tpu.memory_space<vmem>> -> memref<1x32x1024xf32, #tpu.memory_space<vmem>>
    %dma_start3A_750 = tpu.memref_squeeze %dma_start3A_749 : memref<1x32x1024xf32, #tpu.memory_space<vmem>> -> memref<32x1024xf32, #tpu.memory_space<vmem>>
    tpu.enqueue_dma source(%dma_start3A_750 : memref<32x1024xf32, #tpu.memory_space<vmem>>) target(%dma_start3A_746 : memref<32x1024xf32, #tpu.memory_space<hbm>>) target_semaphore(%dma_start3A_744 : memref<!tpu.dma_semaphore, #tpu.memory_space<semaphore_mem>>)
    %add3A_751 = arith.constant 0 : i32
    %add3A_752 = arith.addi %add3A_751, %mul3A_2 : i32
    %add3A_753 = arith.constant 96 : i32
    %add3A_754 = arith.addi %add3A_752, %add3A_753 : i32
    %dma_wait3A_755 = arith.constant 1 : i32
    %dma_wait3A_756 = arith.constant 1 : i32
    %dma_wait3A_757 = arith.constant 0 : i32
    %dma_wait3A_758 = arith.constant 0 : i32
    %dma_wait3A_759 = arith.constant 0 : i32
    %dma_wait3A_760 = tpu.memref_slice %arg4[%dma_wait3A_755, %dma_wait3A_758, %dma_wait3A_759] : memref<2x32x1024xf32, #tpu.memory_space<vmem>> -> memref<1x32x1024xf32, #tpu.memory_space<vmem>>
    %dma_wait3A_761 = tpu.memref_squeeze %dma_wait3A_760 : memref<1x32x1024xf32, #tpu.memory_space<vmem>> -> memref<32x1024xf32, #tpu.memory_space<vmem>>
    %dma_wait3A_762 = arith.constant 0 : i32
    %dma_wait3A_763 = tpu.memref_slice %arg3[%add3A_754, %dma_wait3A_762] : memref<32768x1024xf32, #tpu.memory_space<hbm>> -> memref<32x1024xf32, #tpu.memory_space<hbm>>
    %dma_wait3A_764 = tpu.memref_slice %arg6[%dma_wait3A_756, %dma_wait3A_757] : memref<2x4x!tpu.dma_semaphore, #tpu.memory_space<semaphore_mem>> -> memref<1x1x!tpu.dma_semaphore, #tpu.memory_space<semaphore_mem>>
    %dma_wait3A_765 = tpu.memref_squeeze %dma_wait3A_764 : memref<1x1x!tpu.dma_semaphore, #tpu.memory_space<semaphore_mem>> -> memref<!tpu.dma_semaphore, #tpu.memory_space<semaphore_mem>>
    %dma_wait3A_766 = arith.constant 0 : i32
    %dma_wait3A_767 = tpu.memref_slice %arg3[%add3A_754, %dma_wait3A_766] : memref<32768x1024xf32, #tpu.memory_space<hbm>> -> memref<32x1024xf32, #tpu.memory_space<hbm>>
    %dma_wait3A_768 = arith.constant 0 : i32
    %dma_wait3A_769 = arith.constant 0 : i32
    %dma_wait3A_770 = tpu.memref_slice %arg4[%dma_wait3A_755, %dma_wait3A_768, %dma_wait3A_769] : memref<2x32x1024xf32, #tpu.memory_space<vmem>> -> memref<1x32x1024xf32, #tpu.memory_space<vmem>>
    %dma_wait3A_771 = tpu.memref_squeeze %dma_wait3A_770 : memref<1x32x1024xf32, #tpu.memory_space<vmem>> -> memref<32x1024xf32, #tpu.memory_space<vmem>>
    tpu.wait_dma2 semaphore(%dma_wait3A_765 : memref<!tpu.dma_semaphore, #tpu.memory_space<semaphore_mem>>) src(%dma_wait3A_771 : memref<32x1024xf32, #tpu.memory_space<vmem>>) dst(%dma_wait3A_767 : memref<32x1024xf32, #tpu.memory_space<hbm>>)
    %add3A_772 = arith.constant 8192 : i32
    %add3A_773 = arith.addi %add3A_772, %mul3A_2 : i32
    %add3A_774 = arith.constant 96 : i32
    %add3A_775 = arith.addi %add3A_773, %add3A_774 : i32
    %dma_wait3A_776 = arith.constant 1 : i32
    %dma_wait3A_777 = arith.constant 1 : i32
    %dma_wait3A_778 = arith.constant 1 : i32
    %dma_wait3A_779 = arith.constant 0 : i32
    %dma_wait3A_780 = arith.constant 0 : i32
    %dma_wait3A_781 = tpu.memref_slice %arg4[%dma_wait3A_776, %dma_wait3A_779, %dma_wait3A_780] : memref<2x32x1024xf32, #tpu.memory_space<vmem>> -> memref<1x32x1024xf32, #tpu.memory_space<vmem>>
    %dma_wait3A_782 = tpu.memref_squeeze %dma_wait3A_781 : memref<1x32x1024xf32, #tpu.memory_space<vmem>> -> memref<32x1024xf32, #tpu.memory_space<vmem>>
    %dma_wait3A_783 = arith.constant 0 : i32
    %dma_wait3A_784 = tpu.memref_slice %arg3[%add3A_775, %dma_wait3A_783] : memref<32768x1024xf32, #tpu.memory_space<hbm>> -> memref<32x1024xf32, #tpu.memory_space<hbm>>
    %dma_wait3A_785 = tpu.memref_slice %arg6[%dma_wait3A_777, %dma_wait3A_778] : memref<2x4x!tpu.dma_semaphore, #tpu.memory_space<semaphore_mem>> -> memref<1x1x!tpu.dma_semaphore, #tpu.memory_space<semaphore_mem>>
    %dma_wait3A_786 = tpu.memref_squeeze %dma_wait3A_785 : memref<1x1x!tpu.dma_semaphore, #tpu.memory_space<semaphore_mem>> -> memref<!tpu.dma_semaphore, #tpu.memory_space<semaphore_mem>>
    %dma_wait3A_787 = arith.constant 0 : i32
    %dma_wait3A_788 = tpu.memref_slice %arg3[%add3A_775, %dma_wait3A_787] : memref<32768x1024xf32, #tpu.memory_space<hbm>> -> memref<32x1024xf32, #tpu.memory_space<hbm>>
    %dma_wait3A_789 = arith.constant 0 : i32
    %dma_wait3A_790 = arith.constant 0 : i32
    %dma_wait3A_791 = tpu.memref_slice %arg4[%dma_wait3A_776, %dma_wait3A_789, %dma_wait3A_790] : memref<2x32x1024xf32, #tpu.memory_space<vmem>> -> memref<1x32x1024xf32, #tpu.memory_space<vmem>>
    %dma_wait3A_792 = tpu.memref_squeeze %dma_wait3A_791 : memref<1x32x1024xf32, #tpu.memory_space<vmem>> -> memref<32x1024xf32, #tpu.memory_space<vmem>>
    tpu.wait_dma2 semaphore(%dma_wait3A_786 : memref<!tpu.dma_semaphore, #tpu.memory_space<semaphore_mem>>) src(%dma_wait3A_792 : memref<32x1024xf32, #tpu.memory_space<vmem>>) dst(%dma_wait3A_788 : memref<32x1024xf32, #tpu.memory_space<hbm>>)
    %add3A_793 = arith.constant 16384 : i32
    %add3A_794 = arith.addi %add3A_793, %mul3A_2 : i32
    %add3A_795 = arith.constant 96 : i32
    %add3A_796 = arith.addi %add3A_794, %add3A_795 : i32
    %dma_wait3A_797 = arith.constant 1 : i32
    %dma_wait3A_798 = arith.constant 1 : i32
    %dma_wait3A_799 = arith.constant 2 : i32
    %dma_wait3A_800 = arith.constant 0 : i32
    %dma_wait3A_801 = arith.constant 0 : i32
    %dma_wait3A_802 = tpu.memref_slice %arg4[%dma_wait3A_797, %dma_wait3A_800, %dma_wait3A_801] : memref<2x32x1024xf32, #tpu.memory_space<vmem>> -> memref<1x32x1024xf32, #tpu.memory_space<vmem>>
    %dma_wait3A_803 = tpu.memref_squeeze %dma_wait3A_802 : memref<1x32x1024xf32, #tpu.memory_space<vmem>> -> memref<32x1024xf32, #tpu.memory_space<vmem>>
    %dma_wait3A_804 = arith.constant 0 : i32
    %dma_wait3A_805 = tpu.memref_slice %arg3[%add3A_796, %dma_wait3A_804] : memref<32768x1024xf32, #tpu.memory_space<hbm>> -> memref<32x1024xf32, #tpu.memory_space<hbm>>
    %dma_wait3A_806 = tpu.memref_slice %arg6[%dma_wait3A_798, %dma_wait3A_799] : memref<2x4x!tpu.dma_semaphore, #tpu.memory_space<semaphore_mem>> -> memref<1x1x!tpu.dma_semaphore, #tpu.memory_space<semaphore_mem>>
    %dma_wait3A_807 = tpu.memref_squeeze %dma_wait3A_806 : memref<1x1x!tpu.dma_semaphore, #tpu.memory_space<semaphore_mem>> -> memref<!tpu.dma_semaphore, #tpu.memory_space<semaphore_mem>>
    %dma_wait3A_808 = arith.constant 0 : i32
    %dma_wait3A_809 = tpu.memref_slice %arg3[%add3A_796, %dma_wait3A_808] : memref<32768x1024xf32, #tpu.memory_space<hbm>> -> memref<32x1024xf32, #tpu.memory_space<hbm>>
    %dma_wait3A_810 = arith.constant 0 : i32
    %dma_wait3A_811 = arith.constant 0 : i32
    %dma_wait3A_812 = tpu.memref_slice %arg4[%dma_wait3A_797, %dma_wait3A_810, %dma_wait3A_811] : memref<2x32x1024xf32, #tpu.memory_space<vmem>> -> memref<1x32x1024xf32, #tpu.memory_space<vmem>>
    %dma_wait3A_813 = tpu.memref_squeeze %dma_wait3A_812 : memref<1x32x1024xf32, #tpu.memory_space<vmem>> -> memref<32x1024xf32, #tpu.memory_space<vmem>>
    tpu.wait_dma2 semaphore(%dma_wait3A_807 : memref<!tpu.dma_semaphore, #tpu.memory_space<semaphore_mem>>) src(%dma_wait3A_813 : memref<32x1024xf32, #tpu.memory_space<vmem>>) dst(%dma_wait3A_809 : memref<32x1024xf32, #tpu.memory_space<hbm>>)
    %add3A_814 = arith.constant 24576 : i32
    %add3A_815 = arith.addi %add3A_814, %mul3A_2 : i32
    %add3A_816 = arith.constant 96 : i32
    %add3A_817 = arith.addi %add3A_815, %add3A_816 : i32
    %dma_wait3A_818 = arith.constant 1 : i32
    %dma_wait3A_819 = arith.constant 1 : i32
    %dma_wait3A_820 = arith.constant 3 : i32
    %dma_wait3A_821 = arith.constant 0 : i32
    %dma_wait3A_822 = arith.constant 0 : i32
    %dma_wait3A_823 = tpu.memref_slice %arg4[%dma_wait3A_818, %dma_wait3A_821, %dma_wait3A_822] : memref<2x32x1024xf32, #tpu.memory_space<vmem>> -> memref<1x32x1024xf32, #tpu.memory_space<vmem>>
    %dma_wait3A_824 = tpu.memref_squeeze %dma_wait3A_823 : memref<1x32x1024xf32, #tpu.memory_space<vmem>> -> memref<32x1024xf32, #tpu.memory_space<vmem>>
    %dma_wait3A_825 = arith.constant 0 : i32
    %dma_wait3A_826 = tpu.memref_slice %arg3[%add3A_817, %dma_wait3A_825] : memref<32768x1024xf32, #tpu.memory_space<hbm>> -> memref<32x1024xf32, #tpu.memory_space<hbm>>
    %dma_wait3A_827 = tpu.memref_slice %arg6[%dma_wait3A_819, %dma_wait3A_820] : memref<2x4x!tpu.dma_semaphore, #tpu.memory_space<semaphore_mem>> -> memref<1x1x!tpu.dma_semaphore, #tpu.memory_space<semaphore_mem>>
    %dma_wait3A_828 = tpu.memref_squeeze %dma_wait3A_827 : memref<1x1x!tpu.dma_semaphore, #tpu.memory_space<semaphore_mem>> -> memref<!tpu.dma_semaphore, #tpu.memory_space<semaphore_mem>>
    %dma_wait3A_829 = arith.constant 0 : i32
    %dma_wait3A_830 = tpu.memref_slice %arg3[%add3A_817, %dma_wait3A_829] : memref<32768x1024xf32, #tpu.memory_space<hbm>> -> memref<32x1024xf32, #tpu.memory_space<hbm>>
    %dma_wait3A_831 = arith.constant 0 : i32
    %dma_wait3A_832 = arith.constant 0 : i32
    %dma_wait3A_833 = tpu.memref_slice %arg4[%dma_wait3A_818, %dma_wait3A_831, %dma_wait3A_832] : memref<2x32x1024xf32, #tpu.memory_space<vmem>> -> memref<1x32x1024xf32, #tpu.memory_space<vmem>>
    %dma_wait3A_834 = tpu.memref_squeeze %dma_wait3A_833 : memref<1x32x1024xf32, #tpu.memory_space<vmem>> -> memref<32x1024xf32, #tpu.memory_space<vmem>>
    tpu.wait_dma2 semaphore(%dma_wait3A_828 : memref<!tpu.dma_semaphore, #tpu.memory_space<semaphore_mem>>) src(%dma_wait3A_834 : memref<32x1024xf32, #tpu.memory_space<vmem>>) dst(%dma_wait3A_830 : memref<32x1024xf32, #tpu.memory_space<hbm>>)
    %add3A_835 = arith.constant 160 : i32
    %add3A_836 = arith.addi %mul3A_2, %add3A_835 : i32
    %dma_start3A_837 = arith.constant 1 : i32
    %dma_start3A_838 = arith.constant 1 : i32
    %dma_start3A_839 = arith.constant 0 : i32
    %dma_start3A_840 = arith.constant 0 : i32
    %dma_start3A_841 = tpu.memref_slice %arg4[%dma_start3A_837, %dma_start3A_839, %dma_start3A_840] : memref<2x32x1024xf32, #tpu.memory_space<vmem>> -> memref<1x32x1024xf32, #tpu.memory_space<vmem>>
    %dma_start3A_842 = tpu.memref_squeeze %dma_start3A_841 : memref<1x32x1024xf32, #tpu.memory_space<vmem>> -> memref<32x1024xf32, #tpu.memory_space<vmem>>
    %dma_start3A_843 = arith.constant 0 : i32
    %dma_start3A_844 = tpu.memref_slice %arg2[%add3A_836, %dma_start3A_843] : memref<8192x1024xf32, #tpu.memory_space<hbm>> -> memref<32x1024xf32, #tpu.memory_space<hbm>>
    %dma_start3A_845 = tpu.memref_slice %arg5[%dma_start3A_838] : memref<2x!tpu.dma_semaphore, #tpu.memory_space<semaphore_mem>> -> memref<1x!tpu.dma_semaphore, #tpu.memory_space<semaphore_mem>>
    %dma_start3A_846 = tpu.memref_squeeze %dma_start3A_845 : memref<1x!tpu.dma_semaphore, #tpu.memory_space<semaphore_mem>> -> memref<!tpu.dma_semaphore, #tpu.memory_space<semaphore_mem>>
    %dma_start3A_847 = arith.constant 0 : i32
    %dma_start3A_848 = arith.constant 0 : i32
    %dma_start3A_849 = tpu.memref_slice %arg4[%dma_start3A_837, %dma_start3A_847, %dma_start3A_848] : memref<2x32x1024xf32, #tpu.memory_space<vmem>> -> memref<1x32x1024xf32, #tpu.memory_space<vmem>>
    %dma_start3A_850 = tpu.memref_squeeze %dma_start3A_849 : memref<1x32x1024xf32, #tpu.memory_space<vmem>> -> memref<32x1024xf32, #tpu.memory_space<vmem>>
    %dma_start3A_851 = arith.constant 0 : i32
    %dma_start3A_852 = tpu.memref_slice %arg2[%add3A_836, %dma_start3A_851] : memref<8192x1024xf32, #tpu.memory_space<hbm>> -> memref<32x1024xf32, #tpu.memory_space<hbm>>
    tpu.enqueue_dma source(%dma_start3A_852 : memref<32x1024xf32, #tpu.memory_space<hbm>>) target(%dma_start3A_850 : memref<32x1024xf32, #tpu.memory_space<vmem>>) target_semaphore(%dma_start3A_846 : memref<!tpu.dma_semaphore, #tpu.memory_space<semaphore_mem>>)
    %add3A_853 = arith.constant 128 : i32
    %add3A_854 = arith.addi %mul3A_2, %add3A_853 : i32
    %dma_wait3A_855 = arith.constant 0 : i32
    %dma_wait3A_856 = arith.constant 0 : i32
    %dma_wait3A_857 = arith.constant 0 : i32
    %dma_wait3A_858 = arith.constant 0 : i32
    %dma_wait3A_859 = tpu.memref_slice %arg4[%dma_wait3A_855, %dma_wait3A_857, %dma_wait3A_858] : memref<2x32x1024xf32, #tpu.memory_space<vmem>> -> memref<1x32x1024xf32, #tpu.memory_space<vmem>>
    %dma_wait3A_860 = tpu.memref_squeeze %dma_wait3A_859 : memref<1x32x1024xf32, #tpu.memory_space<vmem>> -> memref<32x1024xf32, #tpu.memory_space<vmem>>
    %dma_wait3A_861 = arith.constant 0 : i32
    %dma_wait3A_862 = tpu.memref_slice %arg2[%add3A_854, %dma_wait3A_861] : memref<8192x1024xf32, #tpu.memory_space<hbm>> -> memref<32x1024xf32, #tpu.memory_space<hbm>>
    %dma_wait3A_863 = tpu.memref_slice %arg5[%dma_wait3A_856] : memref<2x!tpu.dma_semaphore, #tpu.memory_space<semaphore_mem>> -> memref<1x!tpu.dma_semaphore, #tpu.memory_space<semaphore_mem>>
    %dma_wait3A_864 = tpu.memref_squeeze %dma_wait3A_863 : memref<1x!tpu.dma_semaphore, #tpu.memory_space<semaphore_mem>> -> memref<!tpu.dma_semaphore, #tpu.memory_space<semaphore_mem>>
    %dma_wait3A_865 = arith.constant 0 : i32
    %dma_wait3A_866 = arith.constant 0 : i32
    %dma_wait3A_867 = tpu.memref_slice %arg4[%dma_wait3A_855, %dma_wait3A_865, %dma_wait3A_866] : memref<2x32x1024xf32, #tpu.memory_space<vmem>> -> memref<1x32x1024xf32, #tpu.memory_space<vmem>>
    %dma_wait3A_868 = tpu.memref_squeeze %dma_wait3A_867 : memref<1x32x1024xf32, #tpu.memory_space<vmem>> -> memref<32x1024xf32, #tpu.memory_space<vmem>>
    %dma_wait3A_869 = arith.constant 0 : i32
    %dma_wait3A_870 = tpu.memref_slice %arg2[%add3A_854, %dma_wait3A_869] : memref<8192x1024xf32, #tpu.memory_space<hbm>> -> memref<32x1024xf32, #tpu.memory_space<hbm>>
    tpu.wait_dma2 semaphore(%dma_wait3A_864 : memref<!tpu.dma_semaphore, #tpu.memory_space<semaphore_mem>>) src(%dma_wait3A_870 : memref<32x1024xf32, #tpu.memory_space<hbm>>) dst(%dma_wait3A_868 : memref<32x1024xf32, #tpu.memory_space<vmem>>)
    %add3A_871 = arith.constant 0 : i32
    %add3A_872 = arith.addi %add3A_871, %mul3A_2 : i32
    %add3A_873 = arith.constant 128 : i32
    %add3A_874 = arith.addi %add3A_872, %add3A_873 : i32
    %dma_start3A_875 = arith.constant 0 : i32
    %dma_start3A_876 = arith.constant 0 : i32
    %dma_start3A_877 = arith.constant 0 : i32
    %dma_start3A_878 = arith.constant 0 : i32
    %dma_start3A_879 = arith.constant 0 : i32
    %dma_start3A_880 = tpu.memref_slice %arg4[%dma_start3A_875, %dma_start3A_878, %dma_start3A_879] : memref<2x32x1024xf32, #tpu.memory_space<vmem>> -> memref<1x32x1024xf32, #tpu.memory_space<vmem>>
    %dma_start3A_881 = tpu.memref_squeeze %dma_start3A_880 : memref<1x32x1024xf32, #tpu.memory_space<vmem>> -> memref<32x1024xf32, #tpu.memory_space<vmem>>
    %dma_start3A_882 = arith.constant 0 : i32
    %dma_start3A_883 = tpu.memref_slice %arg3[%add3A_874, %dma_start3A_882] : memref<32768x1024xf32, #tpu.memory_space<hbm>> -> memref<32x1024xf32, #tpu.memory_space<hbm>>
    %dma_start3A_884 = tpu.memref_slice %arg6[%dma_start3A_876, %dma_start3A_877] : memref<2x4x!tpu.dma_semaphore, #tpu.memory_space<semaphore_mem>> -> memref<1x1x!tpu.dma_semaphore, #tpu.memory_space<semaphore_mem>>
    %dma_start3A_885 = tpu.memref_squeeze %dma_start3A_884 : memref<1x1x!tpu.dma_semaphore, #tpu.memory_space<semaphore_mem>> -> memref<!tpu.dma_semaphore, #tpu.memory_space<semaphore_mem>>
    %dma_start3A_886 = arith.constant 0 : i32
    %dma_start3A_887 = tpu.memref_slice %arg3[%add3A_874, %dma_start3A_886] : memref<32768x1024xf32, #tpu.memory_space<hbm>> -> memref<32x1024xf32, #tpu.memory_space<hbm>>
    %dma_start3A_888 = arith.constant 0 : i32
    %dma_start3A_889 = arith.constant 0 : i32
    %dma_start3A_890 = tpu.memref_slice %arg4[%dma_start3A_875, %dma_start3A_888, %dma_start3A_889] : memref<2x32x1024xf32, #tpu.memory_space<vmem>> -> memref<1x32x1024xf32, #tpu.memory_space<vmem>>
    %dma_start3A_891 = tpu.memref_squeeze %dma_start3A_890 : memref<1x32x1024xf32, #tpu.memory_space<vmem>> -> memref<32x1024xf32, #tpu.memory_space<vmem>>
    tpu.enqueue_dma source(%dma_start3A_891 : memref<32x1024xf32, #tpu.memory_space<vmem>>) target(%dma_start3A_887 : memref<32x1024xf32, #tpu.memory_space<hbm>>) target_semaphore(%dma_start3A_885 : memref<!tpu.dma_semaphore, #tpu.memory_space<semaphore_mem>>)
    %add3A_892 = arith.constant 8192 : i32
    %add3A_893 = arith.addi %add3A_892, %mul3A_2 : i32
    %add3A_894 = arith.constant 128 : i32
    %add3A_895 = arith.addi %add3A_893, %add3A_894 : i32
    %dma_start3A_896 = arith.constant 0 : i32
    %dma_start3A_897 = arith.constant 0 : i32
    %dma_start3A_898 = arith.constant 1 : i32
    %dma_start3A_899 = arith.constant 0 : i32
    %dma_start3A_900 = arith.constant 0 : i32
    %dma_start3A_901 = tpu.memref_slice %arg4[%dma_start3A_896, %dma_start3A_899, %dma_start3A_900] : memref<2x32x1024xf32, #tpu.memory_space<vmem>> -> memref<1x32x1024xf32, #tpu.memory_space<vmem>>
    %dma_start3A_902 = tpu.memref_squeeze %dma_start3A_901 : memref<1x32x1024xf32, #tpu.memory_space<vmem>> -> memref<32x1024xf32, #tpu.memory_space<vmem>>
    %dma_start3A_903 = arith.constant 0 : i32
    %dma_start3A_904 = tpu.memref_slice %arg3[%add3A_895, %dma_start3A_903] : memref<32768x1024xf32, #tpu.memory_space<hbm>> -> memref<32x1024xf32, #tpu.memory_space<hbm>>
    %dma_start3A_905 = tpu.memref_slice %arg6[%dma_start3A_897, %dma_start3A_898] : memref<2x4x!tpu.dma_semaphore, #tpu.memory_space<semaphore_mem>> -> memref<1x1x!tpu.dma_semaphore, #tpu.memory_space<semaphore_mem>>
    %dma_start3A_906 = tpu.memref_squeeze %dma_start3A_905 : memref<1x1x!tpu.dma_semaphore, #tpu.memory_space<semaphore_mem>> -> memref<!tpu.dma_semaphore, #tpu.memory_space<semaphore_mem>>
    %dma_start3A_907 = arith.constant 0 : i32
    %dma_start3A_908 = tpu.memref_slice %arg3[%add3A_895, %dma_start3A_907] : memref<32768x1024xf32, #tpu.memory_space<hbm>> -> memref<32x1024xf32, #tpu.memory_space<hbm>>
    %dma_start3A_909 = arith.constant 0 : i32
    %dma_start3A_910 = arith.constant 0 : i32
    %dma_start3A_911 = tpu.memref_slice %arg4[%dma_start3A_896, %dma_start3A_909, %dma_start3A_910] : memref<2x32x1024xf32, #tpu.memory_space<vmem>> -> memref<1x32x1024xf32, #tpu.memory_space<vmem>>
    %dma_start3A_912 = tpu.memref_squeeze %dma_start3A_911 : memref<1x32x1024xf32, #tpu.memory_space<vmem>> -> memref<32x1024xf32, #tpu.memory_space<vmem>>
    tpu.enqueue_dma source(%dma_start3A_912 : memref<32x1024xf32, #tpu.memory_space<vmem>>) target(%dma_start3A_908 : memref<32x1024xf32, #tpu.memory_space<hbm>>) target_semaphore(%dma_start3A_906 : memref<!tpu.dma_semaphore, #tpu.memory_space<semaphore_mem>>)
    %add3A_913 = arith.constant 16384 : i32
    %add3A_914 = arith.addi %add3A_913, %mul3A_2 : i32
    %add3A_915 = arith.constant 128 : i32
    %add3A_916 = arith.addi %add3A_914, %add3A_915 : i32
    %dma_start3A_917 = arith.constant 0 : i32
    %dma_start3A_918 = arith.constant 0 : i32
    %dma_start3A_919 = arith.constant 2 : i32
    %dma_start3A_920 = arith.constant 0 : i32
    %dma_start3A_921 = arith.constant 0 : i32
    %dma_start3A_922 = tpu.memref_slice %arg4[%dma_start3A_917, %dma_start3A_920, %dma_start3A_921] : memref<2x32x1024xf32, #tpu.memory_space<vmem>> -> memref<1x32x1024xf32, #tpu.memory_space<vmem>>
    %dma_start3A_923 = tpu.memref_squeeze %dma_start3A_922 : memref<1x32x1024xf32, #tpu.memory_space<vmem>> -> memref<32x1024xf32, #tpu.memory_space<vmem>>
    %dma_start3A_924 = arith.constant 0 : i32
    %dma_start3A_925 = tpu.memref_slice %arg3[%add3A_916, %dma_start3A_924] : memref<32768x1024xf32, #tpu.memory_space<hbm>> -> memref<32x1024xf32, #tpu.memory_space<hbm>>
    %dma_start3A_926 = tpu.memref_slice %arg6[%dma_start3A_918, %dma_start3A_919] : memref<2x4x!tpu.dma_semaphore, #tpu.memory_space<semaphore_mem>> -> memref<1x1x!tpu.dma_semaphore, #tpu.memory_space<semaphore_mem>>
    %dma_start3A_927 = tpu.memref_squeeze %dma_start3A_926 : memref<1x1x!tpu.dma_semaphore, #tpu.memory_space<semaphore_mem>> -> memref<!tpu.dma_semaphore, #tpu.memory_space<semaphore_mem>>
    %dma_start3A_928 = arith.constant 0 : i32
    %dma_start3A_929 = tpu.memref_slice %arg3[%add3A_916, %dma_start3A_928] : memref<32768x1024xf32, #tpu.memory_space<hbm>> -> memref<32x1024xf32, #tpu.memory_space<hbm>>
    %dma_start3A_930 = arith.constant 0 : i32
    %dma_start3A_931 = arith.constant 0 : i32
    %dma_start3A_932 = tpu.memref_slice %arg4[%dma_start3A_917, %dma_start3A_930, %dma_start3A_931] : memref<2x32x1024xf32, #tpu.memory_space<vmem>> -> memref<1x32x1024xf32, #tpu.memory_space<vmem>>
    %dma_start3A_933 = tpu.memref_squeeze %dma_start3A_932 : memref<1x32x1024xf32, #tpu.memory_space<vmem>> -> memref<32x1024xf32, #tpu.memory_space<vmem>>
    tpu.enqueue_dma source(%dma_start3A_933 : memref<32x1024xf32, #tpu.memory_space<vmem>>) target(%dma_start3A_929 : memref<32x1024xf32, #tpu.memory_space<hbm>>) target_semaphore(%dma_start3A_927 : memref<!tpu.dma_semaphore, #tpu.memory_space<semaphore_mem>>)
    %add3A_934 = arith.constant 24576 : i32
    %add3A_935 = arith.addi %add3A_934, %mul3A_2 : i32
    %add3A_936 = arith.constant 128 : i32
    %add3A_937 = arith.addi %add3A_935, %add3A_936 : i32
    %dma_start3A_938 = arith.constant 0 : i32
    %dma_start3A_939 = arith.constant 0 : i32
    %dma_start3A_940 = arith.constant 3 : i32
    %dma_start3A_941 = arith.constant 0 : i32
    %dma_start3A_942 = arith.constant 0 : i32
    %dma_start3A_943 = tpu.memref_slice %arg4[%dma_start3A_938, %dma_start3A_941, %dma_start3A_942] : memref<2x32x1024xf32, #tpu.memory_space<vmem>> -> memref<1x32x1024xf32, #tpu.memory_space<vmem>>
    %dma_start3A_944 = tpu.memref_squeeze %dma_start3A_943 : memref<1x32x1024xf32, #tpu.memory_space<vmem>> -> memref<32x1024xf32, #tpu.memory_space<vmem>>
    %dma_start3A_945 = arith.constant 0 : i32
    %dma_start3A_946 = tpu.memref_slice %arg3[%add3A_937, %dma_start3A_945] : memref<32768x1024xf32, #tpu.memory_space<hbm>> -> memref<32x1024xf32, #tpu.memory_space<hbm>>
    %dma_start3A_947 = tpu.memref_slice %arg6[%dma_start3A_939, %dma_start3A_940] : memref<2x4x!tpu.dma_semaphore, #tpu.memory_space<semaphore_mem>> -> memref<1x1x!tpu.dma_semaphore, #tpu.memory_space<semaphore_mem>>
    %dma_start3A_948 = tpu.memref_squeeze %dma_start3A_947 : memref<1x1x!tpu.dma_semaphore, #tpu.memory_space<semaphore_mem>> -> memref<!tpu.dma_semaphore, #tpu.memory_space<semaphore_mem>>
    %dma_start3A_949 = arith.constant 0 : i32
    %dma_start3A_950 = tpu.memref_slice %arg3[%add3A_937, %dma_start3A_949] : memref<32768x1024xf32, #tpu.memory_space<hbm>> -> memref<32x1024xf32, #tpu.memory_space<hbm>>
    %dma_start3A_951 = arith.constant 0 : i32
    %dma_start3A_952 = arith.constant 0 : i32
    %dma_start3A_953 = tpu.memref_slice %arg4[%dma_start3A_938, %dma_start3A_951, %dma_start3A_952] : memref<2x32x1024xf32, #tpu.memory_space<vmem>> -> memref<1x32x1024xf32, #tpu.memory_space<vmem>>
    %dma_start3A_954 = tpu.memref_squeeze %dma_start3A_953 : memref<1x32x1024xf32, #tpu.memory_space<vmem>> -> memref<32x1024xf32, #tpu.memory_space<vmem>>
    tpu.enqueue_dma source(%dma_start3A_954 : memref<32x1024xf32, #tpu.memory_space<vmem>>) target(%dma_start3A_950 : memref<32x1024xf32, #tpu.memory_space<hbm>>) target_semaphore(%dma_start3A_948 : memref<!tpu.dma_semaphore, #tpu.memory_space<semaphore_mem>>)
    %add3A_955 = arith.constant 0 : i32
    %add3A_956 = arith.addi %add3A_955, %mul3A_2 : i32
    %add3A_957 = arith.constant 128 : i32
    %add3A_958 = arith.addi %add3A_956, %add3A_957 : i32
    %dma_wait3A_959 = arith.constant 0 : i32
    %dma_wait3A_960 = arith.constant 0 : i32
    %dma_wait3A_961 = arith.constant 0 : i32
    %dma_wait3A_962 = arith.constant 0 : i32
    %dma_wait3A_963 = arith.constant 0 : i32
    %dma_wait3A_964 = tpu.memref_slice %arg4[%dma_wait3A_959, %dma_wait3A_962, %dma_wait3A_963] : memref<2x32x1024xf32, #tpu.memory_space<vmem>> -> memref<1x32x1024xf32, #tpu.memory_space<vmem>>
    %dma_wait3A_965 = tpu.memref_squeeze %dma_wait3A_964 : memref<1x32x1024xf32, #tpu.memory_space<vmem>> -> memref<32x1024xf32, #tpu.memory_space<vmem>>
    %dma_wait3A_966 = arith.constant 0 : i32
    %dma_wait3A_967 = tpu.memref_slice %arg3[%add3A_958, %dma_wait3A_966] : memref<32768x1024xf32, #tpu.memory_space<hbm>> -> memref<32x1024xf32, #tpu.memory_space<hbm>>
    %dma_wait3A_968 = tpu.memref_slice %arg6[%dma_wait3A_960, %dma_wait3A_961] : memref<2x4x!tpu.dma_semaphore, #tpu.memory_space<semaphore_mem>> -> memref<1x1x!tpu.dma_semaphore, #tpu.memory_space<semaphore_mem>>
    %dma_wait3A_969 = tpu.memref_squeeze %dma_wait3A_968 : memref<1x1x!tpu.dma_semaphore, #tpu.memory_space<semaphore_mem>> -> memref<!tpu.dma_semaphore, #tpu.memory_space<semaphore_mem>>
    %dma_wait3A_970 = arith.constant 0 : i32
    %dma_wait3A_971 = tpu.memref_slice %arg3[%add3A_958, %dma_wait3A_970] : memref<32768x1024xf32, #tpu.memory_space<hbm>> -> memref<32x1024xf32, #tpu.memory_space<hbm>>
    %dma_wait3A_972 = arith.constant 0 : i32
    %dma_wait3A_973 = arith.constant 0 : i32
    %dma_wait3A_974 = tpu.memref_slice %arg4[%dma_wait3A_959, %dma_wait3A_972, %dma_wait3A_973] : memref<2x32x1024xf32, #tpu.memory_space<vmem>> -> memref<1x32x1024xf32, #tpu.memory_space<vmem>>
    %dma_wait3A_975 = tpu.memref_squeeze %dma_wait3A_974 : memref<1x32x1024xf32, #tpu.memory_space<vmem>> -> memref<32x1024xf32, #tpu.memory_space<vmem>>
    tpu.wait_dma2 semaphore(%dma_wait3A_969 : memref<!tpu.dma_semaphore, #tpu.memory_space<semaphore_mem>>) src(%dma_wait3A_975 : memref<32x1024xf32, #tpu.memory_space<vmem>>) dst(%dma_wait3A_971 : memref<32x1024xf32, #tpu.memory_space<hbm>>)
    %add3A_976 = arith.constant 8192 : i32
    %add3A_977 = arith.addi %add3A_976, %mul3A_2 : i32
    %add3A_978 = arith.constant 128 : i32
    %add3A_979 = arith.addi %add3A_977, %add3A_978 : i32
    %dma_wait3A_980 = arith.constant 0 : i32
    %dma_wait3A_981 = arith.constant 0 : i32
    %dma_wait3A_982 = arith.constant 1 : i32
    %dma_wait3A_983 = arith.constant 0 : i32
    %dma_wait3A_984 = arith.constant 0 : i32
    %dma_wait3A_985 = tpu.memref_slice %arg4[%dma_wait3A_980, %dma_wait3A_983, %dma_wait3A_984] : memref<2x32x1024xf32, #tpu.memory_space<vmem>> -> memref<1x32x1024xf32, #tpu.memory_space<vmem>>
    %dma_wait3A_986 = tpu.memref_squeeze %dma_wait3A_985 : memref<1x32x1024xf32, #tpu.memory_space<vmem>> -> memref<32x1024xf32, #tpu.memory_space<vmem>>
    %dma_wait3A_987 = arith.constant 0 : i32
    %dma_wait3A_988 = tpu.memref_slice %arg3[%add3A_979, %dma_wait3A_987] : memref<32768x1024xf32, #tpu.memory_space<hbm>> -> memref<32x1024xf32, #tpu.memory_space<hbm>>
    %dma_wait3A_989 = tpu.memref_slice %arg6[%dma_wait3A_981, %dma_wait3A_982] : memref<2x4x!tpu.dma_semaphore, #tpu.memory_space<semaphore_mem>> -> memref<1x1x!tpu.dma_semaphore, #tpu.memory_space<semaphore_mem>>
    %dma_wait3A_990 = tpu.memref_squeeze %dma_wait3A_989 : memref<1x1x!tpu.dma_semaphore, #tpu.memory_space<semaphore_mem>> -> memref<!tpu.dma_semaphore, #tpu.memory_space<semaphore_mem>>
    %dma_wait3A_991 = arith.constant 0 : i32
    %dma_wait3A_992 = tpu.memref_slice %arg3[%add3A_979, %dma_wait3A_991] : memref<32768x1024xf32, #tpu.memory_space<hbm>> -> memref<32x1024xf32, #tpu.memory_space<hbm>>
    %dma_wait3A_993 = arith.constant 0 : i32
    %dma_wait3A_994 = arith.constant 0 : i32
    %dma_wait3A_995 = tpu.memref_slice %arg4[%dma_wait3A_980, %dma_wait3A_993, %dma_wait3A_994] : memref<2x32x1024xf32, #tpu.memory_space<vmem>> -> memref<1x32x1024xf32, #tpu.memory_space<vmem>>
    %dma_wait3A_996 = tpu.memref_squeeze %dma_wait3A_995 : memref<1x32x1024xf32, #tpu.memory_space<vmem>> -> memref<32x1024xf32, #tpu.memory_space<vmem>>
    tpu.wait_dma2 semaphore(%dma_wait3A_990 : memref<!tpu.dma_semaphore, #tpu.memory_space<semaphore_mem>>) src(%dma_wait3A_996 : memref<32x1024xf32, #tpu.memory_space<vmem>>) dst(%dma_wait3A_992 : memref<32x1024xf32, #tpu.memory_space<hbm>>)
    %add3A_997 = arith.constant 16384 : i32
    %add3A_998 = arith.addi %add3A_997, %mul3A_2 : i32
    %add3A_999 = arith.constant 128 : i32
    %add3A_1000 = arith.addi %add3A_998, %add3A_999 : i32
    %dma_wait3A_1001 = arith.constant 0 : i32
    %dma_wait3A_1002 = arith.constant 0 : i32
    %dma_wait3A_1003 = arith.constant 2 : i32
    %dma_wait3A_1004 = arith.constant 0 : i32
    %dma_wait3A_1005 = arith.constant 0 : i32
    %dma_wait3A_1006 = tpu.memref_slice %arg4[%dma_wait3A_1001, %dma_wait3A_1004, %dma_wait3A_1005] : memref<2x32x1024xf32, #tpu.memory_space<vmem>> -> memref<1x32x1024xf32, #tpu.memory_space<vmem>>
    %dma_wait3A_1007 = tpu.memref_squeeze %dma_wait3A_1006 : memref<1x32x1024xf32, #tpu.memory_space<vmem>> -> memref<32x1024xf32, #tpu.memory_space<vmem>>
    %dma_wait3A_1008 = arith.constant 0 : i32
    %dma_wait3A_1009 = tpu.memref_slice %arg3[%add3A_1000, %dma_wait3A_1008] : memref<32768x1024xf32, #tpu.memory_space<hbm>> -> memref<32x1024xf32, #tpu.memory_space<hbm>>
    %dma_wait3A_1010 = tpu.memref_slice %arg6[%dma_wait3A_1002, %dma_wait3A_1003] : memref<2x4x!tpu.dma_semaphore, #tpu.memory_space<semaphore_mem>> -> memref<1x1x!tpu.dma_semaphore, #tpu.memory_space<semaphore_mem>>
    %dma_wait3A_1011 = tpu.memref_squeeze %dma_wait3A_1010 : memref<1x1x!tpu.dma_semaphore, #tpu.memory_space<semaphore_mem>> -> memref<!tpu.dma_semaphore, #tpu.memory_space<semaphore_mem>>
    %dma_wait3A_1012 = arith.constant 0 : i32
    %dma_wait3A_1013 = tpu.memref_slice %arg3[%add3A_1000, %dma_wait3A_1012] : memref<32768x1024xf32, #tpu.memory_space<hbm>> -> memref<32x1024xf32, #tpu.memory_space<hbm>>
    %dma_wait3A_1014 = arith.constant 0 : i32
    %dma_wait3A_1015 = arith.constant 0 : i32
    %dma_wait3A_1016 = tpu.memref_slice %arg4[%dma_wait3A_1001, %dma_wait3A_1014, %dma_wait3A_1015] : memref<2x32x1024xf32, #tpu.memory_space<vmem>> -> memref<1x32x1024xf32, #tpu.memory_space<vmem>>
    %dma_wait3A_1017 = tpu.memref_squeeze %dma_wait3A_1016 : memref<1x32x1024xf32, #tpu.memory_space<vmem>> -> memref<32x1024xf32, #tpu.memory_space<vmem>>
    tpu.wait_dma2 semaphore(%dma_wait3A_1011 : memref<!tpu.dma_semaphore, #tpu.memory_space<semaphore_mem>>) src(%dma_wait3A_1017 : memref<32x1024xf32, #tpu.memory_space<vmem>>) dst(%dma_wait3A_1013 : memref<32x1024xf32, #tpu.memory_space<hbm>>)
    %add3A_1018 = arith.constant 24576 : i32
    %add3A_1019 = arith.addi %add3A_1018, %mul3A_2 : i32
    %add3A_1020 = arith.constant 128 : i32
    %add3A_1021 = arith.addi %add3A_1019, %add3A_1020 : i32
    %dma_wait3A_1022 = arith.constant 0 : i32
    %dma_wait3A_1023 = arith.constant 0 : i32
    %dma_wait3A_1024 = arith.constant 3 : i32
    %dma_wait3A_1025 = arith.constant 0 : i32
    %dma_wait3A_1026 = arith.constant 0 : i32
    %dma_wait3A_1027 = tpu.memref_slice %arg4[%dma_wait3A_1022, %dma_wait3A_1025, %dma_wait3A_1026] : memref<2x32x1024xf32, #tpu.memory_space<vmem>> -> memref<1x32x1024xf32, #tpu.memory_space<vmem>>
    %dma_wait3A_1028 = tpu.memref_squeeze %dma_wait3A_1027 : memref<1x32x1024xf32, #tpu.memory_space<vmem>> -> memref<32x1024xf32, #tpu.memory_space<vmem>>
    %dma_wait3A_1029 = arith.constant 0 : i32
    %dma_wait3A_1030 = tpu.memref_slice %arg3[%add3A_1021, %dma_wait3A_1029] : memref<32768x1024xf32, #tpu.memory_space<hbm>> -> memref<32x1024xf32, #tpu.memory_space<hbm>>
    %dma_wait3A_1031 = tpu.memref_slice %arg6[%dma_wait3A_1023, %dma_wait3A_1024] : memref<2x4x!tpu.dma_semaphore, #tpu.memory_space<semaphore_mem>> -> memref<1x1x!tpu.dma_semaphore, #tpu.memory_space<semaphore_mem>>
    %dma_wait3A_1032 = tpu.memref_squeeze %dma_wait3A_1031 : memref<1x1x!tpu.dma_semaphore, #tpu.memory_space<semaphore_mem>> -> memref<!tpu.dma_semaphore, #tpu.memory_space<semaphore_mem>>
    %dma_wait3A_1033 = arith.constant 0 : i32
    %dma_wait3A_1034 = tpu.memref_slice %arg3[%add3A_1021, %dma_wait3A_1033] : memref<32768x1024xf32, #tpu.memory_space<hbm>> -> memref<32x1024xf32, #tpu.memory_space<hbm>>
    %dma_wait3A_1035 = arith.constant 0 : i32
    %dma_wait3A_1036 = arith.constant 0 : i32
    %dma_wait3A_1037 = tpu.memref_slice %arg4[%dma_wait3A_1022, %dma_wait3A_1035, %dma_wait3A_1036] : memref<2x32x1024xf32, #tpu.memory_space<vmem>> -> memref<1x32x1024xf32, #tpu.memory_space<vmem>>
    %dma_wait3A_1038 = tpu.memref_squeeze %dma_wait3A_1037 : memref<1x32x1024xf32, #tpu.memory_space<vmem>> -> memref<32x1024xf32, #tpu.memory_space<vmem>>
    tpu.wait_dma2 semaphore(%dma_wait3A_1032 : memref<!tpu.dma_semaphore, #tpu.memory_space<semaphore_mem>>) src(%dma_wait3A_1038 : memref<32x1024xf32, #tpu.memory_space<vmem>>) dst(%dma_wait3A_1034 : memref<32x1024xf32, #tpu.memory_space<hbm>>)
    %add3A_1039 = arith.constant 192 : i32
    %add3A_1040 = arith.addi %mul3A_2, %add3A_1039 : i32
    %dma_start3A_1041 = arith.constant 0 : i32
    %dma_start3A_1042 = arith.constant 0 : i32
    %dma_start3A_1043 = arith.constant 0 : i32
    %dma_start3A_1044 = arith.constant 0 : i32
    %dma_start3A_1045 = tpu.memref_slice %arg4[%dma_start3A_1041, %dma_start3A_1043, %dma_start3A_1044] : memref<2x32x1024xf32, #tpu.memory_space<vmem>> -> memref<1x32x1024xf32, #tpu.memory_space<vmem>>
    %dma_start3A_1046 = tpu.memref_squeeze %dma_start3A_1045 : memref<1x32x1024xf32, #tpu.memory_space<vmem>> -> memref<32x1024xf32, #tpu.memory_space<vmem>>
    %dma_start3A_1047 = arith.constant 0 : i32
    %dma_start3A_1048 = tpu.memref_slice %arg2[%add3A_1040, %dma_start3A_1047] : memref<8192x1024xf32, #tpu.memory_space<hbm>> -> memref<32x1024xf32, #tpu.memory_space<hbm>>
    %dma_start3A_1049 = tpu.memref_slice %arg5[%dma_start3A_1042] : memref<2x!tpu.dma_semaphore, #tpu.memory_space<semaphore_mem>> -> memref<1x!tpu.dma_semaphore, #tpu.memory_space<semaphore_mem>>
    %dma_start3A_1050 = tpu.memref_squeeze %dma_start3A_1049 : memref<1x!tpu.dma_semaphore, #tpu.memory_space<semaphore_mem>> -> memref<!tpu.dma_semaphore, #tpu.memory_space<semaphore_mem>>
    %dma_start3A_1051 = arith.constant 0 : i32
    %dma_start3A_1052 = arith.constant 0 : i32
    %dma_start3A_1053 = tpu.memref_slice %arg4[%dma_start3A_1041, %dma_start3A_1051, %dma_start3A_1052] : memref<2x32x1024xf32, #tpu.memory_space<vmem>> -> memref<1x32x1024xf32, #tpu.memory_space<vmem>>
    %dma_start3A_1054 = tpu.memref_squeeze %dma_start3A_1053 : memref<1x32x1024xf32, #tpu.memory_space<vmem>> -> memref<32x1024xf32, #tpu.memory_space<vmem>>
    %dma_start3A_1055 = arith.constant 0 : i32
    %dma_start3A_1056 = tpu.memref_slice %arg2[%add3A_1040, %dma_start3A_1055] : memref<8192x1024xf32, #tpu.memory_space<hbm>> -> memref<32x1024xf32, #tpu.memory_space<hbm>>
    tpu.enqueue_dma source(%dma_start3A_1056 : memref<32x1024xf32, #tpu.memory_space<hbm>>) target(%dma_start3A_1054 : memref<32x1024xf32, #tpu.memory_space<vmem>>) target_semaphore(%dma_start3A_1050 : memref<!tpu.dma_semaphore, #tpu.memory_space<semaphore_mem>>)
    %add3A_1057 = arith.constant 160 : i32
    %add3A_1058 = arith.addi %mul3A_2, %add3A_1057 : i32
    %dma_wait3A_1059 = arith.constant 1 : i32
    %dma_wait3A_1060 = arith.constant 1 : i32
    %dma_wait3A_1061 = arith.constant 0 : i32
    %dma_wait3A_1062 = arith.constant 0 : i32
    %dma_wait3A_1063 = tpu.memref_slice %arg4[%dma_wait3A_1059, %dma_wait3A_1061, %dma_wait3A_1062] : memref<2x32x1024xf32, #tpu.memory_space<vmem>> -> memref<1x32x1024xf32, #tpu.memory_space<vmem>>
    %dma_wait3A_1064 = tpu.memref_squeeze %dma_wait3A_1063 : memref<1x32x1024xf32, #tpu.memory_space<vmem>> -> memref<32x1024xf32, #tpu.memory_space<vmem>>
    %dma_wait3A_1065 = arith.constant 0 : i32
    %dma_wait3A_1066 = tpu.memref_slice %arg2[%add3A_1058, %dma_wait3A_1065] : memref<8192x1024xf32, #tpu.memory_space<hbm>> -> memref<32x1024xf32, #tpu.memory_space<hbm>>
    %dma_wait3A_1067 = tpu.memref_slice %arg5[%dma_wait3A_1060] : memref<2x!tpu.dma_semaphore, #tpu.memory_space<semaphore_mem>> -> memref<1x!tpu.dma_semaphore, #tpu.memory_space<semaphore_mem>>
    %dma_wait3A_1068 = tpu.memref_squeeze %dma_wait3A_1067 : memref<1x!tpu.dma_semaphore, #tpu.memory_space<semaphore_mem>> -> memref<!tpu.dma_semaphore, #tpu.memory_space<semaphore_mem>>
    %dma_wait3A_1069 = arith.constant 0 : i32
    %dma_wait3A_1070 = arith.constant 0 : i32
    %dma_wait3A_1071 = tpu.memref_slice %arg4[%dma_wait3A_1059, %dma_wait3A_1069, %dma_wait3A_1070] : memref<2x32x1024xf32, #tpu.memory_space<vmem>> -> memref<1x32x1024xf32, #tpu.memory_space<vmem>>
    %dma_wait3A_1072 = tpu.memref_squeeze %dma_wait3A_1071 : memref<1x32x1024xf32, #tpu.memory_space<vmem>> -> memref<32x1024xf32, #tpu.memory_space<vmem>>
    %dma_wait3A_1073 = arith.constant 0 : i32
    %dma_wait3A_1074 = tpu.memref_slice %arg2[%add3A_1058, %dma_wait3A_1073] : memref<8192x1024xf32, #tpu.memory_space<hbm>> -> memref<32x1024xf32, #tpu.memory_space<hbm>>
    tpu.wait_dma2 semaphore(%dma_wait3A_1068 : memref<!tpu.dma_semaphore, #tpu.memory_space<semaphore_mem>>) src(%dma_wait3A_1074 : memref<32x1024xf32, #tpu.memory_space<hbm>>) dst(%dma_wait3A_1072 : memref<32x1024xf32, #tpu.memory_space<vmem>>)
    %add3A_1075 = arith.constant 0 : i32
    %add3A_1076 = arith.addi %add3A_1075, %mul3A_2 : i32
    %add3A_1077 = arith.constant 160 : i32
    %add3A_1078 = arith.addi %add3A_1076, %add3A_1077 : i32
    %dma_start3A_1079 = arith.constant 1 : i32
    %dma_start3A_1080 = arith.constant 1 : i32
    %dma_start3A_1081 = arith.constant 0 : i32
    %dma_start3A_1082 = arith.constant 0 : i32
    %dma_start3A_1083 = arith.constant 0 : i32
    %dma_start3A_1084 = tpu.memref_slice %arg4[%dma_start3A_1079, %dma_start3A_1082, %dma_start3A_1083] : memref<2x32x1024xf32, #tpu.memory_space<vmem>> -> memref<1x32x1024xf32, #tpu.memory_space<vmem>>
    %dma_start3A_1085 = tpu.memref_squeeze %dma_start3A_1084 : memref<1x32x1024xf32, #tpu.memory_space<vmem>> -> memref<32x1024xf32, #tpu.memory_space<vmem>>
    %dma_start3A_1086 = arith.constant 0 : i32
    %dma_start3A_1087 = tpu.memref_slice %arg3[%add3A_1078, %dma_start3A_1086] : memref<32768x1024xf32, #tpu.memory_space<hbm>> -> memref<32x1024xf32, #tpu.memory_space<hbm>>
    %dma_start3A_1088 = tpu.memref_slice %arg6[%dma_start3A_1080, %dma_start3A_1081] : memref<2x4x!tpu.dma_semaphore, #tpu.memory_space<semaphore_mem>> -> memref<1x1x!tpu.dma_semaphore, #tpu.memory_space<semaphore_mem>>
    %dma_start3A_1089 = tpu.memref_squeeze %dma_start3A_1088 : memref<1x1x!tpu.dma_semaphore, #tpu.memory_space<semaphore_mem>> -> memref<!tpu.dma_semaphore, #tpu.memory_space<semaphore_mem>>
    %dma_start3A_1090 = arith.constant 0 : i32
    %dma_start3A_1091 = tpu.memref_slice %arg3[%add3A_1078, %dma_start3A_1090] : memref<32768x1024xf32, #tpu.memory_space<hbm>> -> memref<32x1024xf32, #tpu.memory_space<hbm>>
    %dma_start3A_1092 = arith.constant 0 : i32
    %dma_start3A_1093 = arith.constant 0 : i32
    %dma_start3A_1094 = tpu.memref_slice %arg4[%dma_start3A_1079, %dma_start3A_1092, %dma_start3A_1093] : memref<2x32x1024xf32, #tpu.memory_space<vmem>> -> memref<1x32x1024xf32, #tpu.memory_space<vmem>>
    %dma_start3A_1095 = tpu.memref_squeeze %dma_start3A_1094 : memref<1x32x1024xf32, #tpu.memory_space<vmem>> -> memref<32x1024xf32, #tpu.memory_space<vmem>>
    tpu.enqueue_dma source(%dma_start3A_1095 : memref<32x1024xf32, #tpu.memory_space<vmem>>) target(%dma_start3A_1091 : memref<32x1024xf32, #tpu.memory_space<hbm>>) target_semaphore(%dma_start3A_1089 : memref<!tpu.dma_semaphore, #tpu.memory_space<semaphore_mem>>)
    %add3A_1096 = arith.constant 8192 : i32
    %add3A_1097 = arith.addi %add3A_1096, %mul3A_2 : i32
    %add3A_1098 = arith.constant 160 : i32
    %add3A_1099 = arith.addi %add3A_1097, %add3A_1098 : i32
    %dma_start3A_1100 = arith.constant 1 : i32
    %dma_start3A_1101 = arith.constant 1 : i32
    %dma_start3A_1102 = arith.constant 1 : i32
    %dma_start3A_1103 = arith.constant 0 : i32
    %dma_start3A_1104 = arith.constant 0 : i32
    %dma_start3A_1105 = tpu.memref_slice %arg4[%dma_start3A_1100, %dma_start3A_1103, %dma_start3A_1104] : memref<2x32x1024xf32, #tpu.memory_space<vmem>> -> memref<1x32x1024xf32, #tpu.memory_space<vmem>>
    %dma_start3A_1106 = tpu.memref_squeeze %dma_start3A_1105 : memref<1x32x1024xf32, #tpu.memory_space<vmem>> -> memref<32x1024xf32, #tpu.memory_space<vmem>>
    %dma_start3A_1107 = arith.constant 0 : i32
    %dma_start3A_1108 = tpu.memref_slice %arg3[%add3A_1099, %dma_start3A_1107] : memref<32768x1024xf32, #tpu.memory_space<hbm>> -> memref<32x1024xf32, #tpu.memory_space<hbm>>
    %dma_start3A_1109 = tpu.memref_slice %arg6[%dma_start3A_1101, %dma_start3A_1102] : memref<2x4x!tpu.dma_semaphore, #tpu.memory_space<semaphore_mem>> -> memref<1x1x!tpu.dma_semaphore, #tpu.memory_space<semaphore_mem>>
    %dma_start3A_1110 = tpu.memref_squeeze %dma_start3A_1109 : memref<1x1x!tpu.dma_semaphore, #tpu.memory_space<semaphore_mem>> -> memref<!tpu.dma_semaphore, #tpu.memory_space<semaphore_mem>>
    %dma_start3A_1111 = arith.constant 0 : i32
    %dma_start3A_1112 = tpu.memref_slice %arg3[%add3A_1099, %dma_start3A_1111] : memref<32768x1024xf32, #tpu.memory_space<hbm>> -> memref<32x1024xf32, #tpu.memory_space<hbm>>
    %dma_start3A_1113 = arith.constant 0 : i32
    %dma_start3A_1114 = arith.constant 0 : i32
    %dma_start3A_1115 = tpu.memref_slice %arg4[%dma_start3A_1100, %dma_start3A_1113, %dma_start3A_1114] : memref<2x32x1024xf32, #tpu.memory_space<vmem>> -> memref<1x32x1024xf32, #tpu.memory_space<vmem>>
    %dma_start3A_1116 = tpu.memref_squeeze %dma_start3A_1115 : memref<1x32x1024xf32, #tpu.memory_space<vmem>> -> memref<32x1024xf32, #tpu.memory_space<vmem>>
    tpu.enqueue_dma source(%dma_start3A_1116 : memref<32x1024xf32, #tpu.memory_space<vmem>>) target(%dma_start3A_1112 : memref<32x1024xf32, #tpu.memory_space<hbm>>) target_semaphore(%dma_start3A_1110 : memref<!tpu.dma_semaphore, #tpu.memory_space<semaphore_mem>>)
    %add3A_1117 = arith.constant 16384 : i32
    %add3A_1118 = arith.addi %add3A_1117, %mul3A_2 : i32
    %add3A_1119 = arith.constant 160 : i32
    %add3A_1120 = arith.addi %add3A_1118, %add3A_1119 : i32
    %dma_start3A_1121 = arith.constant 1 : i32
    %dma_start3A_1122 = arith.constant 1 : i32
    %dma_start3A_1123 = arith.constant 2 : i32
    %dma_start3A_1124 = arith.constant 0 : i32
    %dma_start3A_1125 = arith.constant 0 : i32
    %dma_start3A_1126 = tpu.memref_slice %arg4[%dma_start3A_1121, %dma_start3A_1124, %dma_start3A_1125] : memref<2x32x1024xf32, #tpu.memory_space<vmem>> -> memref<1x32x1024xf32, #tpu.memory_space<vmem>>
    %dma_start3A_1127 = tpu.memref_squeeze %dma_start3A_1126 : memref<1x32x1024xf32, #tpu.memory_space<vmem>> -> memref<32x1024xf32, #tpu.memory_space<vmem>>
    %dma_start3A_1128 = arith.constant 0 : i32
    %dma_start3A_1129 = tpu.memref_slice %arg3[%add3A_1120, %dma_start3A_1128] : memref<32768x1024xf32, #tpu.memory_space<hbm>> -> memref<32x1024xf32, #tpu.memory_space<hbm>>
    %dma_start3A_1130 = tpu.memref_slice %arg6[%dma_start3A_1122, %dma_start3A_1123] : memref<2x4x!tpu.dma_semaphore, #tpu.memory_space<semaphore_mem>> -> memref<1x1x!tpu.dma_semaphore, #tpu.memory_space<semaphore_mem>>
    %dma_start3A_1131 = tpu.memref_squeeze %dma_start3A_1130 : memref<1x1x!tpu.dma_semaphore, #tpu.memory_space<semaphore_mem>> -> memref<!tpu.dma_semaphore, #tpu.memory_space<semaphore_mem>>
    %dma_start3A_1132 = arith.constant 0 : i32
    %dma_start3A_1133 = tpu.memref_slice %arg3[%add3A_1120, %dma_start3A_1132] : memref<32768x1024xf32, #tpu.memory_space<hbm>> -> memref<32x1024xf32, #tpu.memory_space<hbm>>
    %dma_start3A_1134 = arith.constant 0 : i32
    %dma_start3A_1135 = arith.constant 0 : i32
    %dma_start3A_1136 = tpu.memref_slice %arg4[%dma_start3A_1121, %dma_start3A_1134, %dma_start3A_1135] : memref<2x32x1024xf32, #tpu.memory_space<vmem>> -> memref<1x32x1024xf32, #tpu.memory_space<vmem>>
    %dma_start3A_1137 = tpu.memref_squeeze %dma_start3A_1136 : memref<1x32x1024xf32, #tpu.memory_space<vmem>> -> memref<32x1024xf32, #tpu.memory_space<vmem>>
    tpu.enqueue_dma source(%dma_start3A_1137 : memref<32x1024xf32, #tpu.memory_space<vmem>>) target(%dma_start3A_1133 : memref<32x1024xf32, #tpu.memory_space<hbm>>) target_semaphore(%dma_start3A_1131 : memref<!tpu.dma_semaphore, #tpu.memory_space<semaphore_mem>>)
    %add3A_1138 = arith.constant 24576 : i32
    %add3A_1139 = arith.addi %add3A_1138, %mul3A_2 : i32
    %add3A_1140 = arith.constant 160 : i32
    %add3A_1141 = arith.addi %add3A_1139, %add3A_1140 : i32
    %dma_start3A_1142 = arith.constant 1 : i32
    %dma_start3A_1143 = arith.constant 1 : i32
    %dma_start3A_1144 = arith.constant 3 : i32
    %dma_start3A_1145 = arith.constant 0 : i32
    %dma_start3A_1146 = arith.constant 0 : i32
    %dma_start3A_1147 = tpu.memref_slice %arg4[%dma_start3A_1142, %dma_start3A_1145, %dma_start3A_1146] : memref<2x32x1024xf32, #tpu.memory_space<vmem>> -> memref<1x32x1024xf32, #tpu.memory_space<vmem>>
    %dma_start3A_1148 = tpu.memref_squeeze %dma_start3A_1147 : memref<1x32x1024xf32, #tpu.memory_space<vmem>> -> memref<32x1024xf32, #tpu.memory_space<vmem>>
    %dma_start3A_1149 = arith.constant 0 : i32
    %dma_start3A_1150 = tpu.memref_slice %arg3[%add3A_1141, %dma_start3A_1149] : memref<32768x1024xf32, #tpu.memory_space<hbm>> -> memref<32x1024xf32, #tpu.memory_space<hbm>>
    %dma_start3A_1151 = tpu.memref_slice %arg6[%dma_start3A_1143, %dma_start3A_1144] : memref<2x4x!tpu.dma_semaphore, #tpu.memory_space<semaphore_mem>> -> memref<1x1x!tpu.dma_semaphore, #tpu.memory_space<semaphore_mem>>
    %dma_start3A_1152 = tpu.memref_squeeze %dma_start3A_1151 : memref<1x1x!tpu.dma_semaphore, #tpu.memory_space<semaphore_mem>> -> memref<!tpu.dma_semaphore, #tpu.memory_space<semaphore_mem>>
    %dma_start3A_1153 = arith.constant 0 : i32
    %dma_start3A_1154 = tpu.memref_slice %arg3[%add3A_1141, %dma_start3A_1153] : memref<32768x1024xf32, #tpu.memory_space<hbm>> -> memref<32x1024xf32, #tpu.memory_space<hbm>>
    %dma_start3A_1155 = arith.constant 0 : i32
    %dma_start3A_1156 = arith.constant 0 : i32
    %dma_start3A_1157 = tpu.memref_slice %arg4[%dma_start3A_1142, %dma_start3A_1155, %dma_start3A_1156] : memref<2x32x1024xf32, #tpu.memory_space<vmem>> -> memref<1x32x1024xf32, #tpu.memory_space<vmem>>
    %dma_start3A_1158 = tpu.memref_squeeze %dma_start3A_1157 : memref<1x32x1024xf32, #tpu.memory_space<vmem>> -> memref<32x1024xf32, #tpu.memory_space<vmem>>
    tpu.enqueue_dma source(%dma_start3A_1158 : memref<32x1024xf32, #tpu.memory_space<vmem>>) target(%dma_start3A_1154 : memref<32x1024xf32, #tpu.memory_space<hbm>>) target_semaphore(%dma_start3A_1152 : memref<!tpu.dma_semaphore, #tpu.memory_space<semaphore_mem>>)
    %add3A_1159 = arith.constant 0 : i32
    %add3A_1160 = arith.addi %add3A_1159, %mul3A_2 : i32
    %add3A_1161 = arith.constant 160 : i32
    %add3A_1162 = arith.addi %add3A_1160, %add3A_1161 : i32
    %dma_wait3A_1163 = arith.constant 1 : i32
    %dma_wait3A_1164 = arith.constant 1 : i32
    %dma_wait3A_1165 = arith.constant 0 : i32
    %dma_wait3A_1166 = arith.constant 0 : i32
    %dma_wait3A_1167 = arith.constant 0 : i32
    %dma_wait3A_1168 = tpu.memref_slice %arg4[%dma_wait3A_1163, %dma_wait3A_1166, %dma_wait3A_1167] : memref<2x32x1024xf32, #tpu.memory_space<vmem>> -> memref<1x32x1024xf32, #tpu.memory_space<vmem>>
    %dma_wait3A_1169 = tpu.memref_squeeze %dma_wait3A_1168 : memref<1x32x1024xf32, #tpu.memory_space<vmem>> -> memref<32x1024xf32, #tpu.memory_space<vmem>>
    %dma_wait3A_1170 = arith.constant 0 : i32
    %dma_wait3A_1171 = tpu.memref_slice %arg3[%add3A_1162, %dma_wait3A_1170] : memref<32768x1024xf32, #tpu.memory_space<hbm>> -> memref<32x1024xf32, #tpu.memory_space<hbm>>
    %dma_wait3A_1172 = tpu.memref_slice %arg6[%dma_wait3A_1164, %dma_wait3A_1165] : memref<2x4x!tpu.dma_semaphore, #tpu.memory_space<semaphore_mem>> -> memref<1x1x!tpu.dma_semaphore, #tpu.memory_space<semaphore_mem>>
    %dma_wait3A_1173 = tpu.memref_squeeze %dma_wait3A_1172 : memref<1x1x!tpu.dma_semaphore, #tpu.memory_space<semaphore_mem>> -> memref<!tpu.dma_semaphore, #tpu.memory_space<semaphore_mem>>
    %dma_wait3A_1174 = arith.constant 0 : i32
    %dma_wait3A_1175 = tpu.memref_slice %arg3[%add3A_1162, %dma_wait3A_1174] : memref<32768x1024xf32, #tpu.memory_space<hbm>> -> memref<32x1024xf32, #tpu.memory_space<hbm>>
    %dma_wait3A_1176 = arith.constant 0 : i32
    %dma_wait3A_1177 = arith.constant 0 : i32
    %dma_wait3A_1178 = tpu.memref_slice %arg4[%dma_wait3A_1163, %dma_wait3A_1176, %dma_wait3A_1177] : memref<2x32x1024xf32, #tpu.memory_space<vmem>> -> memref<1x32x1024xf32, #tpu.memory_space<vmem>>
    %dma_wait3A_1179 = tpu.memref_squeeze %dma_wait3A_1178 : memref<1x32x1024xf32, #tpu.memory_space<vmem>> -> memref<32x1024xf32, #tpu.memory_space<vmem>>
    tpu.wait_dma2 semaphore(%dma_wait3A_1173 : memref<!tpu.dma_semaphore, #tpu.memory_space<semaphore_mem>>) src(%dma_wait3A_1179 : memref<32x1024xf32, #tpu.memory_space<vmem>>) dst(%dma_wait3A_1175 : memref<32x1024xf32, #tpu.memory_space<hbm>>)
    %add3A_1180 = arith.constant 8192 : i32
    %add3A_1181 = arith.addi %add3A_1180, %mul3A_2 : i32
    %add3A_1182 = arith.constant 160 : i32
    %add3A_1183 = arith.addi %add3A_1181, %add3A_1182 : i32
    %dma_wait3A_1184 = arith.constant 1 : i32
    %dma_wait3A_1185 = arith.constant 1 : i32
    %dma_wait3A_1186 = arith.constant 1 : i32
    %dma_wait3A_1187 = arith.constant 0 : i32
    %dma_wait3A_1188 = arith.constant 0 : i32
    %dma_wait3A_1189 = tpu.memref_slice %arg4[%dma_wait3A_1184, %dma_wait3A_1187, %dma_wait3A_1188] : memref<2x32x1024xf32, #tpu.memory_space<vmem>> -> memref<1x32x1024xf32, #tpu.memory_space<vmem>>
    %dma_wait3A_1190 = tpu.memref_squeeze %dma_wait3A_1189 : memref<1x32x1024xf32, #tpu.memory_space<vmem>> -> memref<32x1024xf32, #tpu.memory_space<vmem>>
    %dma_wait3A_1191 = arith.constant 0 : i32
    %dma_wait3A_1192 = tpu.memref_slice %arg3[%add3A_1183, %dma_wait3A_1191] : memref<32768x1024xf32, #tpu.memory_space<hbm>> -> memref<32x1024xf32, #tpu.memory_space<hbm>>
    %dma_wait3A_1193 = tpu.memref_slice %arg6[%dma_wait3A_1185, %dma_wait3A_1186] : memref<2x4x!tpu.dma_semaphore, #tpu.memory_space<semaphore_mem>> -> memref<1x1x!tpu.dma_semaphore, #tpu.memory_space<semaphore_mem>>
    %dma_wait3A_1194 = tpu.memref_squeeze %dma_wait3A_1193 : memref<1x1x!tpu.dma_semaphore, #tpu.memory_space<semaphore_mem>> -> memref<!tpu.dma_semaphore, #tpu.memory_space<semaphore_mem>>
    %dma_wait3A_1195 = arith.constant 0 : i32
    %dma_wait3A_1196 = tpu.memref_slice %arg3[%add3A_1183, %dma_wait3A_1195] : memref<32768x1024xf32, #tpu.memory_space<hbm>> -> memref<32x1024xf32, #tpu.memory_space<hbm>>
    %dma_wait3A_1197 = arith.constant 0 : i32
    %dma_wait3A_1198 = arith.constant 0 : i32
    %dma_wait3A_1199 = tpu.memref_slice %arg4[%dma_wait3A_1184, %dma_wait3A_1197, %dma_wait3A_1198] : memref<2x32x1024xf32, #tpu.memory_space<vmem>> -> memref<1x32x1024xf32, #tpu.memory_space<vmem>>
    %dma_wait3A_1200 = tpu.memref_squeeze %dma_wait3A_1199 : memref<1x32x1024xf32, #tpu.memory_space<vmem>> -> memref<32x1024xf32, #tpu.memory_space<vmem>>
    tpu.wait_dma2 semaphore(%dma_wait3A_1194 : memref<!tpu.dma_semaphore, #tpu.memory_space<semaphore_mem>>) src(%dma_wait3A_1200 : memref<32x1024xf32, #tpu.memory_space<vmem>>) dst(%dma_wait3A_1196 : memref<32x1024xf32, #tpu.memory_space<hbm>>)
    %add3A_1201 = arith.constant 16384 : i32
    %add3A_1202 = arith.addi %add3A_1201, %mul3A_2 : i32
    %add3A_1203 = arith.constant 160 : i32
    %add3A_1204 = arith.addi %add3A_1202, %add3A_1203 : i32
    %dma_wait3A_1205 = arith.constant 1 : i32
    %dma_wait3A_1206 = arith.constant 1 : i32
    %dma_wait3A_1207 = arith.constant 2 : i32
    %dma_wait3A_1208 = arith.constant 0 : i32
    %dma_wait3A_1209 = arith.constant 0 : i32
    %dma_wait3A_1210 = tpu.memref_slice %arg4[%dma_wait3A_1205, %dma_wait3A_1208, %dma_wait3A_1209] : memref<2x32x1024xf32, #tpu.memory_space<vmem>> -> memref<1x32x1024xf32, #tpu.memory_space<vmem>>
    %dma_wait3A_1211 = tpu.memref_squeeze %dma_wait3A_1210 : memref<1x32x1024xf32, #tpu.memory_space<vmem>> -> memref<32x1024xf32, #tpu.memory_space<vmem>>
    %dma_wait3A_1212 = arith.constant 0 : i32
    %dma_wait3A_1213 = tpu.memref_slice %arg3[%add3A_1204, %dma_wait3A_1212] : memref<32768x1024xf32, #tpu.memory_space<hbm>> -> memref<32x1024xf32, #tpu.memory_space<hbm>>
    %dma_wait3A_1214 = tpu.memref_slice %arg6[%dma_wait3A_1206, %dma_wait3A_1207] : memref<2x4x!tpu.dma_semaphore, #tpu.memory_space<semaphore_mem>> -> memref<1x1x!tpu.dma_semaphore, #tpu.memory_space<semaphore_mem>>
    %dma_wait3A_1215 = tpu.memref_squeeze %dma_wait3A_1214 : memref<1x1x!tpu.dma_semaphore, #tpu.memory_space<semaphore_mem>> -> memref<!tpu.dma_semaphore, #tpu.memory_space<semaphore_mem>>
    %dma_wait3A_1216 = arith.constant 0 : i32
    %dma_wait3A_1217 = tpu.memref_slice %arg3[%add3A_1204, %dma_wait3A_1216] : memref<32768x1024xf32, #tpu.memory_space<hbm>> -> memref<32x1024xf32, #tpu.memory_space<hbm>>
    %dma_wait3A_1218 = arith.constant 0 : i32
    %dma_wait3A_1219 = arith.constant 0 : i32
    %dma_wait3A_1220 = tpu.memref_slice %arg4[%dma_wait3A_1205, %dma_wait3A_1218, %dma_wait3A_1219] : memref<2x32x1024xf32, #tpu.memory_space<vmem>> -> memref<1x32x1024xf32, #tpu.memory_space<vmem>>
    %dma_wait3A_1221 = tpu.memref_squeeze %dma_wait3A_1220 : memref<1x32x1024xf32, #tpu.memory_space<vmem>> -> memref<32x1024xf32, #tpu.memory_space<vmem>>
    tpu.wait_dma2 semaphore(%dma_wait3A_1215 : memref<!tpu.dma_semaphore, #tpu.memory_space<semaphore_mem>>) src(%dma_wait3A_1221 : memref<32x1024xf32, #tpu.memory_space<vmem>>) dst(%dma_wait3A_1217 : memref<32x1024xf32, #tpu.memory_space<hbm>>)
    %add3A_1222 = arith.constant 24576 : i32
    %add3A_1223 = arith.addi %add3A_1222, %mul3A_2 : i32
    %add3A_1224 = arith.constant 160 : i32
    %add3A_1225 = arith.addi %add3A_1223, %add3A_1224 : i32
    %dma_wait3A_1226 = arith.constant 1 : i32
    %dma_wait3A_1227 = arith.constant 1 : i32
    %dma_wait3A_1228 = arith.constant 3 : i32
    %dma_wait3A_1229 = arith.constant 0 : i32
    %dma_wait3A_1230 = arith.constant 0 : i32
    %dma_wait3A_1231 = tpu.memref_slice %arg4[%dma_wait3A_1226, %dma_wait3A_1229, %dma_wait3A_1230] : memref<2x32x1024xf32, #tpu.memory_space<vmem>> -> memref<1x32x1024xf32, #tpu.memory_space<vmem>>
    %dma_wait3A_1232 = tpu.memref_squeeze %dma_wait3A_1231 : memref<1x32x1024xf32, #tpu.memory_space<vmem>> -> memref<32x1024xf32, #tpu.memory_space<vmem>>
    %dma_wait3A_1233 = arith.constant 0 : i32
    %dma_wait3A_1234 = tpu.memref_slice %arg3[%add3A_1225, %dma_wait3A_1233] : memref<32768x1024xf32, #tpu.memory_space<hbm>> -> memref<32x1024xf32, #tpu.memory_space<hbm>>
    %dma_wait3A_1235 = tpu.memref_slice %arg6[%dma_wait3A_1227, %dma_wait3A_1228] : memref<2x4x!tpu.dma_semaphore, #tpu.memory_space<semaphore_mem>> -> memref<1x1x!tpu.dma_semaphore, #tpu.memory_space<semaphore_mem>>
    %dma_wait3A_1236 = tpu.memref_squeeze %dma_wait3A_1235 : memref<1x1x!tpu.dma_semaphore, #tpu.memory_space<semaphore_mem>> -> memref<!tpu.dma_semaphore, #tpu.memory_space<semaphore_mem>>
    %dma_wait3A_1237 = arith.constant 0 : i32
    %dma_wait3A_1238 = tpu.memref_slice %arg3[%add3A_1225, %dma_wait3A_1237] : memref<32768x1024xf32, #tpu.memory_space<hbm>> -> memref<32x1024xf32, #tpu.memory_space<hbm>>
    %dma_wait3A_1239 = arith.constant 0 : i32
    %dma_wait3A_1240 = arith.constant 0 : i32
    %dma_wait3A_1241 = tpu.memref_slice %arg4[%dma_wait3A_1226, %dma_wait3A_1239, %dma_wait3A_1240] : memref<2x32x1024xf32, #tpu.memory_space<vmem>> -> memref<1x32x1024xf32, #tpu.memory_space<vmem>>
    %dma_wait3A_1242 = tpu.memref_squeeze %dma_wait3A_1241 : memref<1x32x1024xf32, #tpu.memory_space<vmem>> -> memref<32x1024xf32, #tpu.memory_space<vmem>>
    tpu.wait_dma2 semaphore(%dma_wait3A_1236 : memref<!tpu.dma_semaphore, #tpu.memory_space<semaphore_mem>>) src(%dma_wait3A_1242 : memref<32x1024xf32, #tpu.memory_space<vmem>>) dst(%dma_wait3A_1238 : memref<32x1024xf32, #tpu.memory_space<hbm>>)
    %add3A_1243 = arith.constant 224 : i32
    %add3A_1244 = arith.addi %mul3A_2, %add3A_1243 : i32
    %dma_start3A_1245 = arith.constant 1 : i32
    %dma_start3A_1246 = arith.constant 1 : i32
    %dma_start3A_1247 = arith.constant 0 : i32
    %dma_start3A_1248 = arith.constant 0 : i32
    %dma_start3A_1249 = tpu.memref_slice %arg4[%dma_start3A_1245, %dma_start3A_1247, %dma_start3A_1248] : memref<2x32x1024xf32, #tpu.memory_space<vmem>> -> memref<1x32x1024xf32, #tpu.memory_space<vmem>>
    %dma_start3A_1250 = tpu.memref_squeeze %dma_start3A_1249 : memref<1x32x1024xf32, #tpu.memory_space<vmem>> -> memref<32x1024xf32, #tpu.memory_space<vmem>>
    %dma_start3A_1251 = arith.constant 0 : i32
    %dma_start3A_1252 = tpu.memref_slice %arg2[%add3A_1244, %dma_start3A_1251] : memref<8192x1024xf32, #tpu.memory_space<hbm>> -> memref<32x1024xf32, #tpu.memory_space<hbm>>
    %dma_start3A_1253 = tpu.memref_slice %arg5[%dma_start3A_1246] : memref<2x!tpu.dma_semaphore, #tpu.memory_space<semaphore_mem>> -> memref<1x!tpu.dma_semaphore, #tpu.memory_space<semaphore_mem>>
    %dma_start3A_1254 = tpu.memref_squeeze %dma_start3A_1253 : memref<1x!tpu.dma_semaphore, #tpu.memory_space<semaphore_mem>> -> memref<!tpu.dma_semaphore, #tpu.memory_space<semaphore_mem>>
    %dma_start3A_1255 = arith.constant 0 : i32
    %dma_start3A_1256 = arith.constant 0 : i32
    %dma_start3A_1257 = tpu.memref_slice %arg4[%dma_start3A_1245, %dma_start3A_1255, %dma_start3A_1256] : memref<2x32x1024xf32, #tpu.memory_space<vmem>> -> memref<1x32x1024xf32, #tpu.memory_space<vmem>>
    %dma_start3A_1258 = tpu.memref_squeeze %dma_start3A_1257 : memref<1x32x1024xf32, #tpu.memory_space<vmem>> -> memref<32x1024xf32, #tpu.memory_space<vmem>>
    %dma_start3A_1259 = arith.constant 0 : i32
    %dma_start3A_1260 = tpu.memref_slice %arg2[%add3A_1244, %dma_start3A_1259] : memref<8192x1024xf32, #tpu.memory_space<hbm>> -> memref<32x1024xf32, #tpu.memory_space<hbm>>
    tpu.enqueue_dma source(%dma_start3A_1260 : memref<32x1024xf32, #tpu.memory_space<hbm>>) target(%dma_start3A_1258 : memref<32x1024xf32, #tpu.memory_space<vmem>>) target_semaphore(%dma_start3A_1254 : memref<!tpu.dma_semaphore, #tpu.memory_space<semaphore_mem>>)
    %add3A_1261 = arith.constant 192 : i32
    %add3A_1262 = arith.addi %mul3A_2, %add3A_1261 : i32
    %dma_wait3A_1263 = arith.constant 0 : i32
    %dma_wait3A_1264 = arith.constant 0 : i32
    %dma_wait3A_1265 = arith.constant 0 : i32
    %dma_wait3A_1266 = arith.constant 0 : i32
    %dma_wait3A_1267 = tpu.memref_slice %arg4[%dma_wait3A_1263, %dma_wait3A_1265, %dma_wait3A_1266] : memref<2x32x1024xf32, #tpu.memory_space<vmem>> -> memref<1x32x1024xf32, #tpu.memory_space<vmem>>
    %dma_wait3A_1268 = tpu.memref_squeeze %dma_wait3A_1267 : memref<1x32x1024xf32, #tpu.memory_space<vmem>> -> memref<32x1024xf32, #tpu.memory_space<vmem>>
    %dma_wait3A_1269 = arith.constant 0 : i32
    %dma_wait3A_1270 = tpu.memref_slice %arg2[%add3A_1262, %dma_wait3A_1269] : memref<8192x1024xf32, #tpu.memory_space<hbm>> -> memref<32x1024xf32, #tpu.memory_space<hbm>>
    %dma_wait3A_1271 = tpu.memref_slice %arg5[%dma_wait3A_1264] : memref<2x!tpu.dma_semaphore, #tpu.memory_space<semaphore_mem>> -> memref<1x!tpu.dma_semaphore, #tpu.memory_space<semaphore_mem>>
    %dma_wait3A_1272 = tpu.memref_squeeze %dma_wait3A_1271 : memref<1x!tpu.dma_semaphore, #tpu.memory_space<semaphore_mem>> -> memref<!tpu.dma_semaphore, #tpu.memory_space<semaphore_mem>>
    %dma_wait3A_1273 = arith.constant 0 : i32
    %dma_wait3A_1274 = arith.constant 0 : i32
    %dma_wait3A_1275 = tpu.memref_slice %arg4[%dma_wait3A_1263, %dma_wait3A_1273, %dma_wait3A_1274] : memref<2x32x1024xf32, #tpu.memory_space<vmem>> -> memref<1x32x1024xf32, #tpu.memory_space<vmem>>
    %dma_wait3A_1276 = tpu.memref_squeeze %dma_wait3A_1275 : memref<1x32x1024xf32, #tpu.memory_space<vmem>> -> memref<32x1024xf32, #tpu.memory_space<vmem>>
    %dma_wait3A_1277 = arith.constant 0 : i32
    %dma_wait3A_1278 = tpu.memref_slice %arg2[%add3A_1262, %dma_wait3A_1277] : memref<8192x1024xf32, #tpu.memory_space<hbm>> -> memref<32x1024xf32, #tpu.memory_space<hbm>>
    tpu.wait_dma2 semaphore(%dma_wait3A_1272 : memref<!tpu.dma_semaphore, #tpu.memory_space<semaphore_mem>>) src(%dma_wait3A_1278 : memref<32x1024xf32, #tpu.memory_space<hbm>>) dst(%dma_wait3A_1276 : memref<32x1024xf32, #tpu.memory_space<vmem>>)
    %add3A_1279 = arith.constant 0 : i32
    %add3A_1280 = arith.addi %add3A_1279, %mul3A_2 : i32
    %add3A_1281 = arith.constant 192 : i32
    %add3A_1282 = arith.addi %add3A_1280, %add3A_1281 : i32
    %dma_start3A_1283 = arith.constant 0 : i32
    %dma_start3A_1284 = arith.constant 0 : i32
    %dma_start3A_1285 = arith.constant 0 : i32
    %dma_start3A_1286 = arith.constant 0 : i32
    %dma_start3A_1287 = arith.constant 0 : i32
    %dma_start3A_1288 = tpu.memref_slice %arg4[%dma_start3A_1283, %dma_start3A_1286, %dma_start3A_1287] : memref<2x32x1024xf32, #tpu.memory_space<vmem>> -> memref<1x32x1024xf32, #tpu.memory_space<vmem>>
    %dma_start3A_1289 = tpu.memref_squeeze %dma_start3A_1288 : memref<1x32x1024xf32, #tpu.memory_space<vmem>> -> memref<32x1024xf32, #tpu.memory_space<vmem>>
    %dma_start3A_1290 = arith.constant 0 : i32
    %dma_start3A_1291 = tpu.memref_slice %arg3[%add3A_1282, %dma_start3A_1290] : memref<32768x1024xf32, #tpu.memory_space<hbm>> -> memref<32x1024xf32, #tpu.memory_space<hbm>>
    %dma_start3A_1292 = tpu.memref_slice %arg6[%dma_start3A_1284, %dma_start3A_1285] : memref<2x4x!tpu.dma_semaphore, #tpu.memory_space<semaphore_mem>> -> memref<1x1x!tpu.dma_semaphore, #tpu.memory_space<semaphore_mem>>
    %dma_start3A_1293 = tpu.memref_squeeze %dma_start3A_1292 : memref<1x1x!tpu.dma_semaphore, #tpu.memory_space<semaphore_mem>> -> memref<!tpu.dma_semaphore, #tpu.memory_space<semaphore_mem>>
    %dma_start3A_1294 = arith.constant 0 : i32
    %dma_start3A_1295 = tpu.memref_slice %arg3[%add3A_1282, %dma_start3A_1294] : memref<32768x1024xf32, #tpu.memory_space<hbm>> -> memref<32x1024xf32, #tpu.memory_space<hbm>>
    %dma_start3A_1296 = arith.constant 0 : i32
    %dma_start3A_1297 = arith.constant 0 : i32
    %dma_start3A_1298 = tpu.memref_slice %arg4[%dma_start3A_1283, %dma_start3A_1296, %dma_start3A_1297] : memref<2x32x1024xf32, #tpu.memory_space<vmem>> -> memref<1x32x1024xf32, #tpu.memory_space<vmem>>
    %dma_start3A_1299 = tpu.memref_squeeze %dma_start3A_1298 : memref<1x32x1024xf32, #tpu.memory_space<vmem>> -> memref<32x1024xf32, #tpu.memory_space<vmem>>
    tpu.enqueue_dma source(%dma_start3A_1299 : memref<32x1024xf32, #tpu.memory_space<vmem>>) target(%dma_start3A_1295 : memref<32x1024xf32, #tpu.memory_space<hbm>>) target_semaphore(%dma_start3A_1293 : memref<!tpu.dma_semaphore, #tpu.memory_space<semaphore_mem>>)
    %add3A_1300 = arith.constant 8192 : i32
    %add3A_1301 = arith.addi %add3A_1300, %mul3A_2 : i32
    %add3A_1302 = arith.constant 192 : i32
    %add3A_1303 = arith.addi %add3A_1301, %add3A_1302 : i32
    %dma_start3A_1304 = arith.constant 0 : i32
    %dma_start3A_1305 = arith.constant 0 : i32
    %dma_start3A_1306 = arith.constant 1 : i32
    %dma_start3A_1307 = arith.constant 0 : i32
    %dma_start3A_1308 = arith.constant 0 : i32
    %dma_start3A_1309 = tpu.memref_slice %arg4[%dma_start3A_1304, %dma_start3A_1307, %dma_start3A_1308] : memref<2x32x1024xf32, #tpu.memory_space<vmem>> -> memref<1x32x1024xf32, #tpu.memory_space<vmem>>
    %dma_start3A_1310 = tpu.memref_squeeze %dma_start3A_1309 : memref<1x32x1024xf32, #tpu.memory_space<vmem>> -> memref<32x1024xf32, #tpu.memory_space<vmem>>
    %dma_start3A_1311 = arith.constant 0 : i32
    %dma_start3A_1312 = tpu.memref_slice %arg3[%add3A_1303, %dma_start3A_1311] : memref<32768x1024xf32, #tpu.memory_space<hbm>> -> memref<32x1024xf32, #tpu.memory_space<hbm>>
    %dma_start3A_1313 = tpu.memref_slice %arg6[%dma_start3A_1305, %dma_start3A_1306] : memref<2x4x!tpu.dma_semaphore, #tpu.memory_space<semaphore_mem>> -> memref<1x1x!tpu.dma_semaphore, #tpu.memory_space<semaphore_mem>>
    %dma_start3A_1314 = tpu.memref_squeeze %dma_start3A_1313 : memref<1x1x!tpu.dma_semaphore, #tpu.memory_space<semaphore_mem>> -> memref<!tpu.dma_semaphore, #tpu.memory_space<semaphore_mem>>
    %dma_start3A_1315 = arith.constant 0 : i32
    %dma_start3A_1316 = tpu.memref_slice %arg3[%add3A_1303, %dma_start3A_1315] : memref<32768x1024xf32, #tpu.memory_space<hbm>> -> memref<32x1024xf32, #tpu.memory_space<hbm>>
    %dma_start3A_1317 = arith.constant 0 : i32
    %dma_start3A_1318 = arith.constant 0 : i32
    %dma_start3A_1319 = tpu.memref_slice %arg4[%dma_start3A_1304, %dma_start3A_1317, %dma_start3A_1318] : memref<2x32x1024xf32, #tpu.memory_space<vmem>> -> memref<1x32x1024xf32, #tpu.memory_space<vmem>>
    %dma_start3A_1320 = tpu.memref_squeeze %dma_start3A_1319 : memref<1x32x1024xf32, #tpu.memory_space<vmem>> -> memref<32x1024xf32, #tpu.memory_space<vmem>>
    tpu.enqueue_dma source(%dma_start3A_1320 : memref<32x1024xf32, #tpu.memory_space<vmem>>) target(%dma_start3A_1316 : memref<32x1024xf32, #tpu.memory_space<hbm>>) target_semaphore(%dma_start3A_1314 : memref<!tpu.dma_semaphore, #tpu.memory_space<semaphore_mem>>)
    %add3A_1321 = arith.constant 16384 : i32
    %add3A_1322 = arith.addi %add3A_1321, %mul3A_2 : i32
    %add3A_1323 = arith.constant 192 : i32
    %add3A_1324 = arith.addi %add3A_1322, %add3A_1323 : i32
    %dma_start3A_1325 = arith.constant 0 : i32
    %dma_start3A_1326 = arith.constant 0 : i32
    %dma_start3A_1327 = arith.constant 2 : i32
    %dma_start3A_1328 = arith.constant 0 : i32
    %dma_start3A_1329 = arith.constant 0 : i32
    %dma_start3A_1330 = tpu.memref_slice %arg4[%dma_start3A_1325, %dma_start3A_1328, %dma_start3A_1329] : memref<2x32x1024xf32, #tpu.memory_space<vmem>> -> memref<1x32x1024xf32, #tpu.memory_space<vmem>>
    %dma_start3A_1331 = tpu.memref_squeeze %dma_start3A_1330 : memref<1x32x1024xf32, #tpu.memory_space<vmem>> -> memref<32x1024xf32, #tpu.memory_space<vmem>>
    %dma_start3A_1332 = arith.constant 0 : i32
    %dma_start3A_1333 = tpu.memref_slice %arg3[%add3A_1324, %dma_start3A_1332] : memref<32768x1024xf32, #tpu.memory_space<hbm>> -> memref<32x1024xf32, #tpu.memory_space<hbm>>
    %dma_start3A_1334 = tpu.memref_slice %arg6[%dma_start3A_1326, %dma_start3A_1327] : memref<2x4x!tpu.dma_semaphore, #tpu.memory_space<semaphore_mem>> -> memref<1x1x!tpu.dma_semaphore, #tpu.memory_space<semaphore_mem>>
    %dma_start3A_1335 = tpu.memref_squeeze %dma_start3A_1334 : memref<1x1x!tpu.dma_semaphore, #tpu.memory_space<semaphore_mem>> -> memref<!tpu.dma_semaphore, #tpu.memory_space<semaphore_mem>>
    %dma_start3A_1336 = arith.constant 0 : i32
    %dma_start3A_1337 = tpu.memref_slice %arg3[%add3A_1324, %dma_start3A_1336] : memref<32768x1024xf32, #tpu.memory_space<hbm>> -> memref<32x1024xf32, #tpu.memory_space<hbm>>
    %dma_start3A_1338 = arith.constant 0 : i32
    %dma_start3A_1339 = arith.constant 0 : i32
    %dma_start3A_1340 = tpu.memref_slice %arg4[%dma_start3A_1325, %dma_start3A_1338, %dma_start3A_1339] : memref<2x32x1024xf32, #tpu.memory_space<vmem>> -> memref<1x32x1024xf32, #tpu.memory_space<vmem>>
    %dma_start3A_1341 = tpu.memref_squeeze %dma_start3A_1340 : memref<1x32x1024xf32, #tpu.memory_space<vmem>> -> memref<32x1024xf32, #tpu.memory_space<vmem>>
    tpu.enqueue_dma source(%dma_start3A_1341 : memref<32x1024xf32, #tpu.memory_space<vmem>>) target(%dma_start3A_1337 : memref<32x1024xf32, #tpu.memory_space<hbm>>) target_semaphore(%dma_start3A_1335 : memref<!tpu.dma_semaphore, #tpu.memory_space<semaphore_mem>>)
    %add3A_1342 = arith.constant 24576 : i32
    %add3A_1343 = arith.addi %add3A_1342, %mul3A_2 : i32
    %add3A_1344 = arith.constant 192 : i32
    %add3A_1345 = arith.addi %add3A_1343, %add3A_1344 : i32
    %dma_start3A_1346 = arith.constant 0 : i32
    %dma_start3A_1347 = arith.constant 0 : i32
    %dma_start3A_1348 = arith.constant 3 : i32
    %dma_start3A_1349 = arith.constant 0 : i32
    %dma_start3A_1350 = arith.constant 0 : i32
    %dma_start3A_1351 = tpu.memref_slice %arg4[%dma_start3A_1346, %dma_start3A_1349, %dma_start3A_1350] : memref<2x32x1024xf32, #tpu.memory_space<vmem>> -> memref<1x32x1024xf32, #tpu.memory_space<vmem>>
    %dma_start3A_1352 = tpu.memref_squeeze %dma_start3A_1351 : memref<1x32x1024xf32, #tpu.memory_space<vmem>> -> memref<32x1024xf32, #tpu.memory_space<vmem>>
    %dma_start3A_1353 = arith.constant 0 : i32
    %dma_start3A_1354 = tpu.memref_slice %arg3[%add3A_1345, %dma_start3A_1353] : memref<32768x1024xf32, #tpu.memory_space<hbm>> -> memref<32x1024xf32, #tpu.memory_space<hbm>>
    %dma_start3A_1355 = tpu.memref_slice %arg6[%dma_start3A_1347, %dma_start3A_1348] : memref<2x4x!tpu.dma_semaphore, #tpu.memory_space<semaphore_mem>> -> memref<1x1x!tpu.dma_semaphore, #tpu.memory_space<semaphore_mem>>
    %dma_start3A_1356 = tpu.memref_squeeze %dma_start3A_1355 : memref<1x1x!tpu.dma_semaphore, #tpu.memory_space<semaphore_mem>> -> memref<!tpu.dma_semaphore, #tpu.memory_space<semaphore_mem>>
    %dma_start3A_1357 = arith.constant 0 : i32
    %dma_start3A_1358 = tpu.memref_slice %arg3[%add3A_1345, %dma_start3A_1357] : memref<32768x1024xf32, #tpu.memory_space<hbm>> -> memref<32x1024xf32, #tpu.memory_space<hbm>>
    %dma_start3A_1359 = arith.constant 0 : i32
    %dma_start3A_1360 = arith.constant 0 : i32
    %dma_start3A_1361 = tpu.memref_slice %arg4[%dma_start3A_1346, %dma_start3A_1359, %dma_start3A_1360] : memref<2x32x1024xf32, #tpu.memory_space<vmem>> -> memref<1x32x1024xf32, #tpu.memory_space<vmem>>
    %dma_start3A_1362 = tpu.memref_squeeze %dma_start3A_1361 : memref<1x32x1024xf32, #tpu.memory_space<vmem>> -> memref<32x1024xf32, #tpu.memory_space<vmem>>
    tpu.enqueue_dma source(%dma_start3A_1362 : memref<32x1024xf32, #tpu.memory_space<vmem>>) target(%dma_start3A_1358 : memref<32x1024xf32, #tpu.memory_space<hbm>>) target_semaphore(%dma_start3A_1356 : memref<!tpu.dma_semaphore, #tpu.memory_space<semaphore_mem>>)
    %add3A_1363 = arith.constant 224 : i32
    %add3A_1364 = arith.addi %mul3A_2, %add3A_1363 : i32
    %dma_wait3A_1365 = arith.constant 1 : i32
    %dma_wait3A_1366 = arith.constant 1 : i32
    %dma_wait3A_1367 = arith.constant 0 : i32
    %dma_wait3A_1368 = arith.constant 0 : i32
    %dma_wait3A_1369 = tpu.memref_slice %arg4[%dma_wait3A_1365, %dma_wait3A_1367, %dma_wait3A_1368] : memref<2x32x1024xf32, #tpu.memory_space<vmem>> -> memref<1x32x1024xf32, #tpu.memory_space<vmem>>
    %dma_wait3A_1370 = tpu.memref_squeeze %dma_wait3A_1369 : memref<1x32x1024xf32, #tpu.memory_space<vmem>> -> memref<32x1024xf32, #tpu.memory_space<vmem>>
    %dma_wait3A_1371 = arith.constant 0 : i32
    %dma_wait3A_1372 = tpu.memref_slice %arg2[%add3A_1364, %dma_wait3A_1371] : memref<8192x1024xf32, #tpu.memory_space<hbm>> -> memref<32x1024xf32, #tpu.memory_space<hbm>>
    %dma_wait3A_1373 = tpu.memref_slice %arg5[%dma_wait3A_1366] : memref<2x!tpu.dma_semaphore, #tpu.memory_space<semaphore_mem>> -> memref<1x!tpu.dma_semaphore, #tpu.memory_space<semaphore_mem>>
    %dma_wait3A_1374 = tpu.memref_squeeze %dma_wait3A_1373 : memref<1x!tpu.dma_semaphore, #tpu.memory_space<semaphore_mem>> -> memref<!tpu.dma_semaphore, #tpu.memory_space<semaphore_mem>>
    %dma_wait3A_1375 = arith.constant 0 : i32
    %dma_wait3A_1376 = arith.constant 0 : i32
    %dma_wait3A_1377 = tpu.memref_slice %arg4[%dma_wait3A_1365, %dma_wait3A_1375, %dma_wait3A_1376] : memref<2x32x1024xf32, #tpu.memory_space<vmem>> -> memref<1x32x1024xf32, #tpu.memory_space<vmem>>
    %dma_wait3A_1378 = tpu.memref_squeeze %dma_wait3A_1377 : memref<1x32x1024xf32, #tpu.memory_space<vmem>> -> memref<32x1024xf32, #tpu.memory_space<vmem>>
    %dma_wait3A_1379 = arith.constant 0 : i32
    %dma_wait3A_1380 = tpu.memref_slice %arg2[%add3A_1364, %dma_wait3A_1379] : memref<8192x1024xf32, #tpu.memory_space<hbm>> -> memref<32x1024xf32, #tpu.memory_space<hbm>>
    tpu.wait_dma2 semaphore(%dma_wait3A_1374 : memref<!tpu.dma_semaphore, #tpu.memory_space<semaphore_mem>>) src(%dma_wait3A_1380 : memref<32x1024xf32, #tpu.memory_space<hbm>>) dst(%dma_wait3A_1378 : memref<32x1024xf32, #tpu.memory_space<vmem>>)
    %add3A_1381 = arith.constant 0 : i32
    %add3A_1382 = arith.addi %add3A_1381, %mul3A_2 : i32
    %add3A_1383 = arith.constant 224 : i32
    %add3A_1384 = arith.addi %add3A_1382, %add3A_1383 : i32
    %dma_start3A_1385 = arith.constant 1 : i32
    %dma_start3A_1386 = arith.constant 1 : i32
    %dma_start3A_1387 = arith.constant 0 : i32
    %dma_start3A_1388 = arith.constant 0 : i32
    %dma_start3A_1389 = arith.constant 0 : i32
    %dma_start3A_1390 = tpu.memref_slice %arg4[%dma_start3A_1385, %dma_start3A_1388, %dma_start3A_1389] : memref<2x32x1024xf32, #tpu.memory_space<vmem>> -> memref<1x32x1024xf32, #tpu.memory_space<vmem>>
    %dma_start3A_1391 = tpu.memref_squeeze %dma_start3A_1390 : memref<1x32x1024xf32, #tpu.memory_space<vmem>> -> memref<32x1024xf32, #tpu.memory_space<vmem>>
    %dma_start3A_1392 = arith.constant 0 : i32
    %dma_start3A_1393 = tpu.memref_slice %arg3[%add3A_1384, %dma_start3A_1392] : memref<32768x1024xf32, #tpu.memory_space<hbm>> -> memref<32x1024xf32, #tpu.memory_space<hbm>>
    %dma_start3A_1394 = tpu.memref_slice %arg6[%dma_start3A_1386, %dma_start3A_1387] : memref<2x4x!tpu.dma_semaphore, #tpu.memory_space<semaphore_mem>> -> memref<1x1x!tpu.dma_semaphore, #tpu.memory_space<semaphore_mem>>
    %dma_start3A_1395 = tpu.memref_squeeze %dma_start3A_1394 : memref<1x1x!tpu.dma_semaphore, #tpu.memory_space<semaphore_mem>> -> memref<!tpu.dma_semaphore, #tpu.memory_space<semaphore_mem>>
    %dma_start3A_1396 = arith.constant 0 : i32
    %dma_start3A_1397 = tpu.memref_slice %arg3[%add3A_1384, %dma_start3A_1396] : memref<32768x1024xf32, #tpu.memory_space<hbm>> -> memref<32x1024xf32, #tpu.memory_space<hbm>>
    %dma_start3A_1398 = arith.constant 0 : i32
    %dma_start3A_1399 = arith.constant 0 : i32
    %dma_start3A_1400 = tpu.memref_slice %arg4[%dma_start3A_1385, %dma_start3A_1398, %dma_start3A_1399] : memref<2x32x1024xf32, #tpu.memory_space<vmem>> -> memref<1x32x1024xf32, #tpu.memory_space<vmem>>
    %dma_start3A_1401 = tpu.memref_squeeze %dma_start3A_1400 : memref<1x32x1024xf32, #tpu.memory_space<vmem>> -> memref<32x1024xf32, #tpu.memory_space<vmem>>
    tpu.enqueue_dma source(%dma_start3A_1401 : memref<32x1024xf32, #tpu.memory_space<vmem>>) target(%dma_start3A_1397 : memref<32x1024xf32, #tpu.memory_space<hbm>>) target_semaphore(%dma_start3A_1395 : memref<!tpu.dma_semaphore, #tpu.memory_space<semaphore_mem>>)
    %add3A_1402 = arith.constant 8192 : i32
    %add3A_1403 = arith.addi %add3A_1402, %mul3A_2 : i32
    %add3A_1404 = arith.constant 224 : i32
    %add3A_1405 = arith.addi %add3A_1403, %add3A_1404 : i32
    %dma_start3A_1406 = arith.constant 1 : i32
    %dma_start3A_1407 = arith.constant 1 : i32
    %dma_start3A_1408 = arith.constant 1 : i32
    %dma_start3A_1409 = arith.constant 0 : i32
    %dma_start3A_1410 = arith.constant 0 : i32
    %dma_start3A_1411 = tpu.memref_slice %arg4[%dma_start3A_1406, %dma_start3A_1409, %dma_start3A_1410] : memref<2x32x1024xf32, #tpu.memory_space<vmem>> -> memref<1x32x1024xf32, #tpu.memory_space<vmem>>
    %dma_start3A_1412 = tpu.memref_squeeze %dma_start3A_1411 : memref<1x32x1024xf32, #tpu.memory_space<vmem>> -> memref<32x1024xf32, #tpu.memory_space<vmem>>
    %dma_start3A_1413 = arith.constant 0 : i32
    %dma_start3A_1414 = tpu.memref_slice %arg3[%add3A_1405, %dma_start3A_1413] : memref<32768x1024xf32, #tpu.memory_space<hbm>> -> memref<32x1024xf32, #tpu.memory_space<hbm>>
    %dma_start3A_1415 = tpu.memref_slice %arg6[%dma_start3A_1407, %dma_start3A_1408] : memref<2x4x!tpu.dma_semaphore, #tpu.memory_space<semaphore_mem>> -> memref<1x1x!tpu.dma_semaphore, #tpu.memory_space<semaphore_mem>>
    %dma_start3A_1416 = tpu.memref_squeeze %dma_start3A_1415 : memref<1x1x!tpu.dma_semaphore, #tpu.memory_space<semaphore_mem>> -> memref<!tpu.dma_semaphore, #tpu.memory_space<semaphore_mem>>
    %dma_start3A_1417 = arith.constant 0 : i32
    %dma_start3A_1418 = tpu.memref_slice %arg3[%add3A_1405, %dma_start3A_1417] : memref<32768x1024xf32, #tpu.memory_space<hbm>> -> memref<32x1024xf32, #tpu.memory_space<hbm>>
    %dma_start3A_1419 = arith.constant 0 : i32
    %dma_start3A_1420 = arith.constant 0 : i32
    %dma_start3A_1421 = tpu.memref_slice %arg4[%dma_start3A_1406, %dma_start3A_1419, %dma_start3A_1420] : memref<2x32x1024xf32, #tpu.memory_space<vmem>> -> memref<1x32x1024xf32, #tpu.memory_space<vmem>>
    %dma_start3A_1422 = tpu.memref_squeeze %dma_start3A_1421 : memref<1x32x1024xf32, #tpu.memory_space<vmem>> -> memref<32x1024xf32, #tpu.memory_space<vmem>>
    tpu.enqueue_dma source(%dma_start3A_1422 : memref<32x1024xf32, #tpu.memory_space<vmem>>) target(%dma_start3A_1418 : memref<32x1024xf32, #tpu.memory_space<hbm>>) target_semaphore(%dma_start3A_1416 : memref<!tpu.dma_semaphore, #tpu.memory_space<semaphore_mem>>)
    %add3A_1423 = arith.constant 16384 : i32
    %add3A_1424 = arith.addi %add3A_1423, %mul3A_2 : i32
    %add3A_1425 = arith.constant 224 : i32
    %add3A_1426 = arith.addi %add3A_1424, %add3A_1425 : i32
    %dma_start3A_1427 = arith.constant 1 : i32
    %dma_start3A_1428 = arith.constant 1 : i32
    %dma_start3A_1429 = arith.constant 2 : i32
    %dma_start3A_1430 = arith.constant 0 : i32
    %dma_start3A_1431 = arith.constant 0 : i32
    %dma_start3A_1432 = tpu.memref_slice %arg4[%dma_start3A_1427, %dma_start3A_1430, %dma_start3A_1431] : memref<2x32x1024xf32, #tpu.memory_space<vmem>> -> memref<1x32x1024xf32, #tpu.memory_space<vmem>>
    %dma_start3A_1433 = tpu.memref_squeeze %dma_start3A_1432 : memref<1x32x1024xf32, #tpu.memory_space<vmem>> -> memref<32x1024xf32, #tpu.memory_space<vmem>>
    %dma_start3A_1434 = arith.constant 0 : i32
    %dma_start3A_1435 = tpu.memref_slice %arg3[%add3A_1426, %dma_start3A_1434] : memref<32768x1024xf32, #tpu.memory_space<hbm>> -> memref<32x1024xf32, #tpu.memory_space<hbm>>
    %dma_start3A_1436 = tpu.memref_slice %arg6[%dma_start3A_1428, %dma_start3A_1429] : memref<2x4x!tpu.dma_semaphore, #tpu.memory_space<semaphore_mem>> -> memref<1x1x!tpu.dma_semaphore, #tpu.memory_space<semaphore_mem>>
    %dma_start3A_1437 = tpu.memref_squeeze %dma_start3A_1436 : memref<1x1x!tpu.dma_semaphore, #tpu.memory_space<semaphore_mem>> -> memref<!tpu.dma_semaphore, #tpu.memory_space<semaphore_mem>>
    %dma_start3A_1438 = arith.constant 0 : i32
    %dma_start3A_1439 = tpu.memref_slice %arg3[%add3A_1426, %dma_start3A_1438] : memref<32768x1024xf32, #tpu.memory_space<hbm>> -> memref<32x1024xf32, #tpu.memory_space<hbm>>
    %dma_start3A_1440 = arith.constant 0 : i32
    %dma_start3A_1441 = arith.constant 0 : i32
    %dma_start3A_1442 = tpu.memref_slice %arg4[%dma_start3A_1427, %dma_start3A_1440, %dma_start3A_1441] : memref<2x32x1024xf32, #tpu.memory_space<vmem>> -> memref<1x32x1024xf32, #tpu.memory_space<vmem>>
    %dma_start3A_1443 = tpu.memref_squeeze %dma_start3A_1442 : memref<1x32x1024xf32, #tpu.memory_space<vmem>> -> memref<32x1024xf32, #tpu.memory_space<vmem>>
    tpu.enqueue_dma source(%dma_start3A_1443 : memref<32x1024xf32, #tpu.memory_space<vmem>>) target(%dma_start3A_1439 : memref<32x1024xf32, #tpu.memory_space<hbm>>) target_semaphore(%dma_start3A_1437 : memref<!tpu.dma_semaphore, #tpu.memory_space<semaphore_mem>>)
    %add3A_1444 = arith.constant 24576 : i32
    %add3A_1445 = arith.addi %add3A_1444, %mul3A_2 : i32
    %add3A_1446 = arith.constant 224 : i32
    %add3A_1447 = arith.addi %add3A_1445, %add3A_1446 : i32
    %dma_start3A_1448 = arith.constant 1 : i32
    %dma_start3A_1449 = arith.constant 1 : i32
    %dma_start3A_1450 = arith.constant 3 : i32
    %dma_start3A_1451 = arith.constant 0 : i32
    %dma_start3A_1452 = arith.constant 0 : i32
    %dma_start3A_1453 = tpu.memref_slice %arg4[%dma_start3A_1448, %dma_start3A_1451, %dma_start3A_1452] : memref<2x32x1024xf32, #tpu.memory_space<vmem>> -> memref<1x32x1024xf32, #tpu.memory_space<vmem>>
    %dma_start3A_1454 = tpu.memref_squeeze %dma_start3A_1453 : memref<1x32x1024xf32, #tpu.memory_space<vmem>> -> memref<32x1024xf32, #tpu.memory_space<vmem>>
    %dma_start3A_1455 = arith.constant 0 : i32
    %dma_start3A_1456 = tpu.memref_slice %arg3[%add3A_1447, %dma_start3A_1455] : memref<32768x1024xf32, #tpu.memory_space<hbm>> -> memref<32x1024xf32, #tpu.memory_space<hbm>>
    %dma_start3A_1457 = tpu.memref_slice %arg6[%dma_start3A_1449, %dma_start3A_1450] : memref<2x4x!tpu.dma_semaphore, #tpu.memory_space<semaphore_mem>> -> memref<1x1x!tpu.dma_semaphore, #tpu.memory_space<semaphore_mem>>
    %dma_start3A_1458 = tpu.memref_squeeze %dma_start3A_1457 : memref<1x1x!tpu.dma_semaphore, #tpu.memory_space<semaphore_mem>> -> memref<!tpu.dma_semaphore, #tpu.memory_space<semaphore_mem>>
    %dma_start3A_1459 = arith.constant 0 : i32
    %dma_start3A_1460 = tpu.memref_slice %arg3[%add3A_1447, %dma_start3A_1459] : memref<32768x1024xf32, #tpu.memory_space<hbm>> -> memref<32x1024xf32, #tpu.memory_space<hbm>>
    %dma_start3A_1461 = arith.constant 0 : i32
    %dma_start3A_1462 = arith.constant 0 : i32
    %dma_start3A_1463 = tpu.memref_slice %arg4[%dma_start3A_1448, %dma_start3A_1461, %dma_start3A_1462] : memref<2x32x1024xf32, #tpu.memory_space<vmem>> -> memref<1x32x1024xf32, #tpu.memory_space<vmem>>
    %dma_start3A_1464 = tpu.memref_squeeze %dma_start3A_1463 : memref<1x32x1024xf32, #tpu.memory_space<vmem>> -> memref<32x1024xf32, #tpu.memory_space<vmem>>
    tpu.enqueue_dma source(%dma_start3A_1464 : memref<32x1024xf32, #tpu.memory_space<vmem>>) target(%dma_start3A_1460 : memref<32x1024xf32, #tpu.memory_space<hbm>>) target_semaphore(%dma_start3A_1458 : memref<!tpu.dma_semaphore, #tpu.memory_space<semaphore_mem>>)
    %add3A_1465 = arith.constant 0 : i32
    %add3A_1466 = arith.addi %add3A_1465, %mul3A_2 : i32
    %add3A_1467 = arith.constant 192 : i32
    %add3A_1468 = arith.addi %add3A_1466, %add3A_1467 : i32
    %dma_wait3A_1469 = arith.constant 0 : i32
    %dma_wait3A_1470 = arith.constant 0 : i32
    %dma_wait3A_1471 = arith.constant 0 : i32
    %dma_wait3A_1472 = arith.constant 0 : i32
    %dma_wait3A_1473 = arith.constant 0 : i32
    %dma_wait3A_1474 = tpu.memref_slice %arg4[%dma_wait3A_1469, %dma_wait3A_1472, %dma_wait3A_1473] : memref<2x32x1024xf32, #tpu.memory_space<vmem>> -> memref<1x32x1024xf32, #tpu.memory_space<vmem>>
    %dma_wait3A_1475 = tpu.memref_squeeze %dma_wait3A_1474 : memref<1x32x1024xf32, #tpu.memory_space<vmem>> -> memref<32x1024xf32, #tpu.memory_space<vmem>>
    %dma_wait3A_1476 = arith.constant 0 : i32
    %dma_wait3A_1477 = tpu.memref_slice %arg3[%add3A_1468, %dma_wait3A_1476] : memref<32768x1024xf32, #tpu.memory_space<hbm>> -> memref<32x1024xf32, #tpu.memory_space<hbm>>
    %dma_wait3A_1478 = tpu.memref_slice %arg6[%dma_wait3A_1470, %dma_wait3A_1471] : memref<2x4x!tpu.dma_semaphore, #tpu.memory_space<semaphore_mem>> -> memref<1x1x!tpu.dma_semaphore, #tpu.memory_space<semaphore_mem>>
    %dma_wait3A_1479 = tpu.memref_squeeze %dma_wait3A_1478 : memref<1x1x!tpu.dma_semaphore, #tpu.memory_space<semaphore_mem>> -> memref<!tpu.dma_semaphore, #tpu.memory_space<semaphore_mem>>
    %dma_wait3A_1480 = arith.constant 0 : i32
    %dma_wait3A_1481 = tpu.memref_slice %arg3[%add3A_1468, %dma_wait3A_1480] : memref<32768x1024xf32, #tpu.memory_space<hbm>> -> memref<32x1024xf32, #tpu.memory_space<hbm>>
    %dma_wait3A_1482 = arith.constant 0 : i32
    %dma_wait3A_1483 = arith.constant 0 : i32
    %dma_wait3A_1484 = tpu.memref_slice %arg4[%dma_wait3A_1469, %dma_wait3A_1482, %dma_wait3A_1483] : memref<2x32x1024xf32, #tpu.memory_space<vmem>> -> memref<1x32x1024xf32, #tpu.memory_space<vmem>>
    %dma_wait3A_1485 = tpu.memref_squeeze %dma_wait3A_1484 : memref<1x32x1024xf32, #tpu.memory_space<vmem>> -> memref<32x1024xf32, #tpu.memory_space<vmem>>
    tpu.wait_dma2 semaphore(%dma_wait3A_1479 : memref<!tpu.dma_semaphore, #tpu.memory_space<semaphore_mem>>) src(%dma_wait3A_1485 : memref<32x1024xf32, #tpu.memory_space<vmem>>) dst(%dma_wait3A_1481 : memref<32x1024xf32, #tpu.memory_space<hbm>>)
    %add3A_1486 = arith.constant 8192 : i32
    %add3A_1487 = arith.addi %add3A_1486, %mul3A_2 : i32
    %add3A_1488 = arith.constant 192 : i32
    %add3A_1489 = arith.addi %add3A_1487, %add3A_1488 : i32
    %dma_wait3A_1490 = arith.constant 0 : i32
    %dma_wait3A_1491 = arith.constant 0 : i32
    %dma_wait3A_1492 = arith.constant 1 : i32
    %dma_wait3A_1493 = arith.constant 0 : i32
    %dma_wait3A_1494 = arith.constant 0 : i32
    %dma_wait3A_1495 = tpu.memref_slice %arg4[%dma_wait3A_1490, %dma_wait3A_1493, %dma_wait3A_1494] : memref<2x32x1024xf32, #tpu.memory_space<vmem>> -> memref<1x32x1024xf32, #tpu.memory_space<vmem>>
    %dma_wait3A_1496 = tpu.memref_squeeze %dma_wait3A_1495 : memref<1x32x1024xf32, #tpu.memory_space<vmem>> -> memref<32x1024xf32, #tpu.memory_space<vmem>>
    %dma_wait3A_1497 = arith.constant 0 : i32
    %dma_wait3A_1498 = tpu.memref_slice %arg3[%add3A_1489, %dma_wait3A_1497] : memref<32768x1024xf32, #tpu.memory_space<hbm>> -> memref<32x1024xf32, #tpu.memory_space<hbm>>
    %dma_wait3A_1499 = tpu.memref_slice %arg6[%dma_wait3A_1491, %dma_wait3A_1492] : memref<2x4x!tpu.dma_semaphore, #tpu.memory_space<semaphore_mem>> -> memref<1x1x!tpu.dma_semaphore, #tpu.memory_space<semaphore_mem>>
    %dma_wait3A_1500 = tpu.memref_squeeze %dma_wait3A_1499 : memref<1x1x!tpu.dma_semaphore, #tpu.memory_space<semaphore_mem>> -> memref<!tpu.dma_semaphore, #tpu.memory_space<semaphore_mem>>
    %dma_wait3A_1501 = arith.constant 0 : i32
    %dma_wait3A_1502 = tpu.memref_slice %arg3[%add3A_1489, %dma_wait3A_1501] : memref<32768x1024xf32, #tpu.memory_space<hbm>> -> memref<32x1024xf32, #tpu.memory_space<hbm>>
    %dma_wait3A_1503 = arith.constant 0 : i32
    %dma_wait3A_1504 = arith.constant 0 : i32
    %dma_wait3A_1505 = tpu.memref_slice %arg4[%dma_wait3A_1490, %dma_wait3A_1503, %dma_wait3A_1504] : memref<2x32x1024xf32, #tpu.memory_space<vmem>> -> memref<1x32x1024xf32, #tpu.memory_space<vmem>>
    %dma_wait3A_1506 = tpu.memref_squeeze %dma_wait3A_1505 : memref<1x32x1024xf32, #tpu.memory_space<vmem>> -> memref<32x1024xf32, #tpu.memory_space<vmem>>
    tpu.wait_dma2 semaphore(%dma_wait3A_1500 : memref<!tpu.dma_semaphore, #tpu.memory_space<semaphore_mem>>) src(%dma_wait3A_1506 : memref<32x1024xf32, #tpu.memory_space<vmem>>) dst(%dma_wait3A_1502 : memref<32x1024xf32, #tpu.memory_space<hbm>>)
    %add3A_1507 = arith.constant 16384 : i32
    %add3A_1508 = arith.addi %add3A_1507, %mul3A_2 : i32
    %add3A_1509 = arith.constant 192 : i32
    %add3A_1510 = arith.addi %add3A_1508, %add3A_1509 : i32
    %dma_wait3A_1511 = arith.constant 0 : i32
    %dma_wait3A_1512 = arith.constant 0 : i32
    %dma_wait3A_1513 = arith.constant 2 : i32
    %dma_wait3A_1514 = arith.constant 0 : i32
    %dma_wait3A_1515 = arith.constant 0 : i32
    %dma_wait3A_1516 = tpu.memref_slice %arg4[%dma_wait3A_1511, %dma_wait3A_1514, %dma_wait3A_1515] : memref<2x32x1024xf32, #tpu.memory_space<vmem>> -> memref<1x32x1024xf32, #tpu.memory_space<vmem>>
    %dma_wait3A_1517 = tpu.memref_squeeze %dma_wait3A_1516 : memref<1x32x1024xf32, #tpu.memory_space<vmem>> -> memref<32x1024xf32, #tpu.memory_space<vmem>>
    %dma_wait3A_1518 = arith.constant 0 : i32
    %dma_wait3A_1519 = tpu.memref_slice %arg3[%add3A_1510, %dma_wait3A_1518] : memref<32768x1024xf32, #tpu.memory_space<hbm>> -> memref<32x1024xf32, #tpu.memory_space<hbm>>
    %dma_wait3A_1520 = tpu.memref_slice %arg6[%dma_wait3A_1512, %dma_wait3A_1513] : memref<2x4x!tpu.dma_semaphore, #tpu.memory_space<semaphore_mem>> -> memref<1x1x!tpu.dma_semaphore, #tpu.memory_space<semaphore_mem>>
    %dma_wait3A_1521 = tpu.memref_squeeze %dma_wait3A_1520 : memref<1x1x!tpu.dma_semaphore, #tpu.memory_space<semaphore_mem>> -> memref<!tpu.dma_semaphore, #tpu.memory_space<semaphore_mem>>
    %dma_wait3A_1522 = arith.constant 0 : i32
    %dma_wait3A_1523 = tpu.memref_slice %arg3[%add3A_1510, %dma_wait3A_1522] : memref<32768x1024xf32, #tpu.memory_space<hbm>> -> memref<32x1024xf32, #tpu.memory_space<hbm>>
    %dma_wait3A_1524 = arith.constant 0 : i32
    %dma_wait3A_1525 = arith.constant 0 : i32
    %dma_wait3A_1526 = tpu.memref_slice %arg4[%dma_wait3A_1511, %dma_wait3A_1524, %dma_wait3A_1525] : memref<2x32x1024xf32, #tpu.memory_space<vmem>> -> memref<1x32x1024xf32, #tpu.memory_space<vmem>>
    %dma_wait3A_1527 = tpu.memref_squeeze %dma_wait3A_1526 : memref<1x32x1024xf32, #tpu.memory_space<vmem>> -> memref<32x1024xf32, #tpu.memory_space<vmem>>
    tpu.wait_dma2 semaphore(%dma_wait3A_1521 : memref<!tpu.dma_semaphore, #tpu.memory_space<semaphore_mem>>) src(%dma_wait3A_1527 : memref<32x1024xf32, #tpu.memory_space<vmem>>) dst(%dma_wait3A_1523 : memref<32x1024xf32, #tpu.memory_space<hbm>>)
    %add3A_1528 = arith.constant 24576 : i32
    %add3A_1529 = arith.addi %add3A_1528, %mul3A_2 : i32
    %add3A_1530 = arith.constant 192 : i32
    %add3A_1531 = arith.addi %add3A_1529, %add3A_1530 : i32
    %dma_wait3A_1532 = arith.constant 0 : i32
    %dma_wait3A_1533 = arith.constant 0 : i32
    %dma_wait3A_1534 = arith.constant 3 : i32
    %dma_wait3A_1535 = arith.constant 0 : i32
    %dma_wait3A_1536 = arith.constant 0 : i32
    %dma_wait3A_1537 = tpu.memref_slice %arg4[%dma_wait3A_1532, %dma_wait3A_1535, %dma_wait3A_1536] : memref<2x32x1024xf32, #tpu.memory_space<vmem>> -> memref<1x32x1024xf32, #tpu.memory_space<vmem>>
    %dma_wait3A_1538 = tpu.memref_squeeze %dma_wait3A_1537 : memref<1x32x1024xf32, #tpu.memory_space<vmem>> -> memref<32x1024xf32, #tpu.memory_space<vmem>>
    %dma_wait3A_1539 = arith.constant 0 : i32
    %dma_wait3A_1540 = tpu.memref_slice %arg3[%add3A_1531, %dma_wait3A_1539] : memref<32768x1024xf32, #tpu.memory_space<hbm>> -> memref<32x1024xf32, #tpu.memory_space<hbm>>
    %dma_wait3A_1541 = tpu.memref_slice %arg6[%dma_wait3A_1533, %dma_wait3A_1534] : memref<2x4x!tpu.dma_semaphore, #tpu.memory_space<semaphore_mem>> -> memref<1x1x!tpu.dma_semaphore, #tpu.memory_space<semaphore_mem>>
    %dma_wait3A_1542 = tpu.memref_squeeze %dma_wait3A_1541 : memref<1x1x!tpu.dma_semaphore, #tpu.memory_space<semaphore_mem>> -> memref<!tpu.dma_semaphore, #tpu.memory_space<semaphore_mem>>
    %dma_wait3A_1543 = arith.constant 0 : i32
    %dma_wait3A_1544 = tpu.memref_slice %arg3[%add3A_1531, %dma_wait3A_1543] : memref<32768x1024xf32, #tpu.memory_space<hbm>> -> memref<32x1024xf32, #tpu.memory_space<hbm>>
    %dma_wait3A_1545 = arith.constant 0 : i32
    %dma_wait3A_1546 = arith.constant 0 : i32
    %dma_wait3A_1547 = tpu.memref_slice %arg4[%dma_wait3A_1532, %dma_wait3A_1545, %dma_wait3A_1546] : memref<2x32x1024xf32, #tpu.memory_space<vmem>> -> memref<1x32x1024xf32, #tpu.memory_space<vmem>>
    %dma_wait3A_1548 = tpu.memref_squeeze %dma_wait3A_1547 : memref<1x32x1024xf32, #tpu.memory_space<vmem>> -> memref<32x1024xf32, #tpu.memory_space<vmem>>
    tpu.wait_dma2 semaphore(%dma_wait3A_1542 : memref<!tpu.dma_semaphore, #tpu.memory_space<semaphore_mem>>) src(%dma_wait3A_1548 : memref<32x1024xf32, #tpu.memory_space<vmem>>) dst(%dma_wait3A_1544 : memref<32x1024xf32, #tpu.memory_space<hbm>>)
    %add3A_1549 = arith.constant 0 : i32
    %add3A_1550 = arith.addi %add3A_1549, %mul3A_2 : i32
    %add3A_1551 = arith.constant 224 : i32
    %add3A_1552 = arith.addi %add3A_1550, %add3A_1551 : i32
    %dma_wait3A_1553 = arith.constant 1 : i32
    %dma_wait3A_1554 = arith.constant 1 : i32
    %dma_wait3A_1555 = arith.constant 0 : i32
    %dma_wait3A_1556 = arith.constant 0 : i32
    %dma_wait3A_1557 = arith.constant 0 : i32
    %dma_wait3A_1558 = tpu.memref_slice %arg4[%dma_wait3A_1553, %dma_wait3A_1556, %dma_wait3A_1557] : memref<2x32x1024xf32, #tpu.memory_space<vmem>> -> memref<1x32x1024xf32, #tpu.memory_space<vmem>>
    %dma_wait3A_1559 = tpu.memref_squeeze %dma_wait3A_1558 : memref<1x32x1024xf32, #tpu.memory_space<vmem>> -> memref<32x1024xf32, #tpu.memory_space<vmem>>
    %dma_wait3A_1560 = arith.constant 0 : i32
    %dma_wait3A_1561 = tpu.memref_slice %arg3[%add3A_1552, %dma_wait3A_1560] : memref<32768x1024xf32, #tpu.memory_space<hbm>> -> memref<32x1024xf32, #tpu.memory_space<hbm>>
    %dma_wait3A_1562 = tpu.memref_slice %arg6[%dma_wait3A_1554, %dma_wait3A_1555] : memref<2x4x!tpu.dma_semaphore, #tpu.memory_space<semaphore_mem>> -> memref<1x1x!tpu.dma_semaphore, #tpu.memory_space<semaphore_mem>>
    %dma_wait3A_1563 = tpu.memref_squeeze %dma_wait3A_1562 : memref<1x1x!tpu.dma_semaphore, #tpu.memory_space<semaphore_mem>> -> memref<!tpu.dma_semaphore, #tpu.memory_space<semaphore_mem>>
    %dma_wait3A_1564 = arith.constant 0 : i32
    %dma_wait3A_1565 = tpu.memref_slice %arg3[%add3A_1552, %dma_wait3A_1564] : memref<32768x1024xf32, #tpu.memory_space<hbm>> -> memref<32x1024xf32, #tpu.memory_space<hbm>>
    %dma_wait3A_1566 = arith.constant 0 : i32
    %dma_wait3A_1567 = arith.constant 0 : i32
    %dma_wait3A_1568 = tpu.memref_slice %arg4[%dma_wait3A_1553, %dma_wait3A_1566, %dma_wait3A_1567] : memref<2x32x1024xf32, #tpu.memory_space<vmem>> -> memref<1x32x1024xf32, #tpu.memory_space<vmem>>
    %dma_wait3A_1569 = tpu.memref_squeeze %dma_wait3A_1568 : memref<1x32x1024xf32, #tpu.memory_space<vmem>> -> memref<32x1024xf32, #tpu.memory_space<vmem>>
    tpu.wait_dma2 semaphore(%dma_wait3A_1563 : memref<!tpu.dma_semaphore, #tpu.memory_space<semaphore_mem>>) src(%dma_wait3A_1569 : memref<32x1024xf32, #tpu.memory_space<vmem>>) dst(%dma_wait3A_1565 : memref<32x1024xf32, #tpu.memory_space<hbm>>)
    %add3A_1570 = arith.constant 8192 : i32
    %add3A_1571 = arith.addi %add3A_1570, %mul3A_2 : i32
    %add3A_1572 = arith.constant 224 : i32
    %add3A_1573 = arith.addi %add3A_1571, %add3A_1572 : i32
    %dma_wait3A_1574 = arith.constant 1 : i32
    %dma_wait3A_1575 = arith.constant 1 : i32
    %dma_wait3A_1576 = arith.constant 1 : i32
    %dma_wait3A_1577 = arith.constant 0 : i32
    %dma_wait3A_1578 = arith.constant 0 : i32
    %dma_wait3A_1579 = tpu.memref_slice %arg4[%dma_wait3A_1574, %dma_wait3A_1577, %dma_wait3A_1578] : memref<2x32x1024xf32, #tpu.memory_space<vmem>> -> memref<1x32x1024xf32, #tpu.memory_space<vmem>>
    %dma_wait3A_1580 = tpu.memref_squeeze %dma_wait3A_1579 : memref<1x32x1024xf32, #tpu.memory_space<vmem>> -> memref<32x1024xf32, #tpu.memory_space<vmem>>
    %dma_wait3A_1581 = arith.constant 0 : i32
    %dma_wait3A_1582 = tpu.memref_slice %arg3[%add3A_1573, %dma_wait3A_1581] : memref<32768x1024xf32, #tpu.memory_space<hbm>> -> memref<32x1024xf32, #tpu.memory_space<hbm>>
    %dma_wait3A_1583 = tpu.memref_slice %arg6[%dma_wait3A_1575, %dma_wait3A_1576] : memref<2x4x!tpu.dma_semaphore, #tpu.memory_space<semaphore_mem>> -> memref<1x1x!tpu.dma_semaphore, #tpu.memory_space<semaphore_mem>>
    %dma_wait3A_1584 = tpu.memref_squeeze %dma_wait3A_1583 : memref<1x1x!tpu.dma_semaphore, #tpu.memory_space<semaphore_mem>> -> memref<!tpu.dma_semaphore, #tpu.memory_space<semaphore_mem>>
    %dma_wait3A_1585 = arith.constant 0 : i32
    %dma_wait3A_1586 = tpu.memref_slice %arg3[%add3A_1573, %dma_wait3A_1585] : memref<32768x1024xf32, #tpu.memory_space<hbm>> -> memref<32x1024xf32, #tpu.memory_space<hbm>>
    %dma_wait3A_1587 = arith.constant 0 : i32
    %dma_wait3A_1588 = arith.constant 0 : i32
    %dma_wait3A_1589 = tpu.memref_slice %arg4[%dma_wait3A_1574, %dma_wait3A_1587, %dma_wait3A_1588] : memref<2x32x1024xf32, #tpu.memory_space<vmem>> -> memref<1x32x1024xf32, #tpu.memory_space<vmem>>
    %dma_wait3A_1590 = tpu.memref_squeeze %dma_wait3A_1589 : memref<1x32x1024xf32, #tpu.memory_space<vmem>> -> memref<32x1024xf32, #tpu.memory_space<vmem>>
    tpu.wait_dma2 semaphore(%dma_wait3A_1584 : memref<!tpu.dma_semaphore, #tpu.memory_space<semaphore_mem>>) src(%dma_wait3A_1590 : memref<32x1024xf32, #tpu.memory_space<vmem>>) dst(%dma_wait3A_1586 : memref<32x1024xf32, #tpu.memory_space<hbm>>)
    %add3A_1591 = arith.constant 16384 : i32
    %add3A_1592 = arith.addi %add3A_1591, %mul3A_2 : i32
    %add3A_1593 = arith.constant 224 : i32
    %add3A_1594 = arith.addi %add3A_1592, %add3A_1593 : i32
    %dma_wait3A_1595 = arith.constant 1 : i32
    %dma_wait3A_1596 = arith.constant 1 : i32
    %dma_wait3A_1597 = arith.constant 2 : i32
    %dma_wait3A_1598 = arith.constant 0 : i32
    %dma_wait3A_1599 = arith.constant 0 : i32
    %dma_wait3A_1600 = tpu.memref_slice %arg4[%dma_wait3A_1595, %dma_wait3A_1598, %dma_wait3A_1599] : memref<2x32x1024xf32, #tpu.memory_space<vmem>> -> memref<1x32x1024xf32, #tpu.memory_space<vmem>>
    %dma_wait3A_1601 = tpu.memref_squeeze %dma_wait3A_1600 : memref<1x32x1024xf32, #tpu.memory_space<vmem>> -> memref<32x1024xf32, #tpu.memory_space<vmem>>
    %dma_wait3A_1602 = arith.constant 0 : i32
    %dma_wait3A_1603 = tpu.memref_slice %arg3[%add3A_1594, %dma_wait3A_1602] : memref<32768x1024xf32, #tpu.memory_space<hbm>> -> memref<32x1024xf32, #tpu.memory_space<hbm>>
    %dma_wait3A_1604 = tpu.memref_slice %arg6[%dma_wait3A_1596, %dma_wait3A_1597] : memref<2x4x!tpu.dma_semaphore, #tpu.memory_space<semaphore_mem>> -> memref<1x1x!tpu.dma_semaphore, #tpu.memory_space<semaphore_mem>>
    %dma_wait3A_1605 = tpu.memref_squeeze %dma_wait3A_1604 : memref<1x1x!tpu.dma_semaphore, #tpu.memory_space<semaphore_mem>> -> memref<!tpu.dma_semaphore, #tpu.memory_space<semaphore_mem>>
    %dma_wait3A_1606 = arith.constant 0 : i32
    %dma_wait3A_1607 = tpu.memref_slice %arg3[%add3A_1594, %dma_wait3A_1606] : memref<32768x1024xf32, #tpu.memory_space<hbm>> -> memref<32x1024xf32, #tpu.memory_space<hbm>>
    %dma_wait3A_1608 = arith.constant 0 : i32
    %dma_wait3A_1609 = arith.constant 0 : i32
    %dma_wait3A_1610 = tpu.memref_slice %arg4[%dma_wait3A_1595, %dma_wait3A_1608, %dma_wait3A_1609] : memref<2x32x1024xf32, #tpu.memory_space<vmem>> -> memref<1x32x1024xf32, #tpu.memory_space<vmem>>
    %dma_wait3A_1611 = tpu.memref_squeeze %dma_wait3A_1610 : memref<1x32x1024xf32, #tpu.memory_space<vmem>> -> memref<32x1024xf32, #tpu.memory_space<vmem>>
    tpu.wait_dma2 semaphore(%dma_wait3A_1605 : memref<!tpu.dma_semaphore, #tpu.memory_space<semaphore_mem>>) src(%dma_wait3A_1611 : memref<32x1024xf32, #tpu.memory_space<vmem>>) dst(%dma_wait3A_1607 : memref<32x1024xf32, #tpu.memory_space<hbm>>)
    %add3A_1612 = arith.constant 24576 : i32
    %add3A_1613 = arith.addi %add3A_1612, %mul3A_2 : i32
    %add3A_1614 = arith.constant 224 : i32
    %add3A_1615 = arith.addi %add3A_1613, %add3A_1614 : i32
    %dma_wait3A_1616 = arith.constant 1 : i32
    %dma_wait3A_1617 = arith.constant 1 : i32
    %dma_wait3A_1618 = arith.constant 3 : i32
    %dma_wait3A_1619 = arith.constant 0 : i32
    %dma_wait3A_1620 = arith.constant 0 : i32
    %dma_wait3A_1621 = tpu.memref_slice %arg4[%dma_wait3A_1616, %dma_wait3A_1619, %dma_wait3A_1620] : memref<2x32x1024xf32, #tpu.memory_space<vmem>> -> memref<1x32x1024xf32, #tpu.memory_space<vmem>>
    %dma_wait3A_1622 = tpu.memref_squeeze %dma_wait3A_1621 : memref<1x32x1024xf32, #tpu.memory_space<vmem>> -> memref<32x1024xf32, #tpu.memory_space<vmem>>
    %dma_wait3A_1623 = arith.constant 0 : i32
    %dma_wait3A_1624 = tpu.memref_slice %arg3[%add3A_1615, %dma_wait3A_1623] : memref<32768x1024xf32, #tpu.memory_space<hbm>> -> memref<32x1024xf32, #tpu.memory_space<hbm>>
    %dma_wait3A_1625 = tpu.memref_slice %arg6[%dma_wait3A_1617, %dma_wait3A_1618] : memref<2x4x!tpu.dma_semaphore, #tpu.memory_space<semaphore_mem>> -> memref<1x1x!tpu.dma_semaphore, #tpu.memory_space<semaphore_mem>>
    %dma_wait3A_1626 = tpu.memref_squeeze %dma_wait3A_1625 : memref<1x1x!tpu.dma_semaphore, #tpu.memory_space<semaphore_mem>> -> memref<!tpu.dma_semaphore, #tpu.memory_space<semaphore_mem>>
    %dma_wait3A_1627 = arith.constant 0 : i32
    %dma_wait3A_1628 = tpu.memref_slice %arg3[%add3A_1615, %dma_wait3A_1627] : memref<32768x1024xf32, #tpu.memory_space<hbm>> -> memref<32x1024xf32, #tpu.memory_space<hbm>>
    %dma_wait3A_1629 = arith.constant 0 : i32
    %dma_wait3A_1630 = arith.constant 0 : i32
    %dma_wait3A_1631 = tpu.memref_slice %arg4[%dma_wait3A_1616, %dma_wait3A_1629, %dma_wait3A_1630] : memref<2x32x1024xf32, #tpu.memory_space<vmem>> -> memref<1x32x1024xf32, #tpu.memory_space<vmem>>
    %dma_wait3A_1632 = tpu.memref_squeeze %dma_wait3A_1631 : memref<1x32x1024xf32, #tpu.memory_space<vmem>> -> memref<32x1024xf32, #tpu.memory_space<vmem>>
    tpu.wait_dma2 semaphore(%dma_wait3A_1626 : memref<!tpu.dma_semaphore, #tpu.memory_space<semaphore_mem>>) src(%dma_wait3A_1632 : memref<32x1024xf32, #tpu.memory_space<vmem>>) dst(%dma_wait3A_1628 : memref<32x1024xf32, #tpu.memory_space<hbm>>)
    return
  }
}

</mosaic_0001>

<sc_bundles>
// kernel: kernel.3.cloned.1.call-start
scs
__scs_entry_jumppad:
0x0: {  	(pc) =	sbr.rel $0x88, $3  }
0x1: {  	(tag) =	ssettag $0x0;
	lr =	simm.s32 $0x1  }
0x2: {  	[smem:$0x3FA0] =	sst lr;
	_ =	strace $0xD0000000  }
0x3: {  	_ = 	snop  }
0x4: {  	_ = 	snop  }
0x5: {  	_ = 	snop  }
0x6: {  	_ = 	snop  }
0x7: {  	_ = 	snop  }
__scs_overlays_trampoline_lowered:
0x8: {  	[smem:$0x3FAF] =	sst s0  }
0x9: {  	[smem:$0x3FB0] =	sst s1  }
0xa: {  	[smem:$0x3FB1] =	sst s2  }
0xb: {  	[smem:$0x3FB2] =	sst s3  }
0xc: {  	[smem:$0x3FB3] =	sst s4  }
0xd: {  	[smem:$0x3FB4] =	sst s5  }
0xe: {  	[smem:$0x3FB5] =	sst s6  }
0xf: {  	[smem:$0x3FB6] =	sst s7  }
0x10: {  	[smem:$0x3FB7] =	sst s8  }
0x11: {  	[smem:$0x3FB8] =	sst s9;
	s0 =	simm.s32 @!p0 $0x0  }
0x12: {  	s1 =	sld [smem:$0x3F9E];
	s0 =	simm.s32 @p0 $0x1  }
0x13: {  	[smem:$0x3FB9] =	sst s0;
	s0 =	simm.s32 @!p1 $0x0  }
0x14: {  	s2 =	sld [smem:$0x3F9D];
	s0 =	simm.s32 @p1 $0x1  }
0x15: {  	[smem:$0x3FBA] =	sst s0;
	s0 =	simm.s32 @!p2 $0x0  }
0x16: {  	s3 =	sld [smem:$0x3FDB];
	s0 =	simm.s32 @p2 $0x1  }
0x17: {  	s4 =	simm.s32 $0x1BF5;
	[smem:$0x3FBC] =	sst s0  }
0x18: {  	s0 =	sld [smem:$0x3F9F];
	_ =	swait.ge [sflag:s4], $0x0  }
0x19: {  	s7 =	sld [smem:$0x3FA0]  }
0x1a: {  	s8 =	sadd.s32 $0xFFFFE003, lr  }
0x1b: {  	s9 =	sadd.s32 $0xFFFFFEF7, lr;
	s5 =	simm.s32 $0xFFFFFFFF;
	p2 =	slt.u32 s8, $0xFFFFF086  }
0x1c: {  	p1 =	slt.u32 s9, $0xF7A;
	s5 =	simm.s32 @!p2 $0x0  }
0x1d: {  	s5 =	simm.s32 @p1 $0x1;
	p0 =	seq.s32 s7, s2  }
0x1e: {  	s7 =	smul.u32 @!p0 $0xF7A, s2;
	p2 =	seq.s32 @!p0 s5, $0x0  }
0x1f: {  	s9 =	smul.u32 $0xF7A, s1;
	s8 =	simm.s32 @!p0 $0x1BF5;
	p2 =	por !p2, p0  }
0x20: {  	[sflag:s8] =	ssyncset.s32 @!p0 $0xFFFFF086;
	s6 =	sadd.s32 @!p0 s3, s7;
	s7 =	simm.s32 @!p0 $0x108  }
0x21: {  	s3 =	sadd.s32 s3, s9;
	s6 =	sadd.s32 @!p0 $0x88, s6;
	s7 =	simm.s32 @p2 $0x1082  }
0x22: {  	[simem:s7], [sflag:s8] =	dma.local @!p0 [hbm:s6], $0xF7A  }
0x23: {  	s9 =	sor.u32 $0xD0000000, s2;
	s6 =	simm.s32 $0x108;
	_ =	swait.ge @!p0 [sflag:s8], $0x0  }
0x24: {  	s3 =	sadd.s32 $0x88, s3;
	s6 =	simm.s32 @!p1 $0x1082;
	[sflag:s4] =	ssyncset.s32 $0xFFFFF086  }
0x25: {  	[simem:s6], [sflag:s4] =	dma.local [hbm:s3], $0xF7A  }
0x26: {  	[smem:$0x3FA0] =	sst s1;
	(tag) =	ssettag s2;
	_ =	strace s9  }
0x27: {  	s1 =	sld [smem:$0x3FB0]  }
0x28: {  	s2 =	sld [smem:$0x3FB1]  }
0x29: {  	s4 =	sld [smem:$0x3FB3]  }
0x2a: {  	p0 =	seq.s32 s5, $0x0;
	s5 =	sld [smem:$0x3FB4]  }
0x2b: {  	s6 =	sld [smem:$0x3FB5]  }
0x2c: {  	s7 =	sld [smem:$0x3FB6]  }
0x2d: {  	s3 =	simm.s32 $0x108;
	s8 =	sld [smem:$0x3FB7]  }
0x2e: {  	s3 =	simm.s32 @!p0 $0x1082;
	s9 =	sld [smem:$0x3FB8]  }
0x2f: {  	lr =	sadd.s32 s0, s3;
	s0 =	sld [smem:$0x3FAF]  }
0x30: {  	s3 =	sld [smem:$0x3FB2]  }
0x31: {  	[smem:$0x3FBB] =	sst s10  }
0x32: {  	s10 =	sld [smem:$0x3FB9];
	_ =	sdelay $0x3  }
0x33: {  	p0 =	seq.s32 s10, $0x1;
	s10 =	sld [smem:$0x3FBB];
	_ =	sdelay $0x3  }
0x34: {  	[smem:$0x3FBB] =	sst s10  }
0x35: {  	s10 =	sld [smem:$0x3FBA];
	_ =	sdelay $0x3  }
0x36: {  	p1 =	seq.s32 s10, $0x1;
	s10 =	sld [smem:$0x3FBB];
	_ =	sdelay $0x3  }
0x37: {  	[smem:$0x3FBB] =	sst s10  }
0x38: {  	s10 =	sld [smem:$0x3FBC]  }
0x39: {  	_ = 	snop;
	(pc) =	sbr.ind lr, $3  }
0x3a: {  	_ = 	snop  }
0x3b: {  	_ = 	snop  }
0x3c: {  	p2 =	seq.s32 s10, $0x1;
	s10 =	sld [smem:$0x3FBB]  }
0x3d: {  	_ =	shalt  }
0x3e: {  	_ =	shalt  }
0x3f: {  	_ =	shalt  }
0x40: {  	_ =	shalt  }
0x41: {  	_ =	shalt  }
0x42: {  	_ =	shalt  }
0x43: {  	_ =	shalt  }
0x44: {  	_ =	shalt  }
0x45: {  	_ =	shalt  }
0x46: {  	_ =	shalt  }
0x47: {  	_ =	shalt  }
0x48: {  	_ =	shalt  }
0x49: {  	_ =	shalt  }
0x4a: {  	_ =	shalt  }
0x4b: {  	_ =	shalt  }
0x4c: {  	_ =	shalt  }
0x4d: {  	_ =	shalt  }
0x4e: {  	_ =	shalt  }
0x4f: {  	_ =	shalt  }
0x50: {  	_ =	shalt  }
0x51: {  	_ =	shalt  }
0x52: {  	_ =	shalt  }
0x53: {  	_ =	shalt  }
0x54: {  	_ =	shalt  }
0x55: {  	_ =	shalt  }
0x56: {  	_ =	shalt  }
0x57: {  	_ =	shalt  }
0x58: {  	_ =	shalt  }
0x59: {  	_ =	shalt  }
0x5a: {  	_ =	shalt  }
0x5b: {  	_ =	shalt  }
0x5c: {  	_ =	shalt  }
0x5d: {  	_ =	shalt  }
0x5e: {  	_ =	shalt  }
0x5f: {  	_ =	shalt  }
0x60: {  	_ =	shalt  }
0x61: {  	_ =	shalt  }
0x62: {  	_ =	shalt  }
0x63: {  	_ =	shalt  }
0x64: {  	_ =	shalt  }
0x65: {  	_ =	shalt  }
0x66: {  	_ =	shalt  }
0x67: {  	_ =	shalt  }
0x68: {  	_ =	shalt  }
0x69: {  	_ =	shalt  }
0x6a: {  	_ =	shalt  }
0x6b: {  	_ =	shalt  }
0x6c: {  	_ =	shalt  }
0x6d: {  	_ =	shalt  }
0x6e: {  	_ =	shalt  }
0x6f: {  	_ =	shalt  }
0x70: {  	_ =	shalt  }
0x71: {  	_ =	shalt  }
0x72: {  	_ =	shalt  }
0x73: {  	_ =	shalt  }
0x74: {  	_ =	shalt  }
0x75: {  	_ =	shalt  }
0x76: {  	_ =	shalt  }
0x77: {  	_ =	shalt  }
0x78: {  	_ =	shalt  }
0x79: {  	_ =	shalt  }
0x7a: {  	_ =	shalt  }
0x7b: {  	_ =	shalt  }
0x7c: {  	_ =	shalt  }
0x7d: {  	_ =	shalt  }
0x7e: {  	_ =	shalt  }
0x7f: {  	_ =	shalt  }
0x80: {  	_ =	shalt  }
0x81: {  	_ =	shalt  }
0x82: {  	_ =	shalt  }
0x83: {  	_ =	shalt  }
0x84: {  	_ =	shalt  }
0x85: {  	_ =	shalt  }
0x86: {  	_ =	shalt  }
0x87: {  	_ =	shalt  }
.Lfunc_end0:
.L_simem_size_0:
called_computation_lowered:
.L_overlay_start_0:
0x88: {  	s2 =	sld [smem:$0x3FD9]  }
0x89: {  	s3 =	sld [smem:$0x3FFE];
	_ =	sdelay $0x1  }
0x8a: {  	s1 =	srdreg.scid  }
0x8b: {  	s0 =	sand.u32 $0x1, s1  }
0x8c: {  	s18 =	sshll.u32 s0, $0xA;
	s2 =	sadd.s32 s3, s2  }
0x8d: {  	s2 =	sadd.s32 s2, s18  }
0x8e: {  	[smem:$0x3FC7] =	sst s2  }
0x8f: {  	_ = 	snop  }
0x90: {  	s2 =	sld [smem:$0x3FC9]  }
0x91: {  	s19 =	sld [smem:$0x3FD0];
	(tm) =	ssettm $0x1  }
0x92: {  	s4 =	sld [smem:$0x3FFB];
	_ =	sdelay $0x3  }
0x93: {  	_ =	strace s4  }
0x94: {  	s4 =	sld [smem:$0x3FFC];
	_ =	sdelay $0x3  }
0x95: {  	_ =	strace s4  }
0x96: {  	s4 =	sld [smem:$0x3FFD];
	_ =	sdelay $0x3  }
0x97: {  	_ =	strace s4  }
0x98: {  	_ =	strace $0x8FFFFFFF  }
0x99: {  	s20 =	sld [smem:$0x3FDB];
	_ =	sdelay $0x1  }
0x9a: {  	s5 =	simm.s32 $_scs_section_size  }
0x9b: {  	s6 =	simm.s32 $_size__tile_overlayer_lowered;
	s7 =	simm.s32 $_tile_overlayer_lowered  }
0x9c: {  	s23 =	simm.s32 $0x1BFF;
	s22 =	sshll.u32 s7, $0x1;
	s4 =	sadd.s32 s5, s20  }
0x9d: {  	s8 =	simm.s32 $0x0;
	s21 =	sshll.u32 s6, $0x1;
	s6 =	sadd.s32 s22, s4  }
0x9e: {  	[timem:s8], [sflag:s23] =	dma.local [hbm:s6], s21  }
0x9f: {  	_ =	swait.ge [sflag:s23], s21  }
0xa0: {  	s5 =	ssub.s32 $0x0, s21;
	[sflag:s23] =	ssyncset.done $0x0  }
0xa1: {  	[sflag:s23] =	ssyncadd.s32 s5;
	_ =	sdelay $0x1  }
0xa2: {  	s24 =	simm.s32 $0x1B8B  }
0xa3: {  	_ =	swait.ge [sflag:s24], $0x1  }
0xa4: {  	[sflag:s24] =	ssyncset.done $0x0  }
0xa5: {  	s25 =	simm.s32 $0x1B8E;
	[sflag:s24] =	ssyncadd.s32 $0xFFFFFFFF  }
0xa6: {  	s26 =	simm.s32 $execute0_lowered;
	[smem:$0x3FD2] =	sst s25  }
0xa7: {  	s5 =	sshll.u32 s26, $0x1;
	_ =	strace $0x80000046;
	[dreg:$0x1] =	wrdreg $0xFFFFFFFF  }
0xa8: {  	s28 =	simm.s32 $_size_execute0_lowered;
	s4 =	sadd.s32 s4, s5;
	[dreg:$0x0] =	wrdreg $0x0  }
0xa9: {  	s5 =	sshll.u32 s28, $0x1;
	[dreg:$0x2] =	wrdreg s4  }
0xaa: {  	[dreg:$0x3] =	wrdreg s5  }
0xab: {  	[dreg:$0x4] =	wrdreg $0xC0  }
0xac: {  	_ =	task [dreg:s8], $0x5FFFF  }
0xad: {  	[dreg:$0x1] =	wrdreg $0xFFFFFFFF  }
0xae: {  	[dreg:$0x0] =	wrdreg $0x60  }
0xaf: {  	[dreg:$0x2] =	wrdreg s2  }
0xb0: {  	[dreg:$0x3] =	wrdreg s19  }
0xb1: {  	[dreg:$0x4] =	wrdreg $0x9  }
0xb2: {  	_ =	task.clear_ibuf [dreg:s8], $0x5FFFF;
	_ =	strace $0x90000046  }
0xb3: {  	s29 =	simm.s32 $0x9;
	_ =	strace $0x80000048  }
0xb4: {  	_ =	swait.ge [sflag:s29], $0x1  }
0xb5: {  	[sflag:s29] =	ssyncadd.s32 $0xFFFFFFFF  }
0xb6: {  	_ =	strace $0x90000048  }
0xb7: {  	_ =	sfence  }
0xb8: {  	s30 =	sld [smem:$0x0];
	_ =	sdelay $0x2  }
0xb9: {  	s31 =	sshll.u32 s1, $0xD;
	s1 =	sshrl.u32 s1, $0x2  }
0xba: {  	s3 =	sand.u32 $0x4000, s31;
	s1 =	sadd.s32 s1, s30  }
0xbb: {  	s0 =	sor.u32 s3, s0;
	s1 =	sshll.u32 s1, $0x11  }
0xbc: {  	s0 =	sor.u32 s1, s0  }
0xbd: {  	s0 =	sadd.s32 $0x8F2B, s0  }
0xbe: {  	[sflag:s0] =	ssyncadd.remote.s32 $0x1  }
0xbf: {  	_ =	sfence.sel $0xFFFF  }
0xc0: {  	[dreg:$0x0] =	wrdreg $0xFFFFFFFF;
	(pc) =	sbr.abs _section_cstart, $3  }
0xc1: {  	[dreg:$0x1] =	wrdreg $0xFFFFFFFF  }
0xc2: {  	_ =	task.clear_ibuf [dreg:s8], $0x2FFFF;
	_ =	strace $0x9FFFFFFF  }
0xc3: {  	(tm) =	ssettm $0x7FFFFFFF  }
tec
execute0_lowered:
.L_overlay_start_1:
0x0: {  	(tag) =	ssettag $0x1  }
0x1: {  	s3 =	rddreg [dreg:$0x0]  }
0x2: {  	s0 =	rddreg [dreg:$0x1];
	s1 =	srdreg.scid  }
0x3: {  	s10 =	rddreg [dreg:$0x2];
	s4 =	stileid.u32;
	s1 =	sand.u32 $0x1, s1  }
0x4: {  	s2 =	simm.s32 $0x0;
	s4 =	sshll.u32 s4, $0x10;
	s5 =	sshll.u32 s1, $0xF  }
0x5: {  	[smem:$0x7FF] =	sst s2;
	s4 =	sor.u32 s5, s4  }
0x6: {  	_ =	strace $0x80000047;
	s5 =	sadd.s32 s3, s4;
	s6 =	sor.u32 $0x1000, s4  }
0x7: {  	s8 =	sadd.s32 s0, s4;
	[dreg:$0x3] =	wrdreg s5;
	s13 =	sadd.s32 s3, s6  }
0x8: {  	s14 =	sadd.s32 $0x100000, s8;
	[dreg:$0x4] =	wrdreg s13  }
0x9: {  	s15 =	sadd.s32 $0x200000, s8;
	[dreg:$0x5] =	wrdreg s14  }
0xa: {  	s7 =	sor.u32 $0x2000, s4;
	s16 =	sadd.s32 $0x300000, s8;
	[dreg:$0x6] =	wrdreg s15  }
0xb: {  	s17 =	sadd.s32 s3, s7;
	[dreg:$0x7] =	wrdreg s16  }
0xc: {  	s18 =	sadd.s32 s0, s6;
	[dreg:$0x8] =	wrdreg s17  }
0xd: {  	s19 =	sadd.s32 $0x101000, s8;
	[dreg:$0x9] =	wrdreg s18  }
0xe: {  	s20 =	sadd.s32 $0x201000, s8;
	[dreg:$0xa] =	wrdreg s19  }
0xf: {  	s22 =	sor.u32 $0x3000, s4;
	s21 =	sadd.s32 $0x301000, s8;
	[dreg:$0xb] =	wrdreg s20  }
0x10: {  	s23 =	sadd.s32 s3, s22;
	[dreg:$0xc] =	wrdreg s21  }
0x11: {  	s24 =	sadd.s32 s0, s7;
	[dreg:$0xd] =	wrdreg s23  }
0x12: {  	p0 =	por $0x0, $0x0;
	s25 =	sadd.s32 $0x102000, s8;
	[dreg:$0xe] =	wrdreg s24  }
0x13: {  	s1 =	ssub.s32 $0x2, s1;
	s26 =	sadd.s32 $0x202000, s8;
	[dreg:$0xf] =	wrdreg s25  }
0x14: {  	s9 =	sor.u32 $0x4000, s4;
	s7 =	sadd.s32 $0x302000, s8;
	[dreg:$0x10] =	wrdreg s26  }
0x15: {  	s11 =	sadd.s32 s3, s9;
	s12 =	sadd.s32 s0, s22;
	[dreg:$0x11] =	wrdreg s7  }
0x16: {  	s30 =	sadd.s32 $0x204000, s8;
	s31 =	sadd.s32 $0x304000, s8;
	[dreg:$0x12] =	wrdreg s11  }
0x17: {  	s28 =	sadd.s32 $0x305000, s8;
	s5 =	simm.s32 $0x8;
	[dreg:$0x13] =	wrdreg s12  }
0x18: {  	s13 =	sadd.s32 $0x103000, s8;
	s14 =	sadd.s32 $0x203000, s8;
	s15 =	sadd.s32 $0x303000, s8  }
0x19: {  	s16 =	sor.u32 $0x5000, s4;
	s18 =	sadd.s32 s0, s9;
	s19 =	sshrl.u32 s1, $0x1  }
0x1a: {  	s20 =	sadd.s32 $0x104000, s8;
	s21 =	sor.u32 $0x6000, s4;
	s25 =	sadd.s32 $0x105000, s8  }
0x1b: {  	s4 =	sor.u32 $0x7000, s4;
	s26 =	sadd.s32 $0x205000, s8;
	[dreg:$0x14] =	wrdreg s13  }
0x1c: {  	s12 =	sadd.s32 $0x107000, s8;
	s24 =	smov.u32 s8;
	[dreg:$0x15] =	wrdreg s14  }
0x1d: {  	s9 =	simm.s32 $0x4;
	s7 =	simm.s32 $0x7;
	[dreg:$0x16] =	wrdreg s15  }
0x1e: {  	s17 =	sadd.s32 s3, s16;
	[dreg:$0x18] =	wrdreg s18;
	s1 =	ssub.s32 s1, s19  }
0x1f: {  	[dreg:$0x19] =	wrdreg s20;
	s29 =	sadd.s32 s3, s21;
	s6 =	sadd.s32 s0, s16  }
0x20: {  	s23 =	sadd.s32 s3, s4;
	s18 =	sadd.s32 $0x106000, s8;
	s19 =	sadd.s32 $0x206000, s8  }
0x21: {  	s20 =	sadd.s32 $0x306000, s8;
	s11 =	sadd.s32 s0, s4;
	s22 =	smax.u32 s1, $0x1  }
0x22: {  	s13 =	sadd.s32 $0x207000, s8;
	s16 =	sadd.s32 $0x307000, s8;
	p1 =	sne.s32 s22, $0x1  }
.Ltmp0:
0x23: {  	s15 =	simm.s32 $0x8000;
	[dreg:$0x1b] =	wrdreg s24;
	(pc) =	sbr.rel @!p1 .LBB2_1-.Ltmp0, $4  }
0x24: {  	s14 =	simm.s32 $0x3;
	s8 =	simm.s32 $0x6;
	[dreg:$0x17] =	wrdreg s17  }
0x25: {  	s4 =	simm.s32 $0x9;
	s3 =	simm.s32 $0xA;
	[dreg:$0x1a] =	wrdreg s6  }
0x26: {  	s17 =	sadd.s32 s0, s21;
	s21 =	simm.s32 $0x1;
	s6 =	simm.s32 $0x5  }
0x27: {  	s1 =	rddreg [dreg:$0x3];
	s0 =	sadd.s32 $0xFFFFFFFF, s22;
	s22 =	simm.s32 $0x2  }
0x28: {  	[tilespmem:s2], [sflag:$0x1] =	stream.linear.gather [hbm4b:s1+s2], $0x8000, $0x38;
	[tilespmem:$0x10000] =	vst v63  }
0x29: {  	s10 =	smov.u32 s0;
	s0 =	rddreg [dreg:$0x4]  }
0x2a: {  	[tilespmem:s15], [sflag:$0x2] =	stream.linear.gather [hbm4b:s0+s2], $0x8000, $0x38;
	[tilespmem:$0x10000] =	vst v63  }
0x2b: {  	_ =	swait.ge [sflag:s21], $0x8000  }
0x2c: {  	[sflag:s21] =	ssyncset.done $0x0  }
0x2d: {  	[sflag:s21] =	ssyncadd.s32 $0xFFFF8000  }
0x2e: {  	[hbm4b:s24+s2] =	stream.linear.scatter [tilespmem:s2], [sflag:$0x3], $0x8000, $0x38;
	[tilespmem:$0x10000] =	vst v63  }
0x2f: {  	s0 =	rddreg [dreg:$0x5]  }
0x30: {  	[hbm4b:s0+s2] =	stream.linear.scatter [tilespmem:s2], [sflag:$0x4], $0x8000, $0x38;
	[tilespmem:$0x10000] =	vst v63  }
0x31: {  	s1 =	rddreg [dreg:$0x6]  }
0x32: {  	[hbm4b:s1+s2] =	stream.linear.scatter [tilespmem:s2], [sflag:$0x5], $0x8000, $0x38;
	[tilespmem:$0x10000] =	vst v63  }
0x33: {  	s0 =	rddreg [dreg:$0x7]  }
0x34: {  	[hbm4b:s0+s2] =	stream.linear.scatter [tilespmem:s2], [sflag:$0x6], $0x8000, $0x38;
	[tilespmem:$0x10000] =	vst v63  }
0x35: {  	_ =	swait.ge [sflag:s14], $0x8000  }
0x36: {  	[sflag:s14] =	ssyncset.done $0x0  }
0x37: {  	[sflag:s14] =	ssyncadd.s32 $0xFFFF8000  }
0x38: {  	_ =	swait.ge [sflag:s9], $0x8000  }
0x39: {  	[sflag:s9] =	ssyncset.done $0x0  }
0x3a: {  	[sflag:s9] =	ssyncadd.s32 $0xFFFF8000  }
0x3b: {  	_ =	swait.ge [sflag:s6], $0x8000  }
0x3c: {  	[sflag:s6] =	ssyncset.done $0x0  }
0x3d: {  	[sflag:s6] =	ssyncadd.s32 $0xFFFF8000  }
0x3e: {  	_ =	swait.ge [sflag:s8], $0x8000  }
0x3f: {  	[sflag:s8] =	ssyncset.done $0x0  }
0x40: {  	s1 =	rddreg [dreg:$0x8];
	[sflag:s8] =	ssyncadd.s32 $0xFFFF8000  }
0x41: {  	[tilespmem:s2], [sflag:$0x1] =	stream.linear.gather [hbm4b:s1+s2], $0x8000, $0x38;
	[tilespmem:$0x10000] =	vst v63  }
0x42: {  	_ =	swait.ge [sflag:s22], $0x8000  }
0x43: {  	[sflag:s22] =	ssyncset.done $0x0  }
0x44: {  	s0 =	rddreg [dreg:$0x9];
	[sflag:s22] =	ssyncadd.s32 $0xFFFF8000  }
0x45: {  	[hbm4b:s0+s2] =	stream.linear.scatter [tilespmem:s15], [sflag:$0x7], $0x8000, $0x38;
	[tilespmem:$0x10000] =	vst v63  }
0x46: {  	s1 =	rddreg [dreg:$0xa]  }
0x47: {  	[hbm4b:s1+s2] =	stream.linear.scatter [tilespmem:s15], [sflag:$0x8], $0x8000, $0x38;
	[tilespmem:$0x10000] =	vst v63  }
0x48: {  	s0 =	rddreg [dreg:$0xb]  }
0x49: {  	[hbm4b:s0+s2] =	stream.linear.scatter [tilespmem:s15], [sflag:$0x9], $0x8000, $0x38;
	[tilespmem:$0x10000] =	vst v63  }
0x4a: {  	s1 =	rddreg [dreg:$0xc]  }
0x4b: {  	[hbm4b:s1+s2] =	stream.linear.scatter [tilespmem:s15], [sflag:$0xA], $0x8000, $0x38;
	[tilespmem:$0x10000] =	vst v63  }
0x4c: {  	_ =	swait.ge [sflag:s7], $0x8000  }
0x4d: {  	[sflag:s7] =	ssyncset.done $0x0  }
0x4e: {  	[sflag:s7] =	ssyncadd.s32 $0xFFFF8000  }
0x4f: {  	_ =	swait.ge [sflag:s5], $0x8000  }
0x50: {  	[sflag:s5] =	ssyncset.done $0x0  }
0x51: {  	[sflag:s5] =	ssyncadd.s32 $0xFFFF8000  }
0x52: {  	_ =	swait.ge [sflag:s4], $0x8000  }
0x53: {  	[sflag:s4] =	ssyncset.done $0x0  }
0x54: {  	[sflag:s4] =	ssyncadd.s32 $0xFFFF8000  }
0x55: {  	_ =	swait.ge [sflag:s3], $0x8000  }
0x56: {  	[sflag:s3] =	ssyncset.done $0x0  }
0x57: {  	s1 =	rddreg [dreg:$0xd];
	[sflag:s3] =	ssyncadd.s32 $0xFFFF8000  }
0x58: {  	[tilespmem:s15], [sflag:$0x2] =	stream.linear.gather [hbm4b:s1+s2], $0x8000, $0x38;
	[tilespmem:$0x10000] =	vst v63  }
0x59: {  	_ =	swait.ge [sflag:s21], $0x8000  }
0x5a: {  	[sflag:s21] =	ssyncset.done $0x0  }
0x5b: {  	s0 =	rddreg [dreg:$0xe];
	[sflag:s21] =	ssyncadd.s32 $0xFFFF8000  }
0x5c: {  	[hbm4b:s0+s2] =	stream.linear.scatter [tilespmem:s2], [sflag:$0x3], $0x8000, $0x38;
	[tilespmem:$0x10000] =	vst v63  }
0x5d: {  	s1 =	rddreg [dreg:$0xf]  }
0x5e: {  	[hbm4b:s1+s2] =	stream.linear.scatter [tilespmem:s2], [sflag:$0x4], $0x8000, $0x38;
	[tilespmem:$0x10000] =	vst v63  }
0x5f: {  	s0 =	rddreg [dreg:$0x10]  }
0x60: {  	[hbm4b:s0+s2] =	stream.linear.scatter [tilespmem:s2], [sflag:$0x5], $0x8000, $0x38;
	[tilespmem:$0x10000] =	vst v63  }
0x61: {  	s1 =	rddreg [dreg:$0x11]  }
0x62: {  	[hbm4b:s1+s2] =	stream.linear.scatter [tilespmem:s2], [sflag:$0x6], $0x8000, $0x38;
	[tilespmem:$0x10000] =	vst v63  }
0x63: {  	_ =	swait.ge [sflag:s14], $0x8000  }
0x64: {  	[sflag:s14] =	ssyncset.done $0x0  }
0x65: {  	[sflag:s14] =	ssyncadd.s32 $0xFFFF8000  }
0x66: {  	_ =	swait.ge [sflag:s9], $0x8000  }
0x67: {  	[sflag:s9] =	ssyncset.done $0x0  }
0x68: {  	[sflag:s9] =	ssyncadd.s32 $0xFFFF8000  }
0x69: {  	_ =	swait.ge [sflag:s6], $0x8000  }
0x6a: {  	[sflag:s6] =	ssyncset.done $0x0  }
0x6b: {  	[sflag:s6] =	ssyncadd.s32 $0xFFFF8000  }
0x6c: {  	_ =	swait.ge [sflag:s8], $0x8000  }
0x6d: {  	[sflag:s8] =	ssyncset.done $0x0  }
0x6e: {  	s1 =	rddreg [dreg:$0x12];
	[sflag:s8] =	ssyncadd.s32 $0xFFFF8000  }
0x6f: {  	[tilespmem:s2], [sflag:$0x1] =	stream.linear.gather [hbm4b:s1+s2], $0x8000, $0x38;
	[tilespmem:$0x10000] =	vst v63  }
0x70: {  	_ =	swait.ge [sflag:s22], $0x8000  }
0x71: {  	[sflag:s22] =	ssyncset.done $0x0  }
0x72: {  	s0 =	rddreg [dreg:$0x13];
	[sflag:s22] =	ssyncadd.s32 $0xFFFF8000  }
0x73: {  	[hbm4b:s0+s2] =	stream.linear.scatter [tilespmem:s15], [sflag:$0x7], $0x8000, $0x38;
	[tilespmem:$0x10000] =	vst v63  }
0x74: {  	s1 =	rddreg [dreg:$0x14]  }
0x75: {  	[hbm4b:s1+s2] =	stream.linear.scatter [tilespmem:s15], [sflag:$0x8], $0x8000, $0x38;
	[tilespmem:$0x10000] =	vst v63  }
0x76: {  	s0 =	rddreg [dreg:$0x15]  }
0x77: {  	[hbm4b:s0+s2] =	stream.linear.scatter [tilespmem:s15], [sflag:$0x9], $0x8000, $0x38;
	[tilespmem:$0x10000] =	vst v63  }
0x78: {  	s1 =	rddreg [dreg:$0x16]  }
0x79: {  	[hbm4b:s1+s2] =	stream.linear.scatter [tilespmem:s15], [sflag:$0xA], $0x8000, $0x38;
	[tilespmem:$0x10000] =	vst v63  }
0x7a: {  	_ =	swait.ge [sflag:s7], $0x8000  }
0x7b: {  	[sflag:s7] =	ssyncset.done $0x0  }
0x7c: {  	[sflag:s7] =	ssyncadd.s32 $0xFFFF8000  }
0x7d: {  	_ =	swait.ge [sflag:s5], $0x8000  }
0x7e: {  	[sflag:s5] =	ssyncset.done $0x0  }
0x7f: {  	[sflag:s5] =	ssyncadd.s32 $0xFFFF8000  }
0x80: {  	_ =	swait.ge [sflag:s4], $0x8000  }
0x81: {  	[sflag:s4] =	ssyncset.done $0x0  }
0x82: {  	[sflag:s4] =	ssyncadd.s32 $0xFFFF8000  }
0x83: {  	_ =	swait.ge [sflag:s3], $0x8000  }
0x84: {  	[sflag:s3] =	ssyncset.done $0x0  }
0x85: {  	s1 =	rddreg [dreg:$0x17];
	[sflag:s3] =	ssyncadd.s32 $0xFFFF8000  }
0x86: {  	[tilespmem:s15], [sflag:$0x2] =	stream.linear.gather [hbm4b:s1+s2], $0x8000, $0x38;
	[tilespmem:$0x10000] =	vst v63  }
0x87: {  	_ =	swait.ge [sflag:s21], $0x8000  }
0x88: {  	[sflag:s21] =	ssyncset.done $0x0  }
0x89: {  	s0 =	rddreg [dreg:$0x18];
	[sflag:s21] =	ssyncadd.s32 $0xFFFF8000  }
0x8a: {  	[hbm4b:s0+s2] =	stream.linear.scatter [tilespmem:s2], [sflag:$0x3], $0x8000, $0x38;
	[tilespmem:$0x10000] =	vst v63  }
0x8b: {  	s1 =	rddreg [dreg:$0x19]  }
0x8c: {  	[hbm4b:s1+s2] =	stream.linear.scatter [tilespmem:s2], [sflag:$0x4], $0x8000, $0x38;
	[tilespmem:$0x10000] =	vst v63  }
0x8d: {  	_ = 	snop  }
0x8e: {  	[hbm4b:s30+s2] =	stream.linear.scatter [tilespmem:s2], [sflag:$0x5], $0x8000, $0x38;
	[tilespmem:$0x10000] =	vst v63  }
0x8f: {  	_ = 	snop  }
0x90: {  	[hbm4b:s31+s2] =	stream.linear.scatter [tilespmem:s2], [sflag:$0x6], $0x8000, $0x38;
	[tilespmem:$0x10000] =	vst v63  }
0x91: {  	_ =	swait.ge [sflag:s14], $0x8000  }
0x92: {  	[sflag:s14] =	ssyncset.done $0x0  }
0x93: {  	[sflag:s14] =	ssyncadd.s32 $0xFFFF8000  }
0x94: {  	_ =	swait.ge [sflag:s9], $0x8000  }
0x95: {  	[sflag:s9] =	ssyncset.done $0x0  }
0x96: {  	[sflag:s9] =	ssyncadd.s32 $0xFFFF8000  }
0x97: {  	_ =	swait.ge [sflag:s6], $0x8000  }
0x98: {  	[sflag:s6] =	ssyncset.done $0x0  }
0x99: {  	[sflag:s6] =	ssyncadd.s32 $0xFFFF8000  }
0x9a: {  	_ =	swait.ge [sflag:s8], $0x8000  }
0x9b: {  	[sflag:s8] =	ssyncset.done $0x0  }
0x9c: {  	[sflag:s8] =	ssyncadd.s32 $0xFFFF8000  }
0x9d: {  	[tilespmem:s2], [sflag:$0x1] =	stream.linear.gather [hbm4b:s29+s2], $0x8000, $0x38;
	[tilespmem:$0x10000] =	vst v63  }
0x9e: {  	_ =	swait.ge [sflag:s22], $0x8000  }
0x9f: {  	[sflag:s22] =	ssyncset.done $0x0  }
0xa0: {  	s1 =	rddreg [dreg:$0x1a];
	[sflag:s22] =	ssyncadd.s32 $0xFFFF8000  }
0xa1: {  	[hbm4b:s1+s2] =	stream.linear.scatter [tilespmem:s15], [sflag:$0x7], $0x8000, $0x38;
	[tilespmem:$0x10000] =	vst v63  }
0xa2: {  	_ = 	snop  }
0xa3: {  	[hbm4b:s25+s2] =	stream.linear.scatter [tilespmem:s15], [sflag:$0x8], $0x8000, $0x38;
	[tilespmem:$0x10000] =	vst v63  }
0xa4: {  	_ = 	snop  }
0xa5: {  	[hbm4b:s26+s2] =	stream.linear.scatter [tilespmem:s15], [sflag:$0x9], $0x8000, $0x38;
	[tilespmem:$0x10000] =	vst v63  }
0xa6: {  	_ = 	snop  }
0xa7: {  	[hbm4b:s28+s2] =	stream.linear.scatter [tilespmem:s15], [sflag:$0xA], $0x8000, $0x38;
	[tilespmem:$0x10000] =	vst v63  }
0xa8: {  	_ =	swait.ge [sflag:s7], $0x8000  }
0xa9: {  	[sflag:s7] =	ssyncset.done $0x0  }
0xaa: {  	[sflag:s7] =	ssyncadd.s32 $0xFFFF8000  }
0xab: {  	_ =	swait.ge [sflag:s5], $0x8000  }
0xac: {  	[sflag:s5] =	ssyncset.done $0x0  }
0xad: {  	[sflag:s5] =	ssyncadd.s32 $0xFFFF8000  }
0xae: {  	_ =	swait.ge [sflag:s4], $0x8000  }
0xaf: {  	[sflag:s4] =	ssyncset.done $0x0  }
0xb0: {  	[sflag:s4] =	ssyncadd.s32 $0xFFFF8000  }
0xb1: {  	_ =	swait.ge [sflag:s3], $0x8000  }
0xb2: {  	[sflag:s3] =	ssyncset.done $0x0  }
0xb3: {  	[sflag:s3] =	ssyncadd.s32 $0xFFFF8000  }
0xb4: {  	[tilespmem:s15], [sflag:$0x2] =	stream.linear.gather [hbm4b:s23+s2], $0x8000, $0x38;
	[tilespmem:$0x10000] =	vst v63  }
0xb5: {  	_ =	swait.ge [sflag:s21], $0x8000  }
0xb6: {  	[sflag:s21] =	ssyncset.done $0x0  }
0xb7: {  	[sflag:s21] =	ssyncadd.s32 $0xFFFF8000  }
0xb8: {  	[hbm4b:s17+s2] =	stream.linear.scatter [tilespmem:s2], [sflag:$0x3], $0x8000, $0x38;
	[tilespmem:$0x10000] =	vst v63  }
0xb9: {  	_ = 	snop  }
0xba: {  	[hbm4b:s18+s2] =	stream.linear.scatter [tilespmem:s2], [sflag:$0x4], $0x8000, $0x38;
	[tilespmem:$0x10000] =	vst v63  }
0xbb: {  	_ = 	snop  }
0xbc: {  	[hbm4b:s19+s2] =	stream.linear.scatter [tilespmem:s2], [sflag:$0x5], $0x8000, $0x38;
	[tilespmem:$0x10000] =	vst v63  }
0xbd: {  	_ = 	snop  }
0xbe: {  	[hbm4b:s20+s2] =	stream.linear.scatter [tilespmem:s2], [sflag:$0x6], $0x8000, $0x38;
	[tilespmem:$0x10000] =	vst v63  }
0xbf: {  	_ =	swait.ge [sflag:s22], $0x8000  }
0xc0: {  	[sflag:s22] =	ssyncset.done $0x0  }
0xc1: {  	[sflag:s22] =	ssyncadd.s32 $0xFFFF8000  }
0xc2: {  	[hbm4b:s11+s2] =	stream.linear.scatter [tilespmem:s15], [sflag:$0x7], $0x8000, $0x38;
	[tilespmem:$0x10000] =	vst v63  }
0xc3: {  	_ = 	snop  }
0xc4: {  	[hbm4b:s12+s2] =	stream.linear.scatter [tilespmem:s15], [sflag:$0x8], $0x8000, $0x38;
	[tilespmem:$0x10000] =	vst v63  }
0xc5: {  	_ = 	snop  }
0xc6: {  	[hbm4b:s13+s2] =	stream.linear.scatter [tilespmem:s15], [sflag:$0x9], $0x8000, $0x38;
	[tilespmem:$0x10000] =	vst v63  }
0xc7: {  	_ = 	snop  }
0xc8: {  	[hbm4b:s16+s2] =	stream.linear.scatter [tilespmem:s15], [sflag:$0xA], $0x8000, $0x38;
	[tilespmem:$0x10000] =	vst v63  }
0xc9: {  	_ =	swait.ge [sflag:s14], $0x8000  }
0xca: {  	[sflag:s14] =	ssyncset.done $0x0  }
0xcb: {  	[sflag:s14] =	ssyncadd.s32 $0xFFFF8000  }
0xcc: {  	_ =	swait.ge [sflag:s9], $0x8000  }
0xcd: {  	[sflag:s9] =	ssyncset.done $0x0  }
0xce: {  	[sflag:s9] =	ssyncadd.s32 $0xFFFF8000  }
0xcf: {  	_ =	swait.ge [sflag:s6], $0x8000  }
0xd0: {  	[sflag:s6] =	ssyncset.done $0x0  }
0xd1: {  	[sflag:s6] =	ssyncadd.s32 $0xFFFF8000  }
0xd2: {  	_ =	swait.ge [sflag:s8], $0x8000  }
0xd3: {  	[sflag:s8] =	ssyncset.done $0x0  }
0xd4: {  	[sflag:s8] =	ssyncadd.s32 $0xFFFF8000  }
0xd5: {  	_ =	swait.ge [sflag:s7], $0x8000  }
0xd6: {  	[sflag:s7] =	ssyncset.done $0x0  }
0xd7: {  	[sflag:s7] =	ssyncadd.s32 $0xFFFF8000  }
0xd8: {  	_ =	swait.ge [sflag:s5], $0x8000  }
0xd9: {  	[sflag:s5] =	ssyncset.done $0x0  }
0xda: {  	p1 =	sne.s32 s10, $0x1;
	[sflag:s5] =	ssyncadd.s32 $0xFFFF8000  }
.Ltmp1:
0xdb: {  	_ =	swait.ge [sflag:s4], $0x8000;
	(pc) =	sbr.rel @!p1 .LBB2_3-.Ltmp1, $4  }
0xdc: {  	[sflag:s4] =	ssyncset.done $0x0  }
0xdd: {  	[sflag:s4] =	ssyncadd.s32 $0xFFFF8000  }
0xde: {  	p0 =	por $0x1, $0x1;
	_ =	swait.ge [sflag:s3], $0x8000  }
0xdf: {  	s0 =	sadd.s32 $0xFFFFFFFF, s10;
	s1 =	rddreg [dreg:$0x3];
	[sflag:s3] =	ssyncset.done $0x0  }
.LBB2_4:
0xe0: {  	[sflag:s3] =	ssyncadd.s32 $0xFFFF8000  }
0xe1: {  	[tilespmem:s2], [sflag:$0x1] =	stream.linear.gather [hbm4b:s1+s2], $0x8000, $0x38;
	[tilespmem:$0x10000] =	vst v63  }
0xe2: {  	s10 =	rddreg [dreg:$0x4]  }
0xe3: {  	[tilespmem:s15], [sflag:$0x2] =	stream.linear.gather [hbm4b:s10+s2], $0x8000, $0x38;
	[tilespmem:$0x10000] =	vst v63  }
0xe4: {  	_ =	swait.ge [sflag:s21], $0x8000  }
0xe5: {  	[sflag:s21] =	ssyncset.done $0x0  }
0xe6: {  	[sflag:s21] =	ssyncadd.s32 $0xFFFF8000  }
0xe7: {  	[hbm4b:s24+s2] =	stream.linear.scatter [tilespmem:s2], [sflag:$0x3], $0x8000, $0x38;
	[tilespmem:$0x10000] =	vst v63  }
0xe8: {  	s1 =	rddreg [dreg:$0x5]  }
0xe9: {  	[hbm4b:s1+s2] =	stream.linear.scatter [tilespmem:s2], [sflag:$0x4], $0x8000, $0x38;
	[tilespmem:$0x10000] =	vst v63  }
0xea: {  	s10 =	rddreg [dreg:$0x6]  }
0xeb: {  	[hbm4b:s10+s2] =	stream.linear.scatter [tilespmem:s2], [sflag:$0x5], $0x8000, $0x38;
	[tilespmem:$0x10000] =	vst v63  }
0xec: {  	s1 =	rddreg [dreg:$0x7]  }
0xed: {  	[hbm4b:s1+s2] =	stream.linear.scatter [tilespmem:s2], [sflag:$0x6], $0x8000, $0x38;
	[tilespmem:$0x10000] =	vst v63  }
0xee: {  	_ =	swait.ge [sflag:s14], $0x8000  }
0xef: {  	[sflag:s14] =	ssyncset.done $0x0  }
0xf0: {  	[sflag:s14] =	ssyncadd.s32 $0xFFFF8000  }
0xf1: {  	_ =	swait.ge [sflag:s9], $0x8000  }
0xf2: {  	[sflag:s9] =	ssyncset.done $0x0  }
0xf3: {  	[sflag:s9] =	ssyncadd.s32 $0xFFFF8000  }
0xf4: {  	_ =	swait.ge [sflag:s6], $0x8000  }
0xf5: {  	[sflag:s6] =	ssyncset.done $0x0  }
0xf6: {  	[sflag:s6] =	ssyncadd.s32 $0xFFFF8000  }
0xf7: {  	_ =	swait.ge [sflag:s8], $0x8000  }
0xf8: {  	[sflag:s8] =	ssyncset.done $0x0  }
0xf9: {  	s10 =	rddreg [dreg:$0x8];
	[sflag:s8] =	ssyncadd.s32 $0xFFFF8000  }
0xfa: {  	[tilespmem:s2], [sflag:$0x1] =	stream.linear.gather [hbm4b:s10+s2], $0x8000, $0x38;
	[tilespmem:$0x10000] =	vst v63  }
0xfb: {  	_ =	swait.ge [sflag:s22], $0x8000  }
0xfc: {  	[sflag:s22] =	ssyncset.done $0x0  }
0xfd: {  	s1 =	rddreg [dreg:$0x9];
	[sflag:s22] =	ssyncadd.s32 $0xFFFF8000  }
0xfe: {  	[hbm4b:s1+s2] =	stream.linear.scatter [tilespmem:s15], [sflag:$0x7], $0x8000, $0x38;
	[tilespmem:$0x10000] =	vst v63  }
0xff: {  	s10 =	rddreg [dreg:$0xa]  }
0x100: {  	[hbm4b:s10+s2] =	stream.linear.scatter [tilespmem:s15], [sflag:$0x8], $0x8000, $0x38;
	[tilespmem:$0x10000] =	vst v63  }
0x101: {  	s1 =	rddreg [dreg:$0xb]  }
0x102: {  	[hbm4b:s1+s2] =	stream.linear.scatter [tilespmem:s15], [sflag:$0x9], $0x8000, $0x38;
	[tilespmem:$0x10000] =	vst v63  }
0x103: {  	s10 =	rddreg [dreg:$0xc]  }
0x104: {  	[hbm4b:s10+s2] =	stream.linear.scatter [tilespmem:s15], [sflag:$0xA], $0x8000, $0x38;
	[tilespmem:$0x10000] =	vst v63  }
0x105: {  	_ =	swait.ge [sflag:s7], $0x8000  }
0x106: {  	[sflag:s7] =	ssyncset.done $0x0  }
0x107: {  	[sflag:s7] =	ssyncadd.s32 $0xFFFF8000  }
0x108: {  	_ =	swait.ge [sflag:s5], $0x8000  }
0x109: {  	[sflag:s5] =	ssyncset.done $0x0  }
0x10a: {  	[sflag:s5] =	ssyncadd.s32 $0xFFFF8000  }
0x10b: {  	_ =	swait.ge [sflag:s4], $0x8000  }
0x10c: {  	[sflag:s4] =	ssyncset.done $0x0  }
0x10d: {  	[sflag:s4] =	ssyncadd.s32 $0xFFFF8000  }
0x10e: {  	_ =	swait.ge [sflag:s3], $0x8000  }
0x10f: {  	[sflag:s3] =	ssyncset.done $0x0  }
0x110: {  	s10 =	rddreg [dreg:$0xd];
	[sflag:s3] =	ssyncadd.s32 $0xFFFF8000  }
0x111: {  	[tilespmem:s15], [sflag:$0x2] =	stream.linear.gather [hbm4b:s10+s2], $0x8000, $0x38;
	[tilespmem:$0x10000] =	vst v63  }
0x112: {  	_ =	swait.ge [sflag:s21], $0x8000  }
0x113: {  	[sflag:s21] =	ssyncset.done $0x0  }
0x114: {  	s1 =	rddreg [dreg:$0xe];
	[sflag:s21] =	ssyncadd.s32 $0xFFFF8000  }
0x115: {  	[hbm4b:s1+s2] =	stream.linear.scatter [tilespmem:s2], [sflag:$0x3], $0x8000, $0x38;
	[tilespmem:$0x10000] =	vst v63  }
0x116: {  	s10 =	rddreg [dreg:$0xf]  }
0x117: {  	[hbm4b:s10+s2] =	stream.linear.scatter [tilespmem:s2], [sflag:$0x4], $0x8000, $0x38;
	[tilespmem:$0x10000] =	vst v63  }
0x118: {  	s1 =	rddreg [dreg:$0x10]  }
0x119: {  	[hbm4b:s1+s2] =	stream.linear.scatter [tilespmem:s2], [sflag:$0x5], $0x8000, $0x38;
	[tilespmem:$0x10000] =	vst v63  }
0x11a: {  	s10 =	rddreg [dreg:$0x11]  }
0x11b: {  	[hbm4b:s10+s2] =	stream.linear.scatter [tilespmem:s2], [sflag:$0x6], $0x8000, $0x38;
	[tilespmem:$0x10000] =	vst v63  }
0x11c: {  	_ =	swait.ge [sflag:s14], $0x8000  }
0x11d: {  	[sflag:s14] =	ssyncset.done $0x0  }
0x11e: {  	[sflag:s14] =	ssyncadd.s32 $0xFFFF8000  }
0x11f: {  	_ =	swait.ge [sflag:s9], $0x8000  }
0x120: {  	[sflag:s9] =	ssyncset.done $0x0  }
0x121: {  	[sflag:s9] =	ssyncadd.s32 $0xFFFF8000  }
0x122: {  	_ =	swait.ge [sflag:s6], $0x8000  }
0x123: {  	[sflag:s6] =	ssyncset.done $0x0  }
0x124: {  	[sflag:s6] =	ssyncadd.s32 $0xFFFF8000  }
0x125: {  	_ =	swait.ge [sflag:s8], $0x8000  }
0x126: {  	[sflag:s8] =	ssyncset.done $0x0  }
0x127: {  	s10 =	rddreg [dreg:$0x12];
	[sflag:s8] =	ssyncadd.s32 $0xFFFF8000  }
0x128: {  	[tilespmem:s2], [sflag:$0x1] =	stream.linear.gather [hbm4b:s10+s2], $0x8000, $0x38;
	[tilespmem:$0x10000] =	vst v63  }
0x129: {  	_ =	swait.ge [sflag:s22], $0x8000  }
0x12a: {  	[sflag:s22] =	ssyncset.done $0x0  }
0x12b: {  	s1 =	rddreg [dreg:$0x13];
	[sflag:s22] =	ssyncadd.s32 $0xFFFF8000  }
0x12c: {  	[hbm4b:s1+s2] =	stream.linear.scatter [tilespmem:s15], [sflag:$0x7], $0x8000, $0x38;
	[tilespmem:$0x10000] =	vst v63  }
0x12d: {  	s10 =	rddreg [dreg:$0x14]  }
0x12e: {  	[hbm4b:s10+s2] =	stream.linear.scatter [tilespmem:s15], [sflag:$0x8], $0x8000, $0x38;
	[tilespmem:$0x10000] =	vst v63  }
0x12f: {  	s1 =	rddreg [dreg:$0x15]  }
0x130: {  	[hbm4b:s1+s2] =	stream.linear.scatter [tilespmem:s15], [sflag:$0x9], $0x8000, $0x38;
	[tilespmem:$0x10000] =	vst v63  }
0x131: {  	s10 =	rddreg [dreg:$0x16]  }
0x132: {  	[hbm4b:s10+s2] =	stream.linear.scatter [tilespmem:s15], [sflag:$0xA], $0x8000, $0x38;
	[tilespmem:$0x10000] =	vst v63  }
0x133: {  	_ =	swait.ge [sflag:s7], $0x8000  }
0x134: {  	[sflag:s7] =	ssyncset.done $0x0  }
0x135: {  	[sflag:s7] =	ssyncadd.s32 $0xFFFF8000  }
0x136: {  	_ =	swait.ge [sflag:s5], $0x8000  }
0x137: {  	[sflag:s5] =	ssyncset.done $0x0  }
0x138: {  	[sflag:s5] =	ssyncadd.s32 $0xFFFF8000  }
0x139: {  	_ =	swait.ge [sflag:s4], $0x8000  }
0x13a: {  	[sflag:s4] =	ssyncset.done $0x0  }
0x13b: {  	[sflag:s4] =	ssyncadd.s32 $0xFFFF8000  }
0x13c: {  	_ =	swait.ge [sflag:s3], $0x8000  }
0x13d: {  	[sflag:s3] =	ssyncset.done $0x0  }
0x13e: {  	s10 =	rddreg [dreg:$0x17];
	[sflag:s3] =	ssyncadd.s32 $0xFFFF8000  }
0x13f: {  	[tilespmem:s15], [sflag:$0x2] =	stream.linear.gather [hbm4b:s10+s2], $0x8000, $0x38;
	[tilespmem:$0x10000] =	vst v63  }
0x140: {  	_ =	swait.ge [sflag:s21], $0x8000  }
0x141: {  	[sflag:s21] =	ssyncset.done $0x0  }
0x142: {  	s1 =	rddreg [dreg:$0x18];
	[sflag:s21] =	ssyncadd.s32 $0xFFFF8000  }
0x143: {  	[hbm4b:s1+s2] =	stream.linear.scatter [tilespmem:s2], [sflag:$0x3], $0x8000, $0x38;
	[tilespmem:$0x10000] =	vst v63  }
0x144: {  	s10 =	rddreg [dreg:$0x19]  }
0x145: {  	[hbm4b:s10+s2] =	stream.linear.scatter [tilespmem:s2], [sflag:$0x4], $0x8000, $0x38;
	[tilespmem:$0x10000] =	vst v63  }
0x146: {  	_ = 	snop  }
0x147: {  	[hbm4b:s30+s2] =	stream.linear.scatter [tilespmem:s2], [sflag:$0x5], $0x8000, $0x38;
	[tilespmem:$0x10000] =	vst v63  }
0x148: {  	_ = 	snop  }
0x149: {  	[hbm4b:s31+s2] =	stream.linear.scatter [tilespmem:s2], [sflag:$0x6], $0x8000, $0x38;
	[tilespmem:$0x10000] =	vst v63  }
0x14a: {  	_ =	swait.ge [sflag:s14], $0x8000  }
0x14b: {  	[sflag:s14] =	ssyncset.done $0x0  }
0x14c: {  	[sflag:s14] =	ssyncadd.s32 $0xFFFF8000  }
0x14d: {  	_ =	swait.ge [sflag:s9], $0x8000  }
0x14e: {  	[sflag:s9] =	ssyncset.done $0x0  }
0x14f: {  	[sflag:s9] =	ssyncadd.s32 $0xFFFF8000  }
0x150: {  	_ =	swait.ge [sflag:s6], $0x8000  }
0x151: {  	[sflag:s6] =	ssyncset.done $0x0  }
0x152: {  	[sflag:s6] =	ssyncadd.s32 $0xFFFF8000  }
0x153: {  	_ =	swait.ge [sflag:s8], $0x8000  }
0x154: {  	[sflag:s8] =	ssyncset.done $0x0  }
0x155: {  	[sflag:s8] =	ssyncadd.s32 $0xFFFF8000  }
0x156: {  	[tilespmem:s2], [sflag:$0x1] =	stream.linear.gather [hbm4b:s29+s2], $0x8000, $0x38;
	[tilespmem:$0x10000] =	vst v63  }
0x157: {  	_ =	swait.ge [sflag:s22], $0x8000  }
0x158: {  	[sflag:s22] =	ssyncset.done $0x0  }
0x159: {  	s10 =	rddreg [dreg:$0x1a];
	[sflag:s22] =	ssyncadd.s32 $0xFFFF8000  }
0x15a: {  	[hbm4b:s10+s2] =	stream.linear.scatter [tilespmem:s15], [sflag:$0x7], $0x8000, $0x38;
	[tilespmem:$0x10000] =	vst v63  }
0x15b: {  	_ = 	snop  }
0x15c: {  	[hbm4b:s25+s2] =	stream.linear.scatter [tilespmem:s15], [sflag:$0x8], $0x8000, $0x38;
	[tilespmem:$0x10000] =	vst v63  }
0x15d: {  	_ = 	snop  }
0x15e: {  	[hbm4b:s26+s2] =	stream.linear.scatter [tilespmem:s15], [sflag:$0x9], $0x8000, $0x38;
	[tilespmem:$0x10000] =	vst v63  }
0x15f: {  	_ = 	snop  }
0x160: {  	[hbm4b:s28+s2] =	stream.linear.scatter [tilespmem:s15], [sflag:$0xA], $0x8000, $0x38;
	[tilespmem:$0x10000] =	vst v63  }
0x161: {  	_ =	swait.ge [sflag:s7], $0x8000  }
0x162: {  	[sflag:s7] =	ssyncset.done $0x0  }
0x163: {  	[sflag:s7] =	ssyncadd.s32 $0xFFFF8000  }
0x164: {  	_ =	swait.ge [sflag:s5], $0x8000  }
0x165: {  	[sflag:s5] =	ssyncset.done $0x0  }
0x166: {  	[sflag:s5] =	ssyncadd.s32 $0xFFFF8000  }
0x167: {  	_ =	swait.ge [sflag:s4], $0x8000  }
0x168: {  	[sflag:s4] =	ssyncset.done $0x0  }
0x169: {  	[sflag:s4] =	ssyncadd.s32 $0xFFFF8000  }
0x16a: {  	_ =	swait.ge [sflag:s3], $0x8000  }
0x16b: {  	[sflag:s3] =	ssyncset.done $0x0  }
0x16c: {  	[sflag:s3] =	ssyncadd.s32 $0xFFFF8000  }
0x16d: {  	[tilespmem:s15], [sflag:$0x2] =	stream.linear.gather [hbm4b:s23+s2], $0x8000, $0x38;
	[tilespmem:$0x10000] =	vst v63  }
0x16e: {  	_ =	swait.ge [sflag:s21], $0x8000  }
0x16f: {  	[sflag:s21] =	ssyncset.done $0x0  }
0x170: {  	[sflag:s21] =	ssyncadd.s32 $0xFFFF8000  }
0x171: {  	[hbm4b:s17+s2] =	stream.linear.scatter [tilespmem:s2], [sflag:$0x3], $0x8000, $0x38;
	[tilespmem:$0x10000] =	vst v63  }
0x172: {  	_ = 	snop  }
0x173: {  	[hbm4b:s18+s2] =	stream.linear.scatter [tilespmem:s2], [sflag:$0x4], $0x8000, $0x38;
	[tilespmem:$0x10000] =	vst v63  }
0x174: {  	_ = 	snop  }
0x175: {  	[hbm4b:s19+s2] =	stream.linear.scatter [tilespmem:s2], [sflag:$0x5], $0x8000, $0x38;
	[tilespmem:$0x10000] =	vst v63  }
0x176: {  	_ = 	snop  }
0x177: {  	[hbm4b:s20+s2] =	stream.linear.scatter [tilespmem:s2], [sflag:$0x6], $0x8000, $0x38;
	[tilespmem:$0x10000] =	vst v63  }
0x178: {  	_ =	swait.ge [sflag:s22], $0x8000  }
0x179: {  	[sflag:s22] =	ssyncset.done $0x0  }
0x17a: {  	[sflag:s22] =	ssyncadd.s32 $0xFFFF8000  }
0x17b: {  	[hbm4b:s11+s2] =	stream.linear.scatter [tilespmem:s15], [sflag:$0x7], $0x8000, $0x38;
	[tilespmem:$0x10000] =	vst v63  }
0x17c: {  	_ = 	snop  }
0x17d: {  	[hbm4b:s12+s2] =	stream.linear.scatter [tilespmem:s15], [sflag:$0x8], $0x8000, $0x38;
	[tilespmem:$0x10000] =	vst v63  }
0x17e: {  	_ = 	snop  }
0x17f: {  	[hbm4b:s13+s2] =	stream.linear.scatter [tilespmem:s15], [sflag:$0x9], $0x8000, $0x38;
	[tilespmem:$0x10000] =	vst v63  }
0x180: {  	_ = 	snop  }
0x181: {  	[hbm4b:s16+s2] =	stream.linear.scatter [tilespmem:s15], [sflag:$0xA], $0x8000, $0x38;
	[tilespmem:$0x10000] =	vst v63  }
0x182: {  	_ =	swait.ge [sflag:s14], $0x8000  }
0x183: {  	[sflag:s14] =	ssyncset.done $0x0  }
0x184: {  	[sflag:s14] =	ssyncadd.s32 $0xFFFF8000  }
0x185: {  	_ =	swait.ge [sflag:s9], $0x8000  }
0x186: {  	[sflag:s9] =	ssyncset.done $0x0  }
0x187: {  	[sflag:s9] =	ssyncadd.s32 $0xFFFF8000  }
0x188: {  	_ =	swait.ge [sflag:s6], $0x8000  }
0x189: {  	[sflag:s6] =	ssyncset.done $0x0  }
0x18a: {  	[sflag:s6] =	ssyncadd.s32 $0xFFFF8000  }
0x18b: {  	_ =	swait.ge [sflag:s8], $0x8000  }
0x18c: {  	[sflag:s8] =	ssyncset.done $0x0  }
0x18d: {  	[sflag:s8] =	ssyncadd.s32 $0xFFFF8000  }
0x18e: {  	_ =	swait.ge [sflag:s7], $0x8000  }
0x18f: {  	[sflag:s7] =	ssyncset.done $0x0  }
0x190: {  	[sflag:s7] =	ssyncadd.s32 $0xFFFF8000  }
0x191: {  	_ =	swait.ge [sflag:s5], $0x8000  }
0x192: {  	[sflag:s5] =	ssyncset.done $0x0  }
0x193: {  	p1 =	sne.s32 s0, $0x1;
	[sflag:s5] =	ssyncadd.s32 $0xFFFF8000  }
.Ltmp2:
0x194: {  	_ =	swait.ge [sflag:s4], $0x8000;
	(pc) =	sbr.rel @p1 .LBB2_4-.Ltmp2, $4  }
0x195: {  	[sflag:s4] =	ssyncset.done $0x0  }
0x196: {  	[sflag:s4] =	ssyncadd.s32 $0xFFFF8000  }
0x197: {  	_ =	swait.ge [sflag:s3], $0x8000  }
0x198: {  	s0 =	sadd.s32 $0xFFFFFFFF, s0;
	s1 =	rddreg [dreg:$0x3];
	[sflag:s3] =	ssyncset.done $0x0  }
0x199: {  	s24 =	rddreg [dreg:$0x1a]  }
0x19a: {  	s10 =	rddreg [dreg:$0x2]  }
.LBB2_6:
0x19b: {  	[sflag:s3] =	ssyncadd.s32 @p0 $0xFFFF8000  }
0x19c: {  	[tilespmem:s2], [sflag:$0x1] =	stream.linear.gather [hbm4b:s1+s2], $0x8000, $0x38;
	[tilespmem:$0x10000] =	vst v63  }
0x19d: {  	s0 =	rddreg [dreg:$0x4]  }
0x19e: {  	[tilespmem:s15], [sflag:$0x2] =	stream.linear.gather [hbm4b:s0+s2], $0x8000, $0x38;
	[tilespmem:$0x10000] =	vst v63  }
0x19f: {  	_ =	swait.ge [sflag:s21], $0x8000  }
0x1a0: {  	[sflag:s21] =	ssyncset.done $0x0  }
0x1a1: {  	s1 =	rddreg [dreg:$0x1b];
	[sflag:s21] =	ssyncadd.s32 $0xFFFF8000  }
0x1a2: {  	[hbm4b:s1+s2] =	stream.linear.scatter [tilespmem:s2], [sflag:$0x3], $0x8000, $0x38;
	[tilespmem:$0x10000] =	vst v63  }
0x1a3: {  	s0 =	rddreg [dreg:$0x5]  }
0x1a4: {  	[hbm4b:s0+s2] =	stream.linear.scatter [tilespmem:s2], [sflag:$0x4], $0x8000, $0x38;
	[tilespmem:$0x10000] =	vst v63  }
0x1a5: {  	s1 =	rddreg [dreg:$0x6]  }
0x1a6: {  	[hbm4b:s1+s2] =	stream.linear.scatter [tilespmem:s2], [sflag:$0x5], $0x8000, $0x38;
	[tilespmem:$0x10000] =	vst v63  }
0x1a7: {  	s0 =	rddreg [dreg:$0x7]  }
0x1a8: {  	[hbm4b:s0+s2] =	stream.linear.scatter [tilespmem:s2], [sflag:$0x6], $0x8000, $0x38;
	[tilespmem:$0x10000] =	vst v63  }
0x1a9: {  	_ =	swait.ge [sflag:s14], $0x8000  }
0x1aa: {  	[sflag:s14] =	ssyncset.done $0x0  }
0x1ab: {  	[sflag:s14] =	ssyncadd.s32 $0xFFFF8000  }
0x1ac: {  	_ =	swait.ge [sflag:s9], $0x8000  }
0x1ad: {  	[sflag:s9] =	ssyncset.done $0x0  }
0x1ae: {  	[sflag:s9] =	ssyncadd.s32 $0xFFFF8000  }
0x1af: {  	_ =	swait.ge [sflag:s6], $0x8000  }
0x1b0: {  	[sflag:s6] =	ssyncset.done $0x0  }
0x1b1: {  	[sflag:s6] =	ssyncadd.s32 $0xFFFF8000  }
0x1b2: {  	_ =	swait.ge [sflag:s8], $0x8000  }
0x1b3: {  	[sflag:s8] =	ssyncset.done $0x0  }
0x1b4: {  	s1 =	rddreg [dreg:$0x8];
	[sflag:s8] =	ssyncadd.s32 $0xFFFF8000  }
0x1b5: {  	[tilespmem:s2], [sflag:$0x1] =	stream.linear.gather [hbm4b:s1+s2], $0x8000, $0x38;
	[tilespmem:$0x10000] =	vst v63  }
0x1b6: {  	_ =	swait.ge [sflag:s22], $0x8000  }
0x1b7: {  	[sflag:s22] =	ssyncset.done $0x0  }
0x1b8: {  	s0 =	rddreg [dreg:$0x9];
	[sflag:s22] =	ssyncadd.s32 $0xFFFF8000  }
0x1b9: {  	[hbm4b:s0+s2] =	stream.linear.scatter [tilespmem:s15], [sflag:$0x7], $0x8000, $0x38;
	[tilespmem:$0x10000] =	vst v63  }
0x1ba: {  	s1 =	rddreg [dreg:$0xa]  }
0x1bb: {  	[hbm4b:s1+s2] =	stream.linear.scatter [tilespmem:s15], [sflag:$0x8], $0x8000, $0x38;
	[tilespmem:$0x10000] =	vst v63  }
0x1bc: {  	s0 =	rddreg [dreg:$0xb]  }
0x1bd: {  	[hbm4b:s0+s2] =	stream.linear.scatter [tilespmem:s15], [sflag:$0x9], $0x8000, $0x38;
	[tilespmem:$0x10000] =	vst v63  }
0x1be: {  	s1 =	rddreg [dreg:$0xc]  }
0x1bf: {  	[hbm4b:s1+s2] =	stream.linear.scatter [tilespmem:s15], [sflag:$0xA], $0x8000, $0x38;
	[tilespmem:$0x10000] =	vst v63  }
0x1c0: {  	_ =	swait.ge [sflag:s7], $0x8000  }
0x1c1: {  	[sflag:s7] =	ssyncset.done $0x0  }
0x1c2: {  	[sflag:s7] =	ssyncadd.s32 $0xFFFF8000  }
0x1c3: {  	_ =	swait.ge [sflag:s5], $0x8000  }
0x1c4: {  	[sflag:s5] =	ssyncset.done $0x0  }
0x1c5: {  	[sflag:s5] =	ssyncadd.s32 $0xFFFF8000  }
0x1c6: {  	_ =	swait.ge [sflag:s4], $0x8000  }
0x1c7: {  	[sflag:s4] =	ssyncset.done $0x0  }
0x1c8: {  	[sflag:s4] =	ssyncadd.s32 $0xFFFF8000  }
0x1c9: {  	_ =	swait.ge [sflag:s3], $0x8000  }
0x1ca: {  	[sflag:s3] =	ssyncset.done $0x0  }
0x1cb: {  	s1 =	rddreg [dreg:$0xd];
	[sflag:s3] =	ssyncadd.s32 $0xFFFF8000  }
0x1cc: {  	[tilespmem:s15], [sflag:$0x2] =	stream.linear.gather [hbm4b:s1+s2], $0x8000, $0x38;
	[tilespmem:$0x10000] =	vst v63  }
0x1cd: {  	_ =	swait.ge [sflag:s21], $0x8000  }
0x1ce: {  	[sflag:s21] =	ssyncset.done $0x0  }
0x1cf: {  	s0 =	rddreg [dreg:$0xe];
	[sflag:s21] =	ssyncadd.s32 $0xFFFF8000  }
0x1d0: {  	[hbm4b:s0+s2] =	stream.linear.scatter [tilespmem:s2], [sflag:$0x3], $0x8000, $0x38;
	[tilespmem:$0x10000] =	vst v63  }
0x1d1: {  	s1 =	rddreg [dreg:$0xf]  }
0x1d2: {  	[hbm4b:s1+s2] =	stream.linear.scatter [tilespmem:s2], [sflag:$0x4], $0x8000, $0x38;
	[tilespmem:$0x10000] =	vst v63  }
0x1d3: {  	s0 =	rddreg [dreg:$0x10]  }
0x1d4: {  	[hbm4b:s0+s2] =	stream.linear.scatter [tilespmem:s2], [sflag:$0x5], $0x8000, $0x38;
	[tilespmem:$0x10000] =	vst v63  }
0x1d5: {  	s1 =	rddreg [dreg:$0x11]  }
0x1d6: {  	[hbm4b:s1+s2] =	stream.linear.scatter [tilespmem:s2], [sflag:$0x6], $0x8000, $0x38;
	[tilespmem:$0x10000] =	vst v63  }
0x1d7: {  	_ =	swait.ge [sflag:s14], $0x8000  }
0x1d8: {  	[sflag:s14] =	ssyncset.done $0x0  }
0x1d9: {  	[sflag:s14] =	ssyncadd.s32 $0xFFFF8000  }
0x1da: {  	_ =	swait.ge [sflag:s9], $0x8000  }
0x1db: {  	[sflag:s9] =	ssyncset.done $0x0  }
0x1dc: {  	[sflag:s9] =	ssyncadd.s32 $0xFFFF8000  }
0x1dd: {  	_ =	swait.ge [sflag:s6], $0x8000  }
0x1de: {  	[sflag:s6] =	ssyncset.done $0x0  }
0x1df: {  	[sflag:s6] =	ssyncadd.s32 $0xFFFF8000  }
0x1e0: {  	_ =	swait.ge [sflag:s8], $0x8000  }
0x1e1: {  	[sflag:s8] =	ssyncset.done $0x0  }
0x1e2: {  	s1 =	rddreg [dreg:$0x12];
	[sflag:s8] =	ssyncadd.s32 $0xFFFF8000  }
0x1e3: {  	[tilespmem:s2], [sflag:$0x1] =	stream.linear.gather [hbm4b:s1+s2], $0x8000, $0x38;
	[tilespmem:$0x10000] =	vst v63  }
0x1e4: {  	_ =	swait.ge [sflag:s22], $0x8000  }
0x1e5: {  	[sflag:s22] =	ssyncset.done $0x0  }
0x1e6: {  	s0 =	rddreg [dreg:$0x13];
	[sflag:s22] =	ssyncadd.s32 $0xFFFF8000  }
0x1e7: {  	[hbm4b:s0+s2] =	stream.linear.scatter [tilespmem:s15], [sflag:$0x7], $0x8000, $0x38;
	[tilespmem:$0x10000] =	vst v63  }
0x1e8: {  	s1 =	rddreg [dreg:$0x14]  }
0x1e9: {  	[hbm4b:s1+s2] =	stream.linear.scatter [tilespmem:s15], [sflag:$0x8], $0x8000, $0x38;
	[tilespmem:$0x10000] =	vst v63  }
0x1ea: {  	s0 =	rddreg [dreg:$0x15]  }
0x1eb: {  	[hbm4b:s0+s2] =	stream.linear.scatter [tilespmem:s15], [sflag:$0x9], $0x8000, $0x38;
	[tilespmem:$0x10000] =	vst v63  }
0x1ec: {  	s1 =	rddreg [dreg:$0x16]  }
0x1ed: {  	[hbm4b:s1+s2] =	stream.linear.scatter [tilespmem:s15], [sflag:$0xA], $0x8000, $0x38;
	[tilespmem:$0x10000] =	vst v63  }
0x1ee: {  	_ =	swait.ge [sflag:s7], $0x8000  }
0x1ef: {  	[sflag:s7] =	ssyncset.done $0x0  }
0x1f0: {  	[sflag:s7] =	ssyncadd.s32 $0xFFFF8000  }
0x1f1: {  	_ =	swait.ge [sflag:s5], $0x8000  }
0x1f2: {  	[sflag:s5] =	ssyncset.done $0x0  }
0x1f3: {  	[sflag:s5] =	ssyncadd.s32 $0xFFFF8000  }
0x1f4: {  	_ =	swait.ge [sflag:s4], $0x8000  }
0x1f5: {  	[sflag:s4] =	ssyncset.done $0x0  }
0x1f6: {  	[sflag:s4] =	ssyncadd.s32 $0xFFFF8000  }
0x1f7: {  	_ =	swait.ge [sflag:s3], $0x8000  }
0x1f8: {  	[sflag:s3] =	ssyncset.done $0x0  }
0x1f9: {  	s1 =	rddreg [dreg:$0x17];
	[sflag:s3] =	ssyncadd.s32 $0xFFFF8000  }
0x1fa: {  	[tilespmem:s15], [sflag:$0x2] =	stream.linear.gather [hbm4b:s1+s2], $0x8000, $0x38;
	[tilespmem:$0x10000] =	vst v63  }
0x1fb: {  	_ =	swait.ge [sflag:s21], $0x8000  }
0x1fc: {  	[sflag:s21] =	ssyncset.done $0x0  }
0x1fd: {  	s0 =	rddreg [dreg:$0x18];
	[sflag:s21] =	ssyncadd.s32 $0xFFFF8000  }
0x1fe: {  	[hbm4b:s0+s2] =	stream.linear.scatter [tilespmem:s2], [sflag:$0x3], $0x8000, $0x38;
	[tilespmem:$0x10000] =	vst v63  }
0x1ff: {  	s1 =	rddreg [dreg:$0x19]  }
0x200: {  	[hbm4b:s1+s2] =	stream.linear.scatter [tilespmem:s2], [sflag:$0x4], $0x8000, $0x38;
	[tilespmem:$0x10000] =	vst v63  }
0x201: {  	_ = 	snop  }
0x202: {  	[hbm4b:s30+s2] =	stream.linear.scatter [tilespmem:s2], [sflag:$0x5], $0x8000, $0x38;
	[tilespmem:$0x10000] =	vst v63  }
0x203: {  	_ = 	snop  }
0x204: {  	[hbm4b:s31+s2] =	stream.linear.scatter [tilespmem:s2], [sflag:$0x6], $0x8000, $0x38;
	[tilespmem:$0x10000] =	vst v63  }
0x205: {  	_ =	swait.ge [sflag:s14], $0x8000  }
0x206: {  	[sflag:s14] =	ssyncset.done $0x0  }
0x207: {  	[sflag:s14] =	ssyncadd.s32 $0xFFFF8000  }
0x208: {  	_ =	swait.ge [sflag:s9], $0x8000  }
0x209: {  	[sflag:s9] =	ssyncset.done $0x0  }
0x20a: {  	[sflag:s9] =	ssyncadd.s32 $0xFFFF8000  }
0x20b: {  	_ =	swait.ge [sflag:s6], $0x8000  }
0x20c: {  	[sflag:s6] =	ssyncset.done $0x0  }
0x20d: {  	[sflag:s6] =	ssyncadd.s32 $0xFFFF8000  }
0x20e: {  	_ =	swait.ge [sflag:s8], $0x8000  }
0x20f: {  	[sflag:s8] =	ssyncset.done $0x0  }
0x210: {  	[sflag:s8] =	ssyncadd.s32 $0xFFFF8000  }
0x211: {  	[tilespmem:s2], [sflag:$0x1] =	stream.linear.gather [hbm4b:s29+s2], $0x8000, $0x38;
	[tilespmem:$0x10000] =	vst v63  }
0x212: {  	_ =	swait.ge [sflag:s22], $0x8000  }
0x213: {  	[sflag:s22] =	ssyncset.done $0x0  }
0x214: {  	[sflag:s22] =	ssyncadd.s32 $0xFFFF8000  }
0x215: {  	[hbm4b:s24+s2] =	stream.linear.scatter [tilespmem:s15], [sflag:$0x7], $0x8000, $0x38;
	[tilespmem:$0x10000] =	vst v63  }
0x216: {  	_ = 	snop  }
0x217: {  	[hbm4b:s25+s2] =	stream.linear.scatter [tilespmem:s15], [sflag:$0x8], $0x8000, $0x38;
	[tilespmem:$0x10000] =	vst v63  }
0x218: {  	_ = 	snop  }
0x219: {  	[hbm4b:s26+s2] =	stream.linear.scatter [tilespmem:s15], [sflag:$0x9], $0x8000, $0x38;
	[tilespmem:$0x10000] =	vst v63  }
0x21a: {  	_ = 	snop  }
0x21b: {  	[hbm4b:s28+s2] =	stream.linear.scatter [tilespmem:s15], [sflag:$0xA], $0x8000, $0x38;
	[tilespmem:$0x10000] =	vst v63  }
0x21c: {  	_ =	swait.ge [sflag:s7], $0x8000  }
0x21d: {  	[sflag:s7] =	ssyncset.done $0x0  }
0x21e: {  	[sflag:s7] =	ssyncadd.s32 $0xFFFF8000  }
0x21f: {  	_ =	swait.ge [sflag:s5], $0x8000  }
0x220: {  	[sflag:s5] =	ssyncset.done $0x0  }
0x221: {  	[sflag:s5] =	ssyncadd.s32 $0xFFFF8000  }
0x222: {  	_ =	swait.ge [sflag:s4], $0x8000  }
0x223: {  	[sflag:s4] =	ssyncset.done $0x0  }
0x224: {  	[sflag:s4] =	ssyncadd.s32 $0xFFFF8000  }
0x225: {  	_ =	swait.ge [sflag:s3], $0x8000  }
0x226: {  	[sflag:s3] =	ssyncset.done $0x0  }
0x227: {  	[sflag:s3] =	ssyncadd.s32 $0xFFFF8000  }
0x228: {  	[tilespmem:s15], [sflag:$0x2] =	stream.linear.gather [hbm4b:s23+s2], $0x8000, $0x38;
	[tilespmem:$0x10000] =	vst v63  }
0x229: {  	_ =	swait.ge [sflag:s21], $0x8000  }
0x22a: {  	[sflag:s21] =	ssyncset.done $0x0  }
0x22b: {  	[sflag:s21] =	ssyncadd.s32 $0xFFFF8000  }
0x22c: {  	[hbm4b:s17+s2] =	stream.linear.scatter [tilespmem:s2], [sflag:$0x3], $0x8000, $0x38;
	[tilespmem:$0x10000] =	vst v63  }
0x22d: {  	_ = 	snop  }
0x22e: {  	[hbm4b:s18+s2] =	stream.linear.scatter [tilespmem:s2], [sflag:$0x4], $0x8000, $0x38;
	[tilespmem:$0x10000] =	vst v63  }
0x22f: {  	_ = 	snop  }
0x230: {  	[hbm4b:s19+s2] =	stream.linear.scatter [tilespmem:s2], [sflag:$0x5], $0x8000, $0x38;
	[tilespmem:$0x10000] =	vst v63  }
0x231: {  	_ = 	snop  }
0x232: {  	[hbm4b:s20+s2] =	stream.linear.scatter [tilespmem:s2], [sflag:$0x6], $0x8000, $0x38;
	[tilespmem:$0x10000] =	vst v63  }
0x233: {  	_ =	swait.ge [sflag:s22], $0x8000  }
0x234: {  	[sflag:s22] =	ssyncset.done $0x0  }
0x235: {  	[sflag:s22] =	ssyncadd.s32 $0xFFFF8000  }
0x236: {  	[hbm4b:s11+s2] =	stream.linear.scatter [tilespmem:s15], [sflag:$0x7], $0x8000, $0x38;
	[tilespmem:$0x10000] =	vst v63  }
0x237: {  	_ = 	snop  }
0x238: {  	[hbm4b:s12+s2] =	stream.linear.scatter [tilespmem:s15], [sflag:$0x8], $0x8000, $0x38;
	[tilespmem:$0x10000] =	vst v63  }
0x239: {  	_ = 	snop  }
0x23a: {  	[hbm4b:s13+s2] =	stream.linear.scatter [tilespmem:s15], [sflag:$0x9], $0x8000, $0x38;
	[tilespmem:$0x10000] =	vst v63  }
0x23b: {  	_ = 	snop  }
0x23c: {  	[hbm4b:s16+s2] =	stream.linear.scatter [tilespmem:s15], [sflag:$0xA], $0x8000, $0x38;
	[tilespmem:$0x10000] =	vst v63  }
0x23d: {  	_ =	swait.ge [sflag:s14], $0x8000  }
0x23e: {  	[sflag:s14] =	ssyncset.done $0x0  }
0x23f: {  	[sflag:s14] =	ssyncadd.s32 $0xFFFF8000  }
0x240: {  	_ =	swait.ge [sflag:s9], $0x8000  }
0x241: {  	[sflag:s9] =	ssyncset.done $0x0  }
0x242: {  	[sflag:s9] =	ssyncadd.s32 $0xFFFF8000  }
0x243: {  	_ =	swait.ge [sflag:s6], $0x8000  }
0x244: {  	[sflag:s6] =	ssyncset.done $0x0  }
0x245: {  	[sflag:s6] =	ssyncadd.s32 $0xFFFF8000  }
0x246: {  	_ =	swait.ge [sflag:s8], $0x8000  }
0x247: {  	[sflag:s8] =	ssyncset.done $0x0  }
0x248: {  	[sflag:s8] =	ssyncadd.s32 $0xFFFF8000  }
0x249: {  	_ =	swait.ge [sflag:s7], $0x8000  }
0x24a: {  	[sflag:s7] =	ssyncset.done $0x0  }
0x24b: {  	[sflag:s7] =	ssyncadd.s32 $0xFFFF8000  }
0x24c: {  	_ =	swait.ge [sflag:s5], $0x8000  }
0x24d: {  	[sflag:s5] =	ssyncset.done $0x0  }
0x24e: {  	[sflag:s5] =	ssyncadd.s32 $0xFFFF8000  }
0x24f: {  	_ =	swait.ge [sflag:s4], $0x8000  }
0x250: {  	[sflag:s4] =	ssyncset.done $0x0  }
0x251: {  	[sflag:s4] =	ssyncadd.s32 $0xFFFF8000  }
0x252: {  	_ =	swait.ge [sflag:s3], $0x8000  }
0x253: {  	[sflag:s3] =	ssyncset.done $0x0  }
0x254: {  	[sflag:s3] =	ssyncadd.s32 $0xFFFF8000  }
0x255: {  	_ =	sfence.sel $0x180000  }
0x256: {  	s31 =	stileid.u32;
	[bflag:$0x0] =	sbarrier.arrive $0xFFFF  }
0x257: {  	p0 =	sne.s32 s31, $0x0;
	_ =	strace $0x90000047  }
0x258: {  	s0 =	sadd.s32 @!p0 $0x100000, s10;
	[bflag:$0x2] =	sbarrier.arrive $0xFFFF  }
0x259: {  	[sflag:s0] =	ssyncadd.tile.s32 @!p0 $0x1;
	_ =	shalt  }
.LBB2_1:
.Ltmp3:
0x25a: {  	(pc) =	sbr.rel .LBB2_6-.Ltmp3, $2  }
0x25b: {  	_ =	sdelay $0x2  }
0x25c: {  	s24 =	rddreg [dreg:$0x1a]  }
.LBB2_3:
.Ltmp4:
0x25d: {  	(pc) =	sbr.rel .LBB2_6-.Ltmp4, $3  }
0x25e: {  	_ =	sdelay $0x1  }
0x25f: {  	s24 =	rddreg [dreg:$0x1a]  }
0x260: {  	s10 =	rddreg [dreg:$0x2]  }
.Lfunc_end2:
_tile_overlayer_lowered:
.L_overlay_start_2:
0x261: {  	(tag) =	ssettag $0x2  }
0x262: {  	s0 =	rddreg [dreg:$0x0];
	s2 =	stileid.u32  }
0x263: {  	s1 =	rddreg [dreg:$0x1];
	p0 =	sne.s32 s2, $0x0  }
0x264: {  	s3 =	rddreg [dreg:$0x2];
	[bflag:$0x3] =	sbarrier.arrive $0xFFFF;
	s2 =	simm.s32 @!p0 $0x1C0B  }
0x265: {  	[timem:s3], [sflag:s2] =	dma.local @!p0 [hbm:s0], s1  }
0x266: {  	s0 =	simm.s32 @!p0 $0xB  }
0x267: {  	_ =	swait.ge @!p0 [sflag:s0], s1  }
0x268: {  	s1 =	ssub.s32 @!p0 $0x0, s1;
	[sflag:s0] =	ssyncset.done @!p0 $0x0  }
0x269: {  	[sflag:s0] =	ssyncadd.s32 @!p0 s1  }
0x26a: {  	[bflag:$0x3] =	sbarrier.arrive $0xFFFF  }
0x26b: {  	_ =	shalt  }

</sc_bundles>
